<compile_context>
chip_gen: v7x
topology: tpu7x:2x2x1
jax: 0.10.2.dev20260603
libtpu: 0.0.44.dev20260713+nightly
codegen_flags: <defaults>
</compile_context>

<pallas_src>
import functools

import jax
import jax.numpy as jnp
from jax import lax
from jax.experimental import pallas as pl
from jax.experimental.pallas import tpu as pltpu
from jax.experimental.pallas import tpu_sc as plsc

ALPHA = 0.7
BETA = 1.5
N = 8192
D = 64
C = 16
W = 16
PPW = N // W
P2 = PPW // 2
NG = PPW // 16
NG2 = P2 // 16


def _sqrt16(s):
  s = jnp.maximum(s, 1e-30)
  i = lax.bitcast_convert_type(s, jnp.int32)
  i = jnp.int32(0x5F3759DF) - lax.shift_right_logical(i, 1)
  y = lax.bitcast_convert_type(i, jnp.float32)
  for _ in range(3):
    y = y * (1.5 - 0.5 * s * y * y)
  return s * y


def _saloss_body(emb_hbm, lab_hbm, pts_hbm, out_hbm,
                 emb_v, lab_v, pts_v, g_v, acc_v, sums_v,
                 meanT_v, w_v, buf2_v, red2_v, idx80_v, idx16_v, obuf_v,
                 sh1_v, sh2_v, dma_sem):
  cid = lax.axis_index("c")
  sid = lax.axis_index("s")
  base = sid * PPW
  base2 = base + cid * P2
  loc2 = cid * P2
  iota = lax.iota(jnp.int32, 16)
  zero16 = jnp.zeros((16,), jnp.float32)

  with jax.named_scope("ph_stage_in"):
    emb_cp = pltpu.async_copy(
        emb_hbm.at[pl.ds(base * D, PPW * D)], emb_v, dma_sem)
    pltpu.sync_copy(lab_hbm.at[pl.ds(base, PPW)], lab_v)
    pltpu.sync_copy(pts_hbm.at[pl.ds(base2 * 3, P2 * 3)], pts_v)

  @plsc.parallel_loop(0, 80)
  def _zero_acc(r):
    acc_v[r, :] = zero16

  @plsc.parallel_loop(0, 16)
  def _zero_b2(r):
    buf2_v[r, :] = zero16

  @plsc.parallel_loop(0, 5)
  def _fill_idx(r):
    idx80_v[pl.ds(r * 16, 16)] = iota + r * 16
  idx16_v[...] = iota

  @pl.when(sid == 0)
  def _zero_shared():
    pltpu.sync_copy(acc_v, sh1_v)
    pltpu.sync_copy(buf2_v, sh2_v)

  iota3 = iota * 3
  with jax.named_scope("ph_g"):
    @plsc.parallel_loop(0, NG2)
    def _g(j):
      b = j * 48
      px = plsc.load_gather(pts_v, [iota3 + b])
      py = plsc.load_gather(pts_v, [iota3 + b + 1])
      pz = plsc.load_gather(pts_v, [iota3 + b + 2])
      nrm = _sqrt16(px * px + py * py + pz * pz)
      g_v[pl.ds(j * 16, 16)] = 1.0 / (1.0 + jnp.exp(-nrm))

  emb_cp.wait()

  with jax.named_scope("ph_pass1"):
    @plsc.parallel_loop(0, NG)
    def _p1(j):
      lv = lab_v[pl.ds(j * 16, 16)]
      off = j * (16 * D)
      onehot_sum = zero16
      for jj in range(16):
        l = lv[jj]
        for k in range(4):
          v = emb_v[pl.ds(off + jj * D + k * 16, 16)]
          plsc.addupdate(acc_v.at[l * 4 + k], v)
        onehot_sum = onehot_sum + jnp.where(iota == l, 1.0, 0.0)
      plsc.addupdate(acc_v.at[64], onehot_sum)

  with jax.named_scope("ph_reduce1"):
    plsc.subcore_barrier()
    pltpu.sync_copy(acc_v, sh1_v.at[idx80_v], add=True)
    plsc.subcore_barrier()
    pltpu.sync_copy(sh1_v, sums_v)

  cnt = sums_v[64, :]
  iota_f = iota.astype(jnp.float32)
  Ms = jnp.sum(jnp.where(cnt > 0.0, 1.0, 0.0))
  gate = jnp.logical_and(iota_f >= 1.0, iota_f < Ms)
  w = jnp.where(gate, 1.0 / cnt, 0.0)
  w_v[...] = w

  iota64 = iota * 64
  iota4 = iota * 4
  @plsc.parallel_loop(0, D)
  def _mt(dd):
    rows = iota4 + lax.shift_right_logical(dd, 4)
    cols = jnp.full((16,), dd & 15, jnp.int32)
    meanT_v[dd, :] = plsc.load_gather(sums_v, [rows, cols]) * w

  with jax.named_scope("ph_pass2"):
    @plsc.parallel_loop(0, NG2, carry=zero16)
    def _p2(j, intra):
      lv = lab_v[pl.ds(loc2 + j * 16, 16)]
      ebv = iota64 + (loc2 + j * 16) * D

      def _dim(d8, dsq2):
        a, b = dsq2
        for k in range(8):
          d = d8 * 8 + k
          ev = plsc.load_gather(emb_v, [ebv + d])
          mv = meanT_v[d, :].at[lv].get(mode="promise_in_bounds")
          diff = ev - mv
          if k % 2 == 0:
            a = a + diff * diff
          else:
            b = b + diff * diff
        return (a, b)
      dsqa, dsqb = lax.fori_loop(0, 8, _dim, (zero16, zero16))
      dsq = dsqa + dsqb

      t = jnp.maximum(_sqrt16(dsq) - ALPHA, 0.0)
      val = g_v[pl.ds(j * 16, 16)] * t * t
      wv = plsc.load_gather(w_v, [lv])
      return intra + val * wv
    intra_vec = _p2

  rcs = w.at[jnp.full((16,), sid, jnp.int32)].get(mode="promise_in_bounds")
  def _irow(d16, dsq):
    mi = sums_v[sid * 4 + d16, :] * rcs
    for k in range(16):
      diff = meanT_v[d16 * 16 + k, :] - mi[k]
      dsq = dsq + diff * diff
    return dsq
  dsq2 = lax.fori_loop(0, 4, _irow, zero16)
  hin = jnp.maximum(BETA - _sqrt16(dsq2), 0.0)
  hin = hin * hin
  gate_j = jnp.logical_and(gate, iota != sid)
  widf = lax.convert_element_type(sid, jnp.float32)
  ok_i = jnp.logical_and(jnp.logical_and(sid >= 1, widf < Ms), cid == 0)
  gate_i = jnp.where(ok_i, 1.0, 0.0)
  inter_vec = jnp.where(gate_j, hin, 0.0) * gate_i

  buf2_v[0, :] = intra_vec
  buf2_v[1, :] = inter_vec
  pltpu.sync_copy(buf2_v, sh2_v.at[idx16_v], add=True)
  plsc.subcore_barrier()

  @pl.when(jnp.logical_and(sid == 0, cid == 0))
  def _final0():
    pltpu.sync_copy(sh2_v, red2_v)
    obuf_v[0, :] = red2_v[0, :]
    obuf_v[1, :] = red2_v[1, :]
    obuf_v[2, :] = zero16 + Ms
    pltpu.sync_copy(obuf_v, out_hbm.at[pl.ds(0, 3)])

  @pl.when(jnp.logical_and(sid == 0, cid == 1))
  def _final1():
    pltpu.sync_copy(sh2_v, red2_v)
    obuf_v[0, :] = red2_v[0, :]
    obuf_v[1, :] = red2_v[1, :]
    pltpu.sync_copy(obuf_v.at[pl.ds(0, 2)], out_hbm.at[pl.ds(3, 2)])


@functools.cache
def _build_saloss_sc():
  mesh = plsc.VectorSubcoreMesh(
      core_axis_name="c", subcore_axis_name="s", num_cores=2, num_subcores=16
  )
  return pl.kernel(
      _saloss_body,
      out_type=jax.ShapeDtypeStruct((5, 16), jnp.float32),
      mesh=mesh,
      compiler_params=pltpu.CompilerParams(
          use_tc_tiling_on_sc=False, needs_layout_passes=False,
          disable_bounds_checks=True, disable_semaphore_checks=True,
      ),
      scratch_types=[
          pltpu.VMEM((PPW * D,), jnp.float32),
          pltpu.VMEM((PPW,), jnp.int32),
          pltpu.VMEM((P2 * 3,), jnp.float32),
          pltpu.VMEM((P2,), jnp.float32),
          pltpu.VMEM((80, 16), jnp.float32),
          pltpu.VMEM((80, 16), jnp.float32),
          pltpu.VMEM((D, 16), jnp.float32),
          pltpu.VMEM((16,), jnp.float32),
          pltpu.VMEM((16, 16), jnp.float32),
          pltpu.VMEM((16, 16), jnp.float32),
          pltpu.VMEM((80,), jnp.int32),
          pltpu.VMEM((16,), jnp.int32),
          pltpu.VMEM((3, 16), jnp.float32),
          pltpu.VMEM_SHARED((80, 16), jnp.float32),
          pltpu.VMEM_SHARED((16, 16), jnp.float32),
          pltpu.SemaphoreType.DMA,
      ],
  )


def kernel(points, true, embedding):
  emb = embedding.reshape(N * D)
  lab = true.reshape(N)
  pts = points.reshape(N * 3)
  o = _build_saloss_sc()(emb, lab, pts)
  intra = jnp.sum(o[0] + o[3])
  inter = jnp.sum(o[1] + o[4])
  m = o[2, 0]
  res = intra / m + inter / (m * (m - 1.0))
  return res.reshape(1)

# --- scband reference (transcript-rebuilt; emitter-appended) ---
"""Pipeline reference for scband-saloss-45251775431141 (READ-ONLY COPY).

The authoritative reference and input builder live on the scoring server;
editing this copy changes nothing except your own understanding.
"""

import jax, jax.numpy as jnp
import numpy as np

ALPHA = 0.7
BETA = 1.5


def setup_inputs(seed: int = 0) -> dict:
    key = jax.random.key(seed)
    k1, k2, k3 = jax.random.split(key, 3)
    points = jax.random.normal(k1, (1, 8192, 3), dtype=jnp.float32)
    true = jax.random.randint(k2, (1, 8192), 0, 16, dtype=jnp.int32)
    embedding = jax.random.normal(k3, (1, 8192, 64), dtype=jnp.float32)
    return {"points": points, "true": true, "embedding": embedding}


def reference(points, true, embedding):
    MAXC = 16
    labels = jnp.arange(MAXC, dtype=true.dtype)
    present = jnp.any(true[:, :, None] == labels[None, None, :], axis=(0, 1))
    M = jnp.sum(present.astype(jnp.int32))
    weight = [1] * MAXC
    g = jax.nn.sigmoid(jnp.sqrt(jnp.sum(points ** 2, axis=-1)))
    intra = 0.0
    mean_emb = []
    for i in range(1, MAXC):
        mask = (true == i).astype(embedding.dtype)
        count = jnp.sum(mask, axis=1)
        mean_emb_i = jnp.sum(embedding * mask[:, :, None], axis=1) / count[:, None]
        mean_emb.append(mean_emb_i)
        d = jnp.sqrt(jnp.sum((embedding - mean_emb_i[:, None, :]) ** 2, axis=-1))
        sq = jnp.square(jnp.maximum(d - ALPHA, 0.0))
        term = jnp.sum(mask * (weight[i] * g * sq)) / jnp.sum(mask)
        intra = intra + jnp.where(i < M, term, 0.0)
    mean_emb = jnp.stack(mean_emb, axis=1)
    inter = 0.0
    for i in range(1, MAXC):
        for j in range(1, MAXC):
            if i != j:
                dij = jnp.sqrt(jnp.sum((mean_emb[:, i - 1] - mean_emb[:, j - 1]) ** 2, axis=-1))
                contrib = jnp.square(jnp.maximum(BETA - dij, 0.0))
                inter = inter + jnp.where((i < M) & (j < M), contrib, 0.0)
    return intra / M + inter / (M * (M - 1))

if __name__ == "__main__":
    import jax
    _d = setup_inputs()
    print(jax.jit(kernel)(*tuple(_d.values())))

</pallas_src>

<mosaic_0001>
#map = affine_map<(d0, d1) -> (0)>
#map1 = affine_map<(d0, d1) -> (0, 0)>
module attributes {stable_mosaic.version = 14 : i64} {
  func.func @_saloss_body(%arg0: i32, %arg1: i32, %arg2: memref<524288xf32, #tpu.memory_space<hbm>>, %arg3: memref<8192xi32, #tpu.memory_space<hbm>>, %arg4: memref<24576xf32, #tpu.memory_space<hbm>>, %arg5: memref<5x16xf32, #tpu.memory_space<hbm>>, %arg6: memref<32768xf32, #tpu.memory_space<vmem>>, %arg7: memref<512xi32, #tpu.memory_space<vmem>>, %arg8: memref<768xf32, #tpu.memory_space<vmem>>, %arg9: memref<256xf32, #tpu.memory_space<vmem>>, %arg10: memref<80x16xf32, #tpu.memory_space<vmem>>, %arg11: memref<80x16xf32, #tpu.memory_space<vmem>>, %arg12: memref<64x16xf32, #tpu.memory_space<vmem>>, %arg13: memref<16xf32, #tpu.memory_space<vmem>>, %arg14: memref<16x16xf32, #tpu.memory_space<vmem>>, %arg15: memref<16x16xf32, #tpu.memory_space<vmem>>, %arg16: memref<80xi32, #tpu.memory_space<vmem>>, %arg17: memref<16xi32, #tpu.memory_space<vmem>>, %arg18: memref<3x16xf32, #tpu.memory_space<vmem>>, %arg19: memref<80x16xf32, #tpu.memory_space<vmem_shared>>, %arg20: memref<16x16xf32, #tpu.memory_space<vmem_shared>>, %arg21: memref<!tpu.dma_semaphore, #tpu.memory_space<semaphore_mem>>) attributes {dimension_semantics = [#tpu.dimension_semantics<core_parallel>, #tpu.dimension_semantics<subcore_parallel>], iteration_bounds = array<i64: 2, 16>, scalar_prefetch = 0 : i64, scratch_operands = 16 : i64, tpu.core_type = #tpu.core_type<sc_vector_subcore>, window_params = [{transform_indices = #map}, {transform_indices = #map}, {transform_indices = #map}, {transform_indices = #map1}]} {
    %mul3A = arith.constant 512 : i32
    %mul3A_0 = arith.muli %arg1, %mul3A : i32
    %mul3A_1 = arith.constant 256 : i32
    %mul3A_2 = arith.muli %arg0, %mul3A_1 : i32
    %add3A = arith.addi %mul3A_0, %mul3A_2 : i32
    %mul3A_3 = arith.constant 256 : i32
    %mul3A_4 = arith.muli %arg0, %mul3A_3 : i32
    %iota3A = tpu.iota {dimensions = array<i32: 0>} : vector<16xi32>
    %broadcast_in_dim3A = arith.constant 0.000000e+00 : f32
    %broadcast_in_dim3A_5 = vector.broadcast %broadcast_in_dim3A : f32 to vector<16xf32>
    "tpu.trace_start"() <{level = 10 : i32, message = "ph_stage_in"}> : () -> ()
    %mul3A_6 = arith.constant 64 : i32
    %mul3A_7 = arith.muli %mul3A_0, %mul3A_6 : i32
    %dma_start3A = tpu.memref_slice %arg2[%mul3A_7] : memref<524288xf32, #tpu.memory_space<hbm>> -> memref<32768xf32, #tpu.memory_space<hbm>>
    %dma_start3A_8 = tpu.memref_slice %arg2[%mul3A_7] : memref<524288xf32, #tpu.memory_space<hbm>> -> memref<32768xf32, #tpu.memory_space<hbm>>
    tpu.enqueue_dma source(%dma_start3A_8 : memref<32768xf32, #tpu.memory_space<hbm>>) target(%arg6 : memref<32768xf32, #tpu.memory_space<vmem>>) target_semaphore(%arg21 : memref<!tpu.dma_semaphore, #tpu.memory_space<semaphore_mem>>)
    "tpu.region"() ({
      %run_scoped3A = tpu.sem_alloc : memref<!tpu.dma_semaphore, #tpu.memory_space<semaphore_mem>>
      %dma_start3A_168 = tpu.memref_slice %arg3[%mul3A_0] : memref<8192xi32, #tpu.memory_space<hbm>> -> memref<512xi32, #tpu.memory_space<hbm>>
      %dma_start3A_169 = tpu.memref_slice %arg3[%mul3A_0] : memref<8192xi32, #tpu.memory_space<hbm>> -> memref<512xi32, #tpu.memory_space<hbm>>
      tpu.enqueue_dma source(%dma_start3A_169 : memref<512xi32, #tpu.memory_space<hbm>>) target(%arg7 : memref<512xi32, #tpu.memory_space<vmem>>) target_semaphore(%run_scoped3A : memref<!tpu.dma_semaphore, #tpu.memory_space<semaphore_mem>>)
      %dma_wait3A_170 = tpu.memref_slice %arg3[%mul3A_0] : memref<8192xi32, #tpu.memory_space<hbm>> -> memref<512xi32, #tpu.memory_space<hbm>>
      %dma_wait3A_171 = tpu.memref_slice %arg3[%mul3A_0] : memref<8192xi32, #tpu.memory_space<hbm>> -> memref<512xi32, #tpu.memory_space<hbm>>
      tpu.wait_dma2 semaphore(%run_scoped3A : memref<!tpu.dma_semaphore, #tpu.memory_space<semaphore_mem>>) src(%dma_wait3A_171 : memref<512xi32, #tpu.memory_space<hbm>>) dst(%arg7 : memref<512xi32, #tpu.memory_space<vmem>>)
      tpu.yield
    }) : () -> ()
    %mul3A_9 = arith.constant 3 : i32
    %mul3A_10 = arith.muli %add3A, %mul3A_9 : i32
    "tpu.region"() ({
      %run_scoped3A = tpu.sem_alloc : memref<!tpu.dma_semaphore, #tpu.memory_space<semaphore_mem>>
      %dma_start3A_168 = tpu.memref_slice %arg4[%mul3A_10] : memref<24576xf32, #tpu.memory_space<hbm>> -> memref<768xf32, #tpu.memory_space<hbm>>
      %dma_start3A_169 = tpu.memref_slice %arg4[%mul3A_10] : memref<24576xf32, #tpu.memory_space<hbm>> -> memref<768xf32, #tpu.memory_space<hbm>>
      tpu.enqueue_dma source(%dma_start3A_169 : memref<768xf32, #tpu.memory_space<hbm>>) target(%arg8 : memref<768xf32, #tpu.memory_space<vmem>>) target_semaphore(%run_scoped3A : memref<!tpu.dma_semaphore, #tpu.memory_space<semaphore_mem>>)
      %dma_wait3A_170 = tpu.memref_slice %arg4[%mul3A_10] : memref<24576xf32, #tpu.memory_space<hbm>> -> memref<768xf32, #tpu.memory_space<hbm>>
      %dma_wait3A_171 = tpu.memref_slice %arg4[%mul3A_10] : memref<24576xf32, #tpu.memory_space<hbm>> -> memref<768xf32, #tpu.memory_space<hbm>>
      tpu.wait_dma2 semaphore(%run_scoped3A : memref<!tpu.dma_semaphore, #tpu.memory_space<semaphore_mem>>) src(%dma_wait3A_171 : memref<768xf32, #tpu.memory_space<hbm>>) dst(%arg8 : memref<768xf32, #tpu.memory_space<vmem>>)
      tpu.yield
    }) : () -> ()
    %parallel_loop3A = arith.constant 0 : i32
    %parallel_loop3A_11 = arith.constant 80 : i32
    %parallel_loop3A_12 = arith.constant 1 : i32
    "tpu.trace_stop"() : () -> ()
    scf.for %parallel_loop3A_168 = %parallel_loop3A to %parallel_loop3A_11 step %parallel_loop3A_12  : i32 {
      %parallel_loop3A_169 = arith.index_cast %parallel_loop3A_168 : i32 to index
      %parallel_loop3A_170 = arith.constant 0 : index
      %parallel_loop3A_171 = tpu.vector_load %arg10[%parallel_loop3A_169, %parallel_loop3A_170] {strides = array<i32>} : memref<80x16xf32, #tpu.memory_space<vmem>>, vector<16xf32>,
      tpu.vector_store %arg10[%parallel_loop3A_169, %parallel_loop3A_170], %broadcast_in_dim3A_5 {strides = array<i32>} : memref<80x16xf32, #tpu.memory_space<vmem>>, vector<16xf32>,
    } {sc.loop_unroll_factor = 1 : i64, sc.parallel_access}
    %parallel_loop3A_13 = arith.constant 0 : i32
    %parallel_loop3A_14 = arith.constant 16 : i32
    %parallel_loop3A_15 = arith.constant 1 : i32
    scf.for %parallel_loop3A_168 = %parallel_loop3A_13 to %parallel_loop3A_14 step %parallel_loop3A_15  : i32 {
      %parallel_loop3A_169 = arith.index_cast %parallel_loop3A_168 : i32 to index
      %parallel_loop3A_170 = arith.constant 0 : index
      %parallel_loop3A_171 = tpu.vector_load %arg14[%parallel_loop3A_169, %parallel_loop3A_170] {strides = array<i32>} : memref<16x16xf32, #tpu.memory_space<vmem>>, vector<16xf32>,
      tpu.vector_store %arg14[%parallel_loop3A_169, %parallel_loop3A_170], %broadcast_in_dim3A_5 {strides = array<i32>} : memref<16x16xf32, #tpu.memory_space<vmem>>, vector<16xf32>,
    } {sc.loop_unroll_factor = 1 : i64, sc.parallel_access}
    %parallel_loop3A_16 = arith.constant 0 : i32
    %parallel_loop3A_17 = arith.constant 5 : i32
    %parallel_loop3A_18 = arith.constant 1 : i32
    scf.for %parallel_loop3A_168 = %parallel_loop3A_16 to %parallel_loop3A_17 step %parallel_loop3A_18  : i32 {
      %parallel_loop3A_169 = arith.constant 16 : i32
      %parallel_loop3A_170 = arith.muli %parallel_loop3A_168, %parallel_loop3A_169 : i32
      %parallel_loop3A_171 = vector.broadcast %parallel_loop3A_170 : i32 to vector<16xi32>
      %parallel_loop3A_172 = arith.addi %iota3A, %parallel_loop3A_171 : vector<16xi32>
      %parallel_loop3A_173 = arith.constant 16 : i32
      %parallel_loop3A_174 = arith.muli %parallel_loop3A_168, %parallel_loop3A_173 : i32
      %parallel_loop3A_175 = arith.index_cast %parallel_loop3A_174 : i32 to index
      %parallel_loop3A_176 = tpu.vector_load %arg16[%parallel_loop3A_175] {strides = array<i32>} : memref<80xi32, #tpu.memory_space<vmem>>, vector<16xi32>,
      tpu.vector_store %arg16[%parallel_loop3A_175], %parallel_loop3A_172 {strides = array<i32>} : memref<80xi32, #tpu.memory_space<vmem>>, vector<16xi32>,
    } {sc.loop_unroll_factor = 1 : i64, sc.parallel_access}
    %swap3A = arith.constant 0 : index
    %swap3A_19 = tpu.vector_load %arg17[%swap3A] {strides = array<i32>} : memref<16xi32, #tpu.memory_space<vmem>>, vector<16xi32>,
    tpu.vector_store %arg17[%swap3A], %iota3A {strides = array<i32>} : memref<16xi32, #tpu.memory_space<vmem>>, vector<16xi32>,
    %eq3A = arith.constant 0 : i32
    %eq3A_20 = arith.cmpi eq, %arg1, %eq3A : i32
    %convert_element_type3A = arith.extui %eq3A_20 : i1 to i32
    %cond3A = arith.constant 0 : i32
    %cond3A_21 = arith.cmpi ne, %convert_element_type3A, %cond3A : i32
    scf.if %cond3A_21 {
      "tpu.region"() ({
        %run_scoped3A = tpu.sem_alloc : memref<!tpu.dma_semaphore, #tpu.memory_space<semaphore_mem>>
        tpu.enqueue_dma source(%arg10 : memref<80x16xf32, #tpu.memory_space<vmem>>) target(%arg19 : memref<80x16xf32, #tpu.memory_space<vmem_shared>>) target_semaphore(%run_scoped3A : memref<!tpu.dma_semaphore, #tpu.memory_space<semaphore_mem>>)
        tpu.wait_dma2 semaphore(%run_scoped3A : memref<!tpu.dma_semaphore, #tpu.memory_space<semaphore_mem>>) src(%arg10 : memref<80x16xf32, #tpu.memory_space<vmem>>) dst(%arg19 : memref<80x16xf32, #tpu.memory_space<vmem_shared>>)
        tpu.yield
      }) : () -> ()
      "tpu.region"() ({
        %run_scoped3A = tpu.sem_alloc : memref<!tpu.dma_semaphore, #tpu.memory_space<semaphore_mem>>
        tpu.enqueue_dma source(%arg14 : memref<16x16xf32, #tpu.memory_space<vmem>>) target(%arg20 : memref<16x16xf32, #tpu.memory_space<vmem_shared>>) target_semaphore(%run_scoped3A : memref<!tpu.dma_semaphore, #tpu.memory_space<semaphore_mem>>)
        tpu.wait_dma2 semaphore(%run_scoped3A : memref<!tpu.dma_semaphore, #tpu.memory_space<semaphore_mem>>) src(%arg14 : memref<16x16xf32, #tpu.memory_space<vmem>>) dst(%arg20 : memref<16x16xf32, #tpu.memory_space<vmem_shared>>)
        tpu.yield
      }) : () -> ()
    } else {
    }
    %mul3A_22 = arith.constant 3 : i32
    %mul3A_23 = vector.broadcast %mul3A_22 : i32 to vector<16xi32>
    %mul3A_24 = arith.muli %iota3A, %mul3A_23 : vector<16xi32>
    %parallel_loop3A_25 = arith.constant 0 : i32
    %parallel_loop3A_26 = arith.constant 16 : i32
    %parallel_loop3A_27 = arith.constant 1 : i32
    "tpu.trace_start"() <{level = 10 : i32, message = "ph_g"}> : () -> ()
    scf.for %parallel_loop3A_168 = %parallel_loop3A_25 to %parallel_loop3A_26 step %parallel_loop3A_27  : i32 {
      %parallel_loop3A_169 = arith.constant 48 : i32
      %parallel_loop3A_170 = arith.muli %parallel_loop3A_168, %parallel_loop3A_169 : i32
      %parallel_loop3A_171 = vector.broadcast %parallel_loop3A_170 : i32 to vector<16xi32>
      %parallel_loop3A_172 = arith.addi %mul3A_24, %parallel_loop3A_171 : vector<16xi32>
      %parallel_loop3A_173 = tpu.vector_load_idx %arg8[%parallel_loop3A_172] : memref<768xf32, #tpu.memory_space<vmem>>[vector<16xi32>], vector<16xf32>,
      %parallel_loop3A_174 = vector.broadcast %parallel_loop3A_170 : i32 to vector<16xi32>
      %parallel_loop3A_175 = arith.addi %mul3A_24, %parallel_loop3A_174 : vector<16xi32>
      %parallel_loop3A_176 = arith.constant 1 : i32
      %parallel_loop3A_177 = vector.broadcast %parallel_loop3A_176 : i32 to vector<16xi32>
      %parallel_loop3A_178 = arith.addi %parallel_loop3A_175, %parallel_loop3A_177 : vector<16xi32>
      %parallel_loop3A_179 = tpu.vector_load_idx %arg8[%parallel_loop3A_178] : memref<768xf32, #tpu.memory_space<vmem>>[vector<16xi32>], vector<16xf32>,
      %parallel_loop3A_180 = vector.broadcast %parallel_loop3A_170 : i32 to vector<16xi32>
      %parallel_loop3A_181 = arith.addi %mul3A_24, %parallel_loop3A_180 : vector<16xi32>
      %parallel_loop3A_182 = arith.constant 2 : i32
      %parallel_loop3A_183 = vector.broadcast %parallel_loop3A_182 : i32 to vector<16xi32>
      %parallel_loop3A_184 = arith.addi %parallel_loop3A_181, %parallel_loop3A_183 : vector<16xi32>
      %parallel_loop3A_185 = tpu.vector_load_idx %arg8[%parallel_loop3A_184] : memref<768xf32, #tpu.memory_space<vmem>>[vector<16xi32>], vector<16xf32>,
      %parallel_loop3A_186 = arith.mulf %parallel_loop3A_173, %parallel_loop3A_173 : vector<16xf32>
      %parallel_loop3A_187 = arith.mulf %parallel_loop3A_179, %parallel_loop3A_179 : vector<16xf32>
      %parallel_loop3A_188 = arith.addf %parallel_loop3A_186, %parallel_loop3A_187 : vector<16xf32>
      %parallel_loop3A_189 = arith.mulf %parallel_loop3A_185, %parallel_loop3A_185 : vector<16xf32>
      %parallel_loop3A_190 = arith.addf %parallel_loop3A_188, %parallel_loop3A_189 : vector<16xf32>
      %parallel_loop3A_191 = arith.constant 1.000000e-30 : f32
      %parallel_loop3A_192 = vector.broadcast %parallel_loop3A_191 : f32 to vector<16xf32>
      %parallel_loop3A_193 = arith.maximumf %parallel_loop3A_190, %parallel_loop3A_192 : vector<16xf32>
      %parallel_loop3A_194 = tpu.bitcast %parallel_loop3A_193 : vector<16xf32> -> vector<16xi32>
      %parallel_loop3A_195 = arith.constant 1 : i32
      %parallel_loop3A_196 = vector.broadcast %parallel_loop3A_195 : i32 to vector<16xi32>
      %parallel_loop3A_197 = arith.shrui %parallel_loop3A_194, %parallel_loop3A_196 : vector<16xi32>
      %parallel_loop3A_198 = arith.constant 1597463007 : i32
      %parallel_loop3A_199 = vector.broadcast %parallel_loop3A_198 : i32 to vector<16xi32>
      %parallel_loop3A_200 = arith.subi %parallel_loop3A_199, %parallel_loop3A_197 : vector<16xi32>
      %parallel_loop3A_201 = tpu.bitcast %parallel_loop3A_200 : vector<16xi32> -> vector<16xf32>
      %parallel_loop3A_202 = arith.constant 5.000000e-01 : f32
      %parallel_loop3A_203 = vector.broadcast %parallel_loop3A_202 : f32 to vector<16xf32>
      %parallel_loop3A_204 = arith.mulf %parallel_loop3A_203, %parallel_loop3A_193 : vector<16xf32>
      %parallel_loop3A_205 = arith.mulf %parallel_loop3A_204, %parallel_loop3A_201 : vector<16xf32>
      %parallel_loop3A_206 = arith.mulf %parallel_loop3A_205, %parallel_loop3A_201 : vector<16xf32>
      %parallel_loop3A_207 = arith.constant 1.500000e+00 : f32
      %parallel_loop3A_208 = vector.broadcast %parallel_loop3A_207 : f32 to vector<16xf32>
      %parallel_loop3A_209 = arith.subf %parallel_loop3A_208, %parallel_loop3A_206 : vector<16xf32>
      %parallel_loop3A_210 = arith.mulf %parallel_loop3A_201, %parallel_loop3A_209 : vector<16xf32>
      %parallel_loop3A_211 = arith.constant 5.000000e-01 : f32
      %parallel_loop3A_212 = vector.broadcast %parallel_loop3A_211 : f32 to vector<16xf32>
      %parallel_loop3A_213 = arith.mulf %parallel_loop3A_212, %parallel_loop3A_193 : vector<16xf32>
      %parallel_loop3A_214 = arith.mulf %parallel_loop3A_213, %parallel_loop3A_210 : vector<16xf32>
      %parallel_loop3A_215 = arith.mulf %parallel_loop3A_214, %parallel_loop3A_210 : vector<16xf32>
      %parallel_loop3A_216 = arith.constant 1.500000e+00 : f32
      %parallel_loop3A_217 = vector.broadcast %parallel_loop3A_216 : f32 to vector<16xf32>
      %parallel_loop3A_218 = arith.subf %parallel_loop3A_217, %parallel_loop3A_215 : vector<16xf32>
      %parallel_loop3A_219 = arith.mulf %parallel_loop3A_210, %parallel_loop3A_218 : vector<16xf32>
      %parallel_loop3A_220 = arith.constant 5.000000e-01 : f32
      %parallel_loop3A_221 = vector.broadcast %parallel_loop3A_220 : f32 to vector<16xf32>
      %parallel_loop3A_222 = arith.mulf %parallel_loop3A_221, %parallel_loop3A_193 : vector<16xf32>
      %parallel_loop3A_223 = arith.mulf %parallel_loop3A_222, %parallel_loop3A_219 : vector<16xf32>
      %parallel_loop3A_224 = arith.mulf %parallel_loop3A_223, %parallel_loop3A_219 : vector<16xf32>
      %parallel_loop3A_225 = arith.constant 1.500000e+00 : f32
      %parallel_loop3A_226 = vector.broadcast %parallel_loop3A_225 : f32 to vector<16xf32>
      %parallel_loop3A_227 = arith.subf %parallel_loop3A_226, %parallel_loop3A_224 : vector<16xf32>
      %parallel_loop3A_228 = arith.mulf %parallel_loop3A_219, %parallel_loop3A_227 : vector<16xf32>
      %parallel_loop3A_229 = arith.mulf %parallel_loop3A_193, %parallel_loop3A_228 : vector<16xf32>
      %parallel_loop3A_230 = arith.constant 0.000000e+00 : f32
      %parallel_loop3A_231 = vector.broadcast %parallel_loop3A_230 : f32 to vector<16xf32>
      %parallel_loop3A_232 = arith.subf %parallel_loop3A_231, %parallel_loop3A_229 : vector<16xf32>
      %parallel_loop3A_233 = math.exp %parallel_loop3A_232 : vector<16xf32>
      %parallel_loop3A_234 = arith.constant 1.000000e+00 : f32
      %parallel_loop3A_235 = vector.broadcast %parallel_loop3A_234 : f32 to vector<16xf32>
      %parallel_loop3A_236 = arith.addf %parallel_loop3A_235, %parallel_loop3A_233 : vector<16xf32>
      %parallel_loop3A_237 = arith.constant 1.000000e+00 : f32
      %parallel_loop3A_238 = vector.broadcast %parallel_loop3A_237 : f32 to vector<16xf32>
      %parallel_loop3A_239 = arith.divf %parallel_loop3A_238, %parallel_loop3A_236 : vector<16xf32>
      %parallel_loop3A_240 = arith.constant 16 : i32
      %parallel_loop3A_241 = arith.muli %parallel_loop3A_168, %parallel_loop3A_240 : i32
      %parallel_loop3A_242 = arith.index_cast %parallel_loop3A_241 : i32 to index
      %parallel_loop3A_243 = tpu.vector_load %arg9[%parallel_loop3A_242] {strides = array<i32>} : memref<256xf32, #tpu.memory_space<vmem>>, vector<16xf32>,
      tpu.vector_store %arg9[%parallel_loop3A_242], %parallel_loop3A_239 {strides = array<i32>} : memref<256xf32, #tpu.memory_space<vmem>>, vector<16xf32>,
    } {sc.loop_unroll_factor = 1 : i64, sc.parallel_access}
    "tpu.trace_stop"() : () -> ()
    %dma_wait3A = tpu.memref_slice %arg2[%mul3A_7] : memref<524288xf32, #tpu.memory_space<hbm>> -> memref<32768xf32, #tpu.memory_space<hbm>>
    %dma_wait3A_28 = tpu.memref_slice %arg2[%mul3A_7] : memref<524288xf32, #tpu.memory_space<hbm>> -> memref<32768xf32, #tpu.memory_space<hbm>>
    tpu.wait_dma2 semaphore(%arg21 : memref<!tpu.dma_semaphore, #tpu.memory_space<semaphore_mem>>) src(%dma_wait3A_28 : memref<32768xf32, #tpu.memory_space<hbm>>) dst(%arg6 : memref<32768xf32, #tpu.memory_space<vmem>>)
    %parallel_loop3A_29 = arith.constant 0 : i32
    %parallel_loop3A_30 = arith.constant 32 : i32
    %parallel_loop3A_31 = arith.constant 1 : i32
    "tpu.trace_start"() <{level = 10 : i32, message = "ph_pass1"}> : () -> ()
    scf.for %parallel_loop3A_168 = %parallel_loop3A_29 to %parallel_loop3A_30 step %parallel_loop3A_31  : i32 {
      %parallel_loop3A_169 = arith.constant 16 : i32
      %parallel_loop3A_170 = arith.muli %parallel_loop3A_168, %parallel_loop3A_169 : i32
      %parallel_loop3A_171 = arith.index_cast %parallel_loop3A_170 : i32 to index
      %parallel_loop3A_172 = tpu.vector_load %arg7[%parallel_loop3A_171] {strides = array<i32>} : memref<512xi32, #tpu.memory_space<vmem>>, vector<16xi32>,
      %parallel_loop3A_173 = arith.constant 1024 : i32
      %parallel_loop3A_174 = arith.muli %parallel_loop3A_168, %parallel_loop3A_173 : i32
      %parallel_loop3A_175 = vector.extract_strided_slice %parallel_loop3A_172 {offsets = [0], sizes = [1], strides = [1]} : vector<16xi32> to vector<1xi32>
      %parallel_loop3A_176 = vector.extract %parallel_loop3A_175[0] : i32 from vector<1xi32>
      %parallel_loop3A_177 = arith.constant 0 : i32
      %parallel_loop3A_178 = arith.addi %parallel_loop3A_174, %parallel_loop3A_177 : i32
      %parallel_loop3A_179 = arith.constant 0 : i32
      %parallel_loop3A_180 = arith.addi %parallel_loop3A_178, %parallel_loop3A_179 : i32
      %parallel_loop3A_181 = arith.index_cast %parallel_loop3A_180 : i32 to index
      %parallel_loop3A_182 = tpu.vector_load %arg6[%parallel_loop3A_181] {strides = array<i32>} : memref<32768xf32, #tpu.memory_space<vmem>>, vector<16xf32>,
      %parallel_loop3A_183 = arith.constant 4 : i32
      %parallel_loop3A_184 = arith.muli %parallel_loop3A_176, %parallel_loop3A_183 : i32
      %parallel_loop3A_185 = arith.constant 0 : i32
      %parallel_loop3A_186 = arith.addi %parallel_loop3A_184, %parallel_loop3A_185 : i32
      %parallel_loop3A_187 = arith.index_cast %parallel_loop3A_186 : i32 to index
      %parallel_loop3A_188 = arith.constant 0 : index
      %parallel_loop3A_189 = tpu.vector_load %arg10[%parallel_loop3A_187, %parallel_loop3A_188] {strides = array<i32>} : memref<80x16xf32, #tpu.memory_space<vmem>>, vector<16xf32>,
      tpu.vector_store %arg10[%parallel_loop3A_187, %parallel_loop3A_188], %parallel_loop3A_182 {add = true, strides = array<i32>} : memref<80x16xf32, #tpu.memory_space<vmem>>, vector<16xf32>,
      %parallel_loop3A_190 = arith.constant 0 : i32
      %parallel_loop3A_191 = arith.addi %parallel_loop3A_174, %parallel_loop3A_190 : i32
      %parallel_loop3A_192 = arith.constant 16 : i32
      %parallel_loop3A_193 = arith.addi %parallel_loop3A_191, %parallel_loop3A_192 : i32
      %parallel_loop3A_194 = arith.index_cast %parallel_loop3A_193 : i32 to index
      %parallel_loop3A_195 = tpu.vector_load %arg6[%parallel_loop3A_194] {strides = array<i32>} : memref<32768xf32, #tpu.memory_space<vmem>>, vector<16xf32>,
      %parallel_loop3A_196 = arith.constant 4 : i32
      %parallel_loop3A_197 = arith.muli %parallel_loop3A_176, %parallel_loop3A_196 : i32
      %parallel_loop3A_198 = arith.constant 1 : i32
      %parallel_loop3A_199 = arith.addi %parallel_loop3A_197, %parallel_loop3A_198 : i32
      %parallel_loop3A_200 = arith.index_cast %parallel_loop3A_199 : i32 to index
      %parallel_loop3A_201 = arith.constant 0 : index
      %parallel_loop3A_202 = tpu.vector_load %arg10[%parallel_loop3A_200, %parallel_loop3A_201] {strides = array<i32>} : memref<80x16xf32, #tpu.memory_space<vmem>>, vector<16xf32>,
      tpu.vector_store %arg10[%parallel_loop3A_200, %parallel_loop3A_201], %parallel_loop3A_195 {add = true, strides = array<i32>} : memref<80x16xf32, #tpu.memory_space<vmem>>, vector<16xf32>,
      %parallel_loop3A_203 = arith.constant 0 : i32
      %parallel_loop3A_204 = arith.addi %parallel_loop3A_174, %parallel_loop3A_203 : i32
      %parallel_loop3A_205 = arith.constant 32 : i32
      %parallel_loop3A_206 = arith.addi %parallel_loop3A_204, %parallel_loop3A_205 : i32
      %parallel_loop3A_207 = arith.index_cast %parallel_loop3A_206 : i32 to index
      %parallel_loop3A_208 = tpu.vector_load %arg6[%parallel_loop3A_207] {strides = array<i32>} : memref<32768xf32, #tpu.memory_space<vmem>>, vector<16xf32>,
      %parallel_loop3A_209 = arith.constant 4 : i32
      %parallel_loop3A_210 = arith.muli %parallel_loop3A_176, %parallel_loop3A_209 : i32
      %parallel_loop3A_211 = arith.constant 2 : i32
      %parallel_loop3A_212 = arith.addi %parallel_loop3A_210, %parallel_loop3A_211 : i32
      %parallel_loop3A_213 = arith.index_cast %parallel_loop3A_212 : i32 to index
      %parallel_loop3A_214 = arith.constant 0 : index
      %parallel_loop3A_215 = tpu.vector_load %arg10[%parallel_loop3A_213, %parallel_loop3A_214] {strides = array<i32>} : memref<80x16xf32, #tpu.memory_space<vmem>>, vector<16xf32>,
      tpu.vector_store %arg10[%parallel_loop3A_213, %parallel_loop3A_214], %parallel_loop3A_208 {add = true, strides = array<i32>} : memref<80x16xf32, #tpu.memory_space<vmem>>, vector<16xf32>,
      %parallel_loop3A_216 = arith.constant 0 : i32
      %parallel_loop3A_217 = arith.addi %parallel_loop3A_174, %parallel_loop3A_216 : i32
      %parallel_loop3A_218 = arith.constant 48 : i32
      %parallel_loop3A_219 = arith.addi %parallel_loop3A_217, %parallel_loop3A_218 : i32
      %parallel_loop3A_220 = arith.index_cast %parallel_loop3A_219 : i32 to index
      %parallel_loop3A_221 = tpu.vector_load %arg6[%parallel_loop3A_220] {strides = array<i32>} : memref<32768xf32, #tpu.memory_space<vmem>>, vector<16xf32>,
      %parallel_loop3A_222 = arith.constant 4 : i32
      %parallel_loop3A_223 = arith.muli %parallel_loop3A_176, %parallel_loop3A_222 : i32
      %parallel_loop3A_224 = arith.constant 3 : i32
      %parallel_loop3A_225 = arith.addi %parallel_loop3A_223, %parallel_loop3A_224 : i32
      %parallel_loop3A_226 = arith.index_cast %parallel_loop3A_225 : i32 to index
      %parallel_loop3A_227 = arith.constant 0 : index
      %parallel_loop3A_228 = tpu.vector_load %arg10[%parallel_loop3A_226, %parallel_loop3A_227] {strides = array<i32>} : memref<80x16xf32, #tpu.memory_space<vmem>>, vector<16xf32>,
      tpu.vector_store %arg10[%parallel_loop3A_226, %parallel_loop3A_227], %parallel_loop3A_221 {add = true, strides = array<i32>} : memref<80x16xf32, #tpu.memory_space<vmem>>, vector<16xf32>,
      %parallel_loop3A_229 = vector.broadcast %parallel_loop3A_176 : i32 to vector<16xi32>
      %parallel_loop3A_230 = arith.cmpi eq, %iota3A, %parallel_loop3A_229 : vector<16xi32>
      %parallel_loop3A_231 = arith.constant 1.000000e+00 : f32
      %parallel_loop3A_232 = arith.constant 0.000000e+00 : f32
      %parallel_loop3A_233 = vector.broadcast %parallel_loop3A_231 : f32 to vector<16xf32>
      %parallel_loop3A_234 = vector.broadcast %parallel_loop3A_232 : f32 to vector<16xf32>
      %parallel_loop3A_235 = arith.select %parallel_loop3A_230, %parallel_loop3A_233, %parallel_loop3A_234 : vector<16xi1>, vector<16xf32>
      %parallel_loop3A_236 = arith.addf %broadcast_in_dim3A_5, %parallel_loop3A_235 : vector<16xf32>
      %parallel_loop3A_237 = vector.extract_strided_slice %parallel_loop3A_172 {offsets = [1], sizes = [1], strides = [1]} : vector<16xi32> to vector<1xi32>
      %parallel_loop3A_238 = vector.extract %parallel_loop3A_237[0] : i32 from vector<1xi32>
      %parallel_loop3A_239 = arith.constant 64 : i32
      %parallel_loop3A_240 = arith.addi %parallel_loop3A_174, %parallel_loop3A_239 : i32
      %parallel_loop3A_241 = arith.constant 0 : i32
      %parallel_loop3A_242 = arith.addi %parallel_loop3A_240, %parallel_loop3A_241 : i32
      %parallel_loop3A_243 = arith.index_cast %parallel_loop3A_242 : i32 to index
      %parallel_loop3A_244 = tpu.vector_load %arg6[%parallel_loop3A_243] {strides = array<i32>} : memref<32768xf32, #tpu.memory_space<vmem>>, vector<16xf32>,
      %parallel_loop3A_245 = arith.constant 4 : i32
      %parallel_loop3A_246 = arith.muli %parallel_loop3A_238, %parallel_loop3A_245 : i32
      %parallel_loop3A_247 = arith.constant 0 : i32
      %parallel_loop3A_248 = arith.addi %parallel_loop3A_246, %parallel_loop3A_247 : i32
      %parallel_loop3A_249 = arith.index_cast %parallel_loop3A_248 : i32 to index
      %parallel_loop3A_250 = arith.constant 0 : index
      %parallel_loop3A_251 = tpu.vector_load %arg10[%parallel_loop3A_249, %parallel_loop3A_250] {strides = array<i32>} : memref<80x16xf32, #tpu.memory_space<vmem>>, vector<16xf32>,
      tpu.vector_store %arg10[%parallel_loop3A_249, %parallel_loop3A_250], %parallel_loop3A_244 {add = true, strides = array<i32>} : memref<80x16xf32, #tpu.memory_space<vmem>>, vector<16xf32>,
      %parallel_loop3A_252 = arith.constant 64 : i32
      %parallel_loop3A_253 = arith.addi %parallel_loop3A_174, %parallel_loop3A_252 : i32
      %parallel_loop3A_254 = arith.constant 16 : i32
      %parallel_loop3A_255 = arith.addi %parallel_loop3A_253, %parallel_loop3A_254 : i32
      %parallel_loop3A_256 = arith.index_cast %parallel_loop3A_255 : i32 to index
      %parallel_loop3A_257 = tpu.vector_load %arg6[%parallel_loop3A_256] {strides = array<i32>} : memref<32768xf32, #tpu.memory_space<vmem>>, vector<16xf32>,
      %parallel_loop3A_258 = arith.constant 4 : i32
      %parallel_loop3A_259 = arith.muli %parallel_loop3A_238, %parallel_loop3A_258 : i32
      %parallel_loop3A_260 = arith.constant 1 : i32
      %parallel_loop3A_261 = arith.addi %parallel_loop3A_259, %parallel_loop3A_260 : i32
      %parallel_loop3A_262 = arith.index_cast %parallel_loop3A_261 : i32 to index
      %parallel_loop3A_263 = arith.constant 0 : index
      %parallel_loop3A_264 = tpu.vector_load %arg10[%parallel_loop3A_262, %parallel_loop3A_263] {strides = array<i32>} : memref<80x16xf32, #tpu.memory_space<vmem>>, vector<16xf32>,
      tpu.vector_store %arg10[%parallel_loop3A_262, %parallel_loop3A_263], %parallel_loop3A_257 {add = true, strides = array<i32>} : memref<80x16xf32, #tpu.memory_space<vmem>>, vector<16xf32>,
      %parallel_loop3A_265 = arith.constant 64 : i32
      %parallel_loop3A_266 = arith.addi %parallel_loop3A_174, %parallel_loop3A_265 : i32
      %parallel_loop3A_267 = arith.constant 32 : i32
      %parallel_loop3A_268 = arith.addi %parallel_loop3A_266, %parallel_loop3A_267 : i32
      %parallel_loop3A_269 = arith.index_cast %parallel_loop3A_268 : i32 to index
      %parallel_loop3A_270 = tpu.vector_load %arg6[%parallel_loop3A_269] {strides = array<i32>} : memref<32768xf32, #tpu.memory_space<vmem>>, vector<16xf32>,
      %parallel_loop3A_271 = arith.constant 4 : i32
      %parallel_loop3A_272 = arith.muli %parallel_loop3A_238, %parallel_loop3A_271 : i32
      %parallel_loop3A_273 = arith.constant 2 : i32
      %parallel_loop3A_274 = arith.addi %parallel_loop3A_272, %parallel_loop3A_273 : i32
      %parallel_loop3A_275 = arith.index_cast %parallel_loop3A_274 : i32 to index
      %parallel_loop3A_276 = arith.constant 0 : index
      %parallel_loop3A_277 = tpu.vector_load %arg10[%parallel_loop3A_275, %parallel_loop3A_276] {strides = array<i32>} : memref<80x16xf32, #tpu.memory_space<vmem>>, vector<16xf32>,
      tpu.vector_store %arg10[%parallel_loop3A_275, %parallel_loop3A_276], %parallel_loop3A_270 {add = true, strides = array<i32>} : memref<80x16xf32, #tpu.memory_space<vmem>>, vector<16xf32>,
      %parallel_loop3A_278 = arith.constant 64 : i32
      %parallel_loop3A_279 = arith.addi %parallel_loop3A_174, %parallel_loop3A_278 : i32
      %parallel_loop3A_280 = arith.constant 48 : i32
      %parallel_loop3A_281 = arith.addi %parallel_loop3A_279, %parallel_loop3A_280 : i32
      %parallel_loop3A_282 = arith.index_cast %parallel_loop3A_281 : i32 to index
      %parallel_loop3A_283 = tpu.vector_load %arg6[%parallel_loop3A_282] {strides = array<i32>} : memref<32768xf32, #tpu.memory_space<vmem>>, vector<16xf32>,
      %parallel_loop3A_284 = arith.constant 4 : i32
      %parallel_loop3A_285 = arith.muli %parallel_loop3A_238, %parallel_loop3A_284 : i32
      %parallel_loop3A_286 = arith.constant 3 : i32
      %parallel_loop3A_287 = arith.addi %parallel_loop3A_285, %parallel_loop3A_286 : i32
      %parallel_loop3A_288 = arith.index_cast %parallel_loop3A_287 : i32 to index
      %parallel_loop3A_289 = arith.constant 0 : index
      %parallel_loop3A_290 = tpu.vector_load %arg10[%parallel_loop3A_288, %parallel_loop3A_289] {strides = array<i32>} : memref<80x16xf32, #tpu.memory_space<vmem>>, vector<16xf32>,
      tpu.vector_store %arg10[%parallel_loop3A_288, %parallel_loop3A_289], %parallel_loop3A_283 {add = true, strides = array<i32>} : memref<80x16xf32, #tpu.memory_space<vmem>>, vector<16xf32>,
      %parallel_loop3A_291 = vector.broadcast %parallel_loop3A_238 : i32 to vector<16xi32>
      %parallel_loop3A_292 = arith.cmpi eq, %iota3A, %parallel_loop3A_291 : vector<16xi32>
      %parallel_loop3A_293 = arith.constant 1.000000e+00 : f32
      %parallel_loop3A_294 = arith.constant 0.000000e+00 : f32
      %parallel_loop3A_295 = vector.broadcast %parallel_loop3A_293 : f32 to vector<16xf32>
      %parallel_loop3A_296 = vector.broadcast %parallel_loop3A_294 : f32 to vector<16xf32>
      %parallel_loop3A_297 = arith.select %parallel_loop3A_292, %parallel_loop3A_295, %parallel_loop3A_296 : vector<16xi1>, vector<16xf32>
      %parallel_loop3A_298 = arith.addf %parallel_loop3A_236, %parallel_loop3A_297 : vector<16xf32>
      %parallel_loop3A_299 = vector.extract_strided_slice %parallel_loop3A_172 {offsets = [2], sizes = [1], strides = [1]} : vector<16xi32> to vector<1xi32>
      %parallel_loop3A_300 = vector.extract %parallel_loop3A_299[0] : i32 from vector<1xi32>
      %parallel_loop3A_301 = arith.constant 128 : i32
      %parallel_loop3A_302 = arith.addi %parallel_loop3A_174, %parallel_loop3A_301 : i32
      %parallel_loop3A_303 = arith.constant 0 : i32
      %parallel_loop3A_304 = arith.addi %parallel_loop3A_302, %parallel_loop3A_303 : i32
      %parallel_loop3A_305 = arith.index_cast %parallel_loop3A_304 : i32 to index
      %parallel_loop3A_306 = tpu.vector_load %arg6[%parallel_loop3A_305] {strides = array<i32>} : memref<32768xf32, #tpu.memory_space<vmem>>, vector<16xf32>,
      %parallel_loop3A_307 = arith.constant 4 : i32
      %parallel_loop3A_308 = arith.muli %parallel_loop3A_300, %parallel_loop3A_307 : i32
      %parallel_loop3A_309 = arith.constant 0 : i32
      %parallel_loop3A_310 = arith.addi %parallel_loop3A_308, %parallel_loop3A_309 : i32
      %parallel_loop3A_311 = arith.index_cast %parallel_loop3A_310 : i32 to index
      %parallel_loop3A_312 = arith.constant 0 : index
      %parallel_loop3A_313 = tpu.vector_load %arg10[%parallel_loop3A_311, %parallel_loop3A_312] {strides = array<i32>} : memref<80x16xf32, #tpu.memory_space<vmem>>, vector<16xf32>,
      tpu.vector_store %arg10[%parallel_loop3A_311, %parallel_loop3A_312], %parallel_loop3A_306 {add = true, strides = array<i32>} : memref<80x16xf32, #tpu.memory_space<vmem>>, vector<16xf32>,
      %parallel_loop3A_314 = arith.constant 128 : i32
      %parallel_loop3A_315 = arith.addi %parallel_loop3A_174, %parallel_loop3A_314 : i32
      %parallel_loop3A_316 = arith.constant 16 : i32
      %parallel_loop3A_317 = arith.addi %parallel_loop3A_315, %parallel_loop3A_316 : i32
      %parallel_loop3A_318 = arith.index_cast %parallel_loop3A_317 : i32 to index
      %parallel_loop3A_319 = tpu.vector_load %arg6[%parallel_loop3A_318] {strides = array<i32>} : memref<32768xf32, #tpu.memory_space<vmem>>, vector<16xf32>,
      %parallel_loop3A_320 = arith.constant 4 : i32
      %parallel_loop3A_321 = arith.muli %parallel_loop3A_300, %parallel_loop3A_320 : i32
      %parallel_loop3A_322 = arith.constant 1 : i32
      %parallel_loop3A_323 = arith.addi %parallel_loop3A_321, %parallel_loop3A_322 : i32
      %parallel_loop3A_324 = arith.index_cast %parallel_loop3A_323 : i32 to index
      %parallel_loop3A_325 = arith.constant 0 : index
      %parallel_loop3A_326 = tpu.vector_load %arg10[%parallel_loop3A_324, %parallel_loop3A_325] {strides = array<i32>} : memref<80x16xf32, #tpu.memory_space<vmem>>, vector<16xf32>,
      tpu.vector_store %arg10[%parallel_loop3A_324, %parallel_loop3A_325], %parallel_loop3A_319 {add = true, strides = array<i32>} : memref<80x16xf32, #tpu.memory_space<vmem>>, vector<16xf32>,
      %parallel_loop3A_327 = arith.constant 128 : i32
      %parallel_loop3A_328 = arith.addi %parallel_loop3A_174, %parallel_loop3A_327 : i32
      %parallel_loop3A_329 = arith.constant 32 : i32
      %parallel_loop3A_330 = arith.addi %parallel_loop3A_328, %parallel_loop3A_329 : i32
      %parallel_loop3A_331 = arith.index_cast %parallel_loop3A_330 : i32 to index
      %parallel_loop3A_332 = tpu.vector_load %arg6[%parallel_loop3A_331] {strides = array<i32>} : memref<32768xf32, #tpu.memory_space<vmem>>, vector<16xf32>,
      %parallel_loop3A_333 = arith.constant 4 : i32
      %parallel_loop3A_334 = arith.muli %parallel_loop3A_300, %parallel_loop3A_333 : i32
      %parallel_loop3A_335 = arith.constant 2 : i32
      %parallel_loop3A_336 = arith.addi %parallel_loop3A_334, %parallel_loop3A_335 : i32
      %parallel_loop3A_337 = arith.index_cast %parallel_loop3A_336 : i32 to index
      %parallel_loop3A_338 = arith.constant 0 : index
      %parallel_loop3A_339 = tpu.vector_load %arg10[%parallel_loop3A_337, %parallel_loop3A_338] {strides = array<i32>} : memref<80x16xf32, #tpu.memory_space<vmem>>, vector<16xf32>,
      tpu.vector_store %arg10[%parallel_loop3A_337, %parallel_loop3A_338], %parallel_loop3A_332 {add = true, strides = array<i32>} : memref<80x16xf32, #tpu.memory_space<vmem>>, vector<16xf32>,
      %parallel_loop3A_340 = arith.constant 128 : i32
      %parallel_loop3A_341 = arith.addi %parallel_loop3A_174, %parallel_loop3A_340 : i32
      %parallel_loop3A_342 = arith.constant 48 : i32
      %parallel_loop3A_343 = arith.addi %parallel_loop3A_341, %parallel_loop3A_342 : i32
      %parallel_loop3A_344 = arith.index_cast %parallel_loop3A_343 : i32 to index
      %parallel_loop3A_345 = tpu.vector_load %arg6[%parallel_loop3A_344] {strides = array<i32>} : memref<32768xf32, #tpu.memory_space<vmem>>, vector<16xf32>,
      %parallel_loop3A_346 = arith.constant 4 : i32
      %parallel_loop3A_347 = arith.muli %parallel_loop3A_300, %parallel_loop3A_346 : i32
      %parallel_loop3A_348 = arith.constant 3 : i32
      %parallel_loop3A_349 = arith.addi %parallel_loop3A_347, %parallel_loop3A_348 : i32
      %parallel_loop3A_350 = arith.index_cast %parallel_loop3A_349 : i32 to index
      %parallel_loop3A_351 = arith.constant 0 : index
      %parallel_loop3A_352 = tpu.vector_load %arg10[%parallel_loop3A_350, %parallel_loop3A_351] {strides = array<i32>} : memref<80x16xf32, #tpu.memory_space<vmem>>, vector<16xf32>,
      tpu.vector_store %arg10[%parallel_loop3A_350, %parallel_loop3A_351], %parallel_loop3A_345 {add = true, strides = array<i32>} : memref<80x16xf32, #tpu.memory_space<vmem>>, vector<16xf32>,
      %parallel_loop3A_353 = vector.broadcast %parallel_loop3A_300 : i32 to vector<16xi32>
      %parallel_loop3A_354 = arith.cmpi eq, %iota3A, %parallel_loop3A_353 : vector<16xi32>
      %parallel_loop3A_355 = arith.constant 1.000000e+00 : f32
      %parallel_loop3A_356 = arith.constant 0.000000e+00 : f32
      %parallel_loop3A_357 = vector.broadcast %parallel_loop3A_355 : f32 to vector<16xf32>
      %parallel_loop3A_358 = vector.broadcast %parallel_loop3A_356 : f32 to vector<16xf32>
      %parallel_loop3A_359 = arith.select %parallel_loop3A_354, %parallel_loop3A_357, %parallel_loop3A_358 : vector<16xi1>, vector<16xf32>
      %parallel_loop3A_360 = arith.addf %parallel_loop3A_298, %parallel_loop3A_359 : vector<16xf32>
      %parallel_loop3A_361 = vector.extract_strided_slice %parallel_loop3A_172 {offsets = [3], sizes = [1], strides = [1]} : vector<16xi32> to vector<1xi32>
      %parallel_loop3A_362 = vector.extract %parallel_loop3A_361[0] : i32 from vector<1xi32>
      %parallel_loop3A_363 = arith.constant 192 : i32
      %parallel_loop3A_364 = arith.addi %parallel_loop3A_174, %parallel_loop3A_363 : i32
      %parallel_loop3A_365 = arith.constant 0 : i32
      %parallel_loop3A_366 = arith.addi %parallel_loop3A_364, %parallel_loop3A_365 : i32
      %parallel_loop3A_367 = arith.index_cast %parallel_loop3A_366 : i32 to index
      %parallel_loop3A_368 = tpu.vector_load %arg6[%parallel_loop3A_367] {strides = array<i32>} : memref<32768xf32, #tpu.memory_space<vmem>>, vector<16xf32>,
      %parallel_loop3A_369 = arith.constant 4 : i32
      %parallel_loop3A_370 = arith.muli %parallel_loop3A_362, %parallel_loop3A_369 : i32
      %parallel_loop3A_371 = arith.constant 0 : i32
      %parallel_loop3A_372 = arith.addi %parallel_loop3A_370, %parallel_loop3A_371 : i32
      %parallel_loop3A_373 = arith.index_cast %parallel_loop3A_372 : i32 to index
      %parallel_loop3A_374 = arith.constant 0 : index
      %parallel_loop3A_375 = tpu.vector_load %arg10[%parallel_loop3A_373, %parallel_loop3A_374] {strides = array<i32>} : memref<80x16xf32, #tpu.memory_space<vmem>>, vector<16xf32>,
      tpu.vector_store %arg10[%parallel_loop3A_373, %parallel_loop3A_374], %parallel_loop3A_368 {add = true, strides = array<i32>} : memref<80x16xf32, #tpu.memory_space<vmem>>, vector<16xf32>,
      %parallel_loop3A_376 = arith.constant 192 : i32
      %parallel_loop3A_377 = arith.addi %parallel_loop3A_174, %parallel_loop3A_376 : i32
      %parallel_loop3A_378 = arith.constant 16 : i32
      %parallel_loop3A_379 = arith.addi %parallel_loop3A_377, %parallel_loop3A_378 : i32
      %parallel_loop3A_380 = arith.index_cast %parallel_loop3A_379 : i32 to index
      %parallel_loop3A_381 = tpu.vector_load %arg6[%parallel_loop3A_380] {strides = array<i32>} : memref<32768xf32, #tpu.memory_space<vmem>>, vector<16xf32>,
      %parallel_loop3A_382 = arith.constant 4 : i32
      %parallel_loop3A_383 = arith.muli %parallel_loop3A_362, %parallel_loop3A_382 : i32
      %parallel_loop3A_384 = arith.constant 1 : i32
      %parallel_loop3A_385 = arith.addi %parallel_loop3A_383, %parallel_loop3A_384 : i32
      %parallel_loop3A_386 = arith.index_cast %parallel_loop3A_385 : i32 to index
      %parallel_loop3A_387 = arith.constant 0 : index
      %parallel_loop3A_388 = tpu.vector_load %arg10[%parallel_loop3A_386, %parallel_loop3A_387] {strides = array<i32>} : memref<80x16xf32, #tpu.memory_space<vmem>>, vector<16xf32>,
      tpu.vector_store %arg10[%parallel_loop3A_386, %parallel_loop3A_387], %parallel_loop3A_381 {add = true, strides = array<i32>} : memref<80x16xf32, #tpu.memory_space<vmem>>, vector<16xf32>,
      %parallel_loop3A_389 = arith.constant 192 : i32
      %parallel_loop3A_390 = arith.addi %parallel_loop3A_174, %parallel_loop3A_389 : i32
      %parallel_loop3A_391 = arith.constant 32 : i32
      %parallel_loop3A_392 = arith.addi %parallel_loop3A_390, %parallel_loop3A_391 : i32
      %parallel_loop3A_393 = arith.index_cast %parallel_loop3A_392 : i32 to index
      %parallel_loop3A_394 = tpu.vector_load %arg6[%parallel_loop3A_393] {strides = array<i32>} : memref<32768xf32, #tpu.memory_space<vmem>>, vector<16xf32>,
      %parallel_loop3A_395 = arith.constant 4 : i32
      %parallel_loop3A_396 = arith.muli %parallel_loop3A_362, %parallel_loop3A_395 : i32
      %parallel_loop3A_397 = arith.constant 2 : i32
      %parallel_loop3A_398 = arith.addi %parallel_loop3A_396, %parallel_loop3A_397 : i32
      %parallel_loop3A_399 = arith.index_cast %parallel_loop3A_398 : i32 to index
      %parallel_loop3A_400 = arith.constant 0 : index
      %parallel_loop3A_401 = tpu.vector_load %arg10[%parallel_loop3A_399, %parallel_loop3A_400] {strides = array<i32>} : memref<80x16xf32, #tpu.memory_space<vmem>>, vector<16xf32>,
      tpu.vector_store %arg10[%parallel_loop3A_399, %parallel_loop3A_400], %parallel_loop3A_394 {add = true, strides = array<i32>} : memref<80x16xf32, #tpu.memory_space<vmem>>, vector<16xf32>,
      %parallel_loop3A_402 = arith.constant 192 : i32
      %parallel_loop3A_403 = arith.addi %parallel_loop3A_174, %parallel_loop3A_402 : i32
      %parallel_loop3A_404 = arith.constant 48 : i32
      %parallel_loop3A_405 = arith.addi %parallel_loop3A_403, %parallel_loop3A_404 : i32
      %parallel_loop3A_406 = arith.index_cast %parallel_loop3A_405 : i32 to index
      %parallel_loop3A_407 = tpu.vector_load %arg6[%parallel_loop3A_406] {strides = array<i32>} : memref<32768xf32, #tpu.memory_space<vmem>>, vector<16xf32>,
      %parallel_loop3A_408 = arith.constant 4 : i32
      %parallel_loop3A_409 = arith.muli %parallel_loop3A_362, %parallel_loop3A_408 : i32
      %parallel_loop3A_410 = arith.constant 3 : i32
      %parallel_loop3A_411 = arith.addi %parallel_loop3A_409, %parallel_loop3A_410 : i32
      %parallel_loop3A_412 = arith.index_cast %parallel_loop3A_411 : i32 to index
      %parallel_loop3A_413 = arith.constant 0 : index
      %parallel_loop3A_414 = tpu.vector_load %arg10[%parallel_loop3A_412, %parallel_loop3A_413] {strides = array<i32>} : memref<80x16xf32, #tpu.memory_space<vmem>>, vector<16xf32>,
      tpu.vector_store %arg10[%parallel_loop3A_412, %parallel_loop3A_413], %parallel_loop3A_407 {add = true, strides = array<i32>} : memref<80x16xf32, #tpu.memory_space<vmem>>, vector<16xf32>,
      %parallel_loop3A_415 = vector.broadcast %parallel_loop3A_362 : i32 to vector<16xi32>
      %parallel_loop3A_416 = arith.cmpi eq, %iota3A, %parallel_loop3A_415 : vector<16xi32>
      %parallel_loop3A_417 = arith.constant 1.000000e+00 : f32
      %parallel_loop3A_418 = arith.constant 0.000000e+00 : f32
      %parallel_loop3A_419 = vector.broadcast %parallel_loop3A_417 : f32 to vector<16xf32>
      %parallel_loop3A_420 = vector.broadcast %parallel_loop3A_418 : f32 to vector<16xf32>
      %parallel_loop3A_421 = arith.select %parallel_loop3A_416, %parallel_loop3A_419, %parallel_loop3A_420 : vector<16xi1>, vector<16xf32>
      %parallel_loop3A_422 = arith.addf %parallel_loop3A_360, %parallel_loop3A_421 : vector<16xf32>
      %parallel_loop3A_423 = vector.extract_strided_slice %parallel_loop3A_172 {offsets = [4], sizes = [1], strides = [1]} : vector<16xi32> to vector<1xi32>
      %parallel_loop3A_424 = vector.extract %parallel_loop3A_423[0] : i32 from vector<1xi32>
      %parallel_loop3A_425 = arith.constant 256 : i32
      %parallel_loop3A_426 = arith.addi %parallel_loop3A_174, %parallel_loop3A_425 : i32
      %parallel_loop3A_427 = arith.constant 0 : i32
      %parallel_loop3A_428 = arith.addi %parallel_loop3A_426, %parallel_loop3A_427 : i32
      %parallel_loop3A_429 = arith.index_cast %parallel_loop3A_428 : i32 to index
      %parallel_loop3A_430 = tpu.vector_load %arg6[%parallel_loop3A_429] {strides = array<i32>} : memref<32768xf32, #tpu.memory_space<vmem>>, vector<16xf32>,
      %parallel_loop3A_431 = arith.constant 4 : i32
      %parallel_loop3A_432 = arith.muli %parallel_loop3A_424, %parallel_loop3A_431 : i32
      %parallel_loop3A_433 = arith.constant 0 : i32
      %parallel_loop3A_434 = arith.addi %parallel_loop3A_432, %parallel_loop3A_433 : i32
      %parallel_loop3A_435 = arith.index_cast %parallel_loop3A_434 : i32 to index
      %parallel_loop3A_436 = arith.constant 0 : index
      %parallel_loop3A_437 = tpu.vector_load %arg10[%parallel_loop3A_435, %parallel_loop3A_436] {strides = array<i32>} : memref<80x16xf32, #tpu.memory_space<vmem>>, vector<16xf32>,
      tpu.vector_store %arg10[%parallel_loop3A_435, %parallel_loop3A_436], %parallel_loop3A_430 {add = true, strides = array<i32>} : memref<80x16xf32, #tpu.memory_space<vmem>>, vector<16xf32>,
      %parallel_loop3A_438 = arith.constant 256 : i32
      %parallel_loop3A_439 = arith.addi %parallel_loop3A_174, %parallel_loop3A_438 : i32
      %parallel_loop3A_440 = arith.constant 16 : i32
      %parallel_loop3A_441 = arith.addi %parallel_loop3A_439, %parallel_loop3A_440 : i32
      %parallel_loop3A_442 = arith.index_cast %parallel_loop3A_441 : i32 to index
      %parallel_loop3A_443 = tpu.vector_load %arg6[%parallel_loop3A_442] {strides = array<i32>} : memref<32768xf32, #tpu.memory_space<vmem>>, vector<16xf32>,
      %parallel_loop3A_444 = arith.constant 4 : i32
      %parallel_loop3A_445 = arith.muli %parallel_loop3A_424, %parallel_loop3A_444 : i32
      %parallel_loop3A_446 = arith.constant 1 : i32
      %parallel_loop3A_447 = arith.addi %parallel_loop3A_445, %parallel_loop3A_446 : i32
      %parallel_loop3A_448 = arith.index_cast %parallel_loop3A_447 : i32 to index
      %parallel_loop3A_449 = arith.constant 0 : index
      %parallel_loop3A_450 = tpu.vector_load %arg10[%parallel_loop3A_448, %parallel_loop3A_449] {strides = array<i32>} : memref<80x16xf32, #tpu.memory_space<vmem>>, vector<16xf32>,
      tpu.vector_store %arg10[%parallel_loop3A_448, %parallel_loop3A_449], %parallel_loop3A_443 {add = true, strides = array<i32>} : memref<80x16xf32, #tpu.memory_space<vmem>>, vector<16xf32>,
      %parallel_loop3A_451 = arith.constant 256 : i32
      %parallel_loop3A_452 = arith.addi %parallel_loop3A_174, %parallel_loop3A_451 : i32
      %parallel_loop3A_453 = arith.constant 32 : i32
      %parallel_loop3A_454 = arith.addi %parallel_loop3A_452, %parallel_loop3A_453 : i32
      %parallel_loop3A_455 = arith.index_cast %parallel_loop3A_454 : i32 to index
      %parallel_loop3A_456 = tpu.vector_load %arg6[%parallel_loop3A_455] {strides = array<i32>} : memref<32768xf32, #tpu.memory_space<vmem>>, vector<16xf32>,
      %parallel_loop3A_457 = arith.constant 4 : i32
      %parallel_loop3A_458 = arith.muli %parallel_loop3A_424, %parallel_loop3A_457 : i32
      %parallel_loop3A_459 = arith.constant 2 : i32
      %parallel_loop3A_460 = arith.addi %parallel_loop3A_458, %parallel_loop3A_459 : i32
      %parallel_loop3A_461 = arith.index_cast %parallel_loop3A_460 : i32 to index
      %parallel_loop3A_462 = arith.constant 0 : index
      %parallel_loop3A_463 = tpu.vector_load %arg10[%parallel_loop3A_461, %parallel_loop3A_462] {strides = array<i32>} : memref<80x16xf32, #tpu.memory_space<vmem>>, vector<16xf32>,
      tpu.vector_store %arg10[%parallel_loop3A_461, %parallel_loop3A_462], %parallel_loop3A_456 {add = true, strides = array<i32>} : memref<80x16xf32, #tpu.memory_space<vmem>>, vector<16xf32>,
      %parallel_loop3A_464 = arith.constant 256 : i32
      %parallel_loop3A_465 = arith.addi %parallel_loop3A_174, %parallel_loop3A_464 : i32
      %parallel_loop3A_466 = arith.constant 48 : i32
      %parallel_loop3A_467 = arith.addi %parallel_loop3A_465, %parallel_loop3A_466 : i32
      %parallel_loop3A_468 = arith.index_cast %parallel_loop3A_467 : i32 to index
      %parallel_loop3A_469 = tpu.vector_load %arg6[%parallel_loop3A_468] {strides = array<i32>} : memref<32768xf32, #tpu.memory_space<vmem>>, vector<16xf32>,
      %parallel_loop3A_470 = arith.constant 4 : i32
      %parallel_loop3A_471 = arith.muli %parallel_loop3A_424, %parallel_loop3A_470 : i32
      %parallel_loop3A_472 = arith.constant 3 : i32
      %parallel_loop3A_473 = arith.addi %parallel_loop3A_471, %parallel_loop3A_472 : i32
      %parallel_loop3A_474 = arith.index_cast %parallel_loop3A_473 : i32 to index
      %parallel_loop3A_475 = arith.constant 0 : index
      %parallel_loop3A_476 = tpu.vector_load %arg10[%parallel_loop3A_474, %parallel_loop3A_475] {strides = array<i32>} : memref<80x16xf32, #tpu.memory_space<vmem>>, vector<16xf32>,
      tpu.vector_store %arg10[%parallel_loop3A_474, %parallel_loop3A_475], %parallel_loop3A_469 {add = true, strides = array<i32>} : memref<80x16xf32, #tpu.memory_space<vmem>>, vector<16xf32>,
      %parallel_loop3A_477 = vector.broadcast %parallel_loop3A_424 : i32 to vector<16xi32>
      %parallel_loop3A_478 = arith.cmpi eq, %iota3A, %parallel_loop3A_477 : vector<16xi32>
      %parallel_loop3A_479 = arith.constant 1.000000e+00 : f32
      %parallel_loop3A_480 = arith.constant 0.000000e+00 : f32
      %parallel_loop3A_481 = vector.broadcast %parallel_loop3A_479 : f32 to vector<16xf32>
      %parallel_loop3A_482 = vector.broadcast %parallel_loop3A_480 : f32 to vector<16xf32>
      %parallel_loop3A_483 = arith.select %parallel_loop3A_478, %parallel_loop3A_481, %parallel_loop3A_482 : vector<16xi1>, vector<16xf32>
      %parallel_loop3A_484 = arith.addf %parallel_loop3A_422, %parallel_loop3A_483 : vector<16xf32>
      %parallel_loop3A_485 = vector.extract_strided_slice %parallel_loop3A_172 {offsets = [5], sizes = [1], strides = [1]} : vector<16xi32> to vector<1xi32>
      %parallel_loop3A_486 = vector.extract %parallel_loop3A_485[0] : i32 from vector<1xi32>
      %parallel_loop3A_487 = arith.constant 320 : i32
      %parallel_loop3A_488 = arith.addi %parallel_loop3A_174, %parallel_loop3A_487 : i32
      %parallel_loop3A_489 = arith.constant 0 : i32
      %parallel_loop3A_490 = arith.addi %parallel_loop3A_488, %parallel_loop3A_489 : i32
      %parallel_loop3A_491 = arith.index_cast %parallel_loop3A_490 : i32 to index
      %parallel_loop3A_492 = tpu.vector_load %arg6[%parallel_loop3A_491] {strides = array<i32>} : memref<32768xf32, #tpu.memory_space<vmem>>, vector<16xf32>,
      %parallel_loop3A_493 = arith.constant 4 : i32
      %parallel_loop3A_494 = arith.muli %parallel_loop3A_486, %parallel_loop3A_493 : i32
      %parallel_loop3A_495 = arith.constant 0 : i32
      %parallel_loop3A_496 = arith.addi %parallel_loop3A_494, %parallel_loop3A_495 : i32
      %parallel_loop3A_497 = arith.index_cast %parallel_loop3A_496 : i32 to index
      %parallel_loop3A_498 = arith.constant 0 : index
      %parallel_loop3A_499 = tpu.vector_load %arg10[%parallel_loop3A_497, %parallel_loop3A_498] {strides = array<i32>} : memref<80x16xf32, #tpu.memory_space<vmem>>, vector<16xf32>,
      tpu.vector_store %arg10[%parallel_loop3A_497, %parallel_loop3A_498], %parallel_loop3A_492 {add = true, strides = array<i32>} : memref<80x16xf32, #tpu.memory_space<vmem>>, vector<16xf32>,
      %parallel_loop3A_500 = arith.constant 320 : i32
      %parallel_loop3A_501 = arith.addi %parallel_loop3A_174, %parallel_loop3A_500 : i32
      %parallel_loop3A_502 = arith.constant 16 : i32
      %parallel_loop3A_503 = arith.addi %parallel_loop3A_501, %parallel_loop3A_502 : i32
      %parallel_loop3A_504 = arith.index_cast %parallel_loop3A_503 : i32 to index
      %parallel_loop3A_505 = tpu.vector_load %arg6[%parallel_loop3A_504] {strides = array<i32>} : memref<32768xf32, #tpu.memory_space<vmem>>, vector<16xf32>,
      %parallel_loop3A_506 = arith.constant 4 : i32
      %parallel_loop3A_507 = arith.muli %parallel_loop3A_486, %parallel_loop3A_506 : i32
      %parallel_loop3A_508 = arith.constant 1 : i32
      %parallel_loop3A_509 = arith.addi %parallel_loop3A_507, %parallel_loop3A_508 : i32
      %parallel_loop3A_510 = arith.index_cast %parallel_loop3A_509 : i32 to index
      %parallel_loop3A_511 = arith.constant 0 : index
      %parallel_loop3A_512 = tpu.vector_load %arg10[%parallel_loop3A_510, %parallel_loop3A_511] {strides = array<i32>} : memref<80x16xf32, #tpu.memory_space<vmem>>, vector<16xf32>,
      tpu.vector_store %arg10[%parallel_loop3A_510, %parallel_loop3A_511], %parallel_loop3A_505 {add = true, strides = array<i32>} : memref<80x16xf32, #tpu.memory_space<vmem>>, vector<16xf32>,
      %parallel_loop3A_513 = arith.constant 320 : i32
      %parallel_loop3A_514 = arith.addi %parallel_loop3A_174, %parallel_loop3A_513 : i32
      %parallel_loop3A_515 = arith.constant 32 : i32
      %parallel_loop3A_516 = arith.addi %parallel_loop3A_514, %parallel_loop3A_515 : i32
      %parallel_loop3A_517 = arith.index_cast %parallel_loop3A_516 : i32 to index
      %parallel_loop3A_518 = tpu.vector_load %arg6[%parallel_loop3A_517] {strides = array<i32>} : memref<32768xf32, #tpu.memory_space<vmem>>, vector<16xf32>,
      %parallel_loop3A_519 = arith.constant 4 : i32
      %parallel_loop3A_520 = arith.muli %parallel_loop3A_486, %parallel_loop3A_519 : i32
      %parallel_loop3A_521 = arith.constant 2 : i32
      %parallel_loop3A_522 = arith.addi %parallel_loop3A_520, %parallel_loop3A_521 : i32
      %parallel_loop3A_523 = arith.index_cast %parallel_loop3A_522 : i32 to index
      %parallel_loop3A_524 = arith.constant 0 : index
      %parallel_loop3A_525 = tpu.vector_load %arg10[%parallel_loop3A_523, %parallel_loop3A_524] {strides = array<i32>} : memref<80x16xf32, #tpu.memory_space<vmem>>, vector<16xf32>,
      tpu.vector_store %arg10[%parallel_loop3A_523, %parallel_loop3A_524], %parallel_loop3A_518 {add = true, strides = array<i32>} : memref<80x16xf32, #tpu.memory_space<vmem>>, vector<16xf32>,
      %parallel_loop3A_526 = arith.constant 320 : i32
      %parallel_loop3A_527 = arith.addi %parallel_loop3A_174, %parallel_loop3A_526 : i32
      %parallel_loop3A_528 = arith.constant 48 : i32
      %parallel_loop3A_529 = arith.addi %parallel_loop3A_527, %parallel_loop3A_528 : i32
      %parallel_loop3A_530 = arith.index_cast %parallel_loop3A_529 : i32 to index
      %parallel_loop3A_531 = tpu.vector_load %arg6[%parallel_loop3A_530] {strides = array<i32>} : memref<32768xf32, #tpu.memory_space<vmem>>, vector<16xf32>,
      %parallel_loop3A_532 = arith.constant 4 : i32
      %parallel_loop3A_533 = arith.muli %parallel_loop3A_486, %parallel_loop3A_532 : i32
      %parallel_loop3A_534 = arith.constant 3 : i32
      %parallel_loop3A_535 = arith.addi %parallel_loop3A_533, %parallel_loop3A_534 : i32
      %parallel_loop3A_536 = arith.index_cast %parallel_loop3A_535 : i32 to index
      %parallel_loop3A_537 = arith.constant 0 : index
      %parallel_loop3A_538 = tpu.vector_load %arg10[%parallel_loop3A_536, %parallel_loop3A_537] {strides = array<i32>} : memref<80x16xf32, #tpu.memory_space<vmem>>, vector<16xf32>,
      tpu.vector_store %arg10[%parallel_loop3A_536, %parallel_loop3A_537], %parallel_loop3A_531 {add = true, strides = array<i32>} : memref<80x16xf32, #tpu.memory_space<vmem>>, vector<16xf32>,
      %parallel_loop3A_539 = vector.broadcast %parallel_loop3A_486 : i32 to vector<16xi32>
      %parallel_loop3A_540 = arith.cmpi eq, %iota3A, %parallel_loop3A_539 : vector<16xi32>
      %parallel_loop3A_541 = arith.constant 1.000000e+00 : f32
      %parallel_loop3A_542 = arith.constant 0.000000e+00 : f32
      %parallel_loop3A_543 = vector.broadcast %parallel_loop3A_541 : f32 to vector<16xf32>
      %parallel_loop3A_544 = vector.broadcast %parallel_loop3A_542 : f32 to vector<16xf32>
      %parallel_loop3A_545 = arith.select %parallel_loop3A_540, %parallel_loop3A_543, %parallel_loop3A_544 : vector<16xi1>, vector<16xf32>
      %parallel_loop3A_546 = arith.addf %parallel_loop3A_484, %parallel_loop3A_545 : vector<16xf32>
      %parallel_loop3A_547 = vector.extract_strided_slice %parallel_loop3A_172 {offsets = [6], sizes = [1], strides = [1]} : vector<16xi32> to vector<1xi32>
      %parallel_loop3A_548 = vector.extract %parallel_loop3A_547[0] : i32 from vector<1xi32>
      %parallel_loop3A_549 = arith.constant 384 : i32
      %parallel_loop3A_550 = arith.addi %parallel_loop3A_174, %parallel_loop3A_549 : i32
      %parallel_loop3A_551 = arith.constant 0 : i32
      %parallel_loop3A_552 = arith.addi %parallel_loop3A_550, %parallel_loop3A_551 : i32
      %parallel_loop3A_553 = arith.index_cast %parallel_loop3A_552 : i32 to index
      %parallel_loop3A_554 = tpu.vector_load %arg6[%parallel_loop3A_553] {strides = array<i32>} : memref<32768xf32, #tpu.memory_space<vmem>>, vector<16xf32>,
      %parallel_loop3A_555 = arith.constant 4 : i32
      %parallel_loop3A_556 = arith.muli %parallel_loop3A_548, %parallel_loop3A_555 : i32
      %parallel_loop3A_557 = arith.constant 0 : i32
      %parallel_loop3A_558 = arith.addi %parallel_loop3A_556, %parallel_loop3A_557 : i32
      %parallel_loop3A_559 = arith.index_cast %parallel_loop3A_558 : i32 to index
      %parallel_loop3A_560 = arith.constant 0 : index
      %parallel_loop3A_561 = tpu.vector_load %arg10[%parallel_loop3A_559, %parallel_loop3A_560] {strides = array<i32>} : memref<80x16xf32, #tpu.memory_space<vmem>>, vector<16xf32>,
      tpu.vector_store %arg10[%parallel_loop3A_559, %parallel_loop3A_560], %parallel_loop3A_554 {add = true, strides = array<i32>} : memref<80x16xf32, #tpu.memory_space<vmem>>, vector<16xf32>,
      %parallel_loop3A_562 = arith.constant 384 : i32
      %parallel_loop3A_563 = arith.addi %parallel_loop3A_174, %parallel_loop3A_562 : i32
      %parallel_loop3A_564 = arith.constant 16 : i32
      %parallel_loop3A_565 = arith.addi %parallel_loop3A_563, %parallel_loop3A_564 : i32
      %parallel_loop3A_566 = arith.index_cast %parallel_loop3A_565 : i32 to index
      %parallel_loop3A_567 = tpu.vector_load %arg6[%parallel_loop3A_566] {strides = array<i32>} : memref<32768xf32, #tpu.memory_space<vmem>>, vector<16xf32>,
      %parallel_loop3A_568 = arith.constant 4 : i32
      %parallel_loop3A_569 = arith.muli %parallel_loop3A_548, %parallel_loop3A_568 : i32
      %parallel_loop3A_570 = arith.constant 1 : i32
      %parallel_loop3A_571 = arith.addi %parallel_loop3A_569, %parallel_loop3A_570 : i32
      %parallel_loop3A_572 = arith.index_cast %parallel_loop3A_571 : i32 to index
      %parallel_loop3A_573 = arith.constant 0 : index
      %parallel_loop3A_574 = tpu.vector_load %arg10[%parallel_loop3A_572, %parallel_loop3A_573] {strides = array<i32>} : memref<80x16xf32, #tpu.memory_space<vmem>>, vector<16xf32>,
      tpu.vector_store %arg10[%parallel_loop3A_572, %parallel_loop3A_573], %parallel_loop3A_567 {add = true, strides = array<i32>} : memref<80x16xf32, #tpu.memory_space<vmem>>, vector<16xf32>,
      %parallel_loop3A_575 = arith.constant 384 : i32
      %parallel_loop3A_576 = arith.addi %parallel_loop3A_174, %parallel_loop3A_575 : i32
      %parallel_loop3A_577 = arith.constant 32 : i32
      %parallel_loop3A_578 = arith.addi %parallel_loop3A_576, %parallel_loop3A_577 : i32
      %parallel_loop3A_579 = arith.index_cast %parallel_loop3A_578 : i32 to index
      %parallel_loop3A_580 = tpu.vector_load %arg6[%parallel_loop3A_579] {strides = array<i32>} : memref<32768xf32, #tpu.memory_space<vmem>>, vector<16xf32>,
      %parallel_loop3A_581 = arith.constant 4 : i32
      %parallel_loop3A_582 = arith.muli %parallel_loop3A_548, %parallel_loop3A_581 : i32
      %parallel_loop3A_583 = arith.constant 2 : i32
      %parallel_loop3A_584 = arith.addi %parallel_loop3A_582, %parallel_loop3A_583 : i32
      %parallel_loop3A_585 = arith.index_cast %parallel_loop3A_584 : i32 to index
      %parallel_loop3A_586 = arith.constant 0 : index
      %parallel_loop3A_587 = tpu.vector_load %arg10[%parallel_loop3A_585, %parallel_loop3A_586] {strides = array<i32>} : memref<80x16xf32, #tpu.memory_space<vmem>>, vector<16xf32>,
      tpu.vector_store %arg10[%parallel_loop3A_585, %parallel_loop3A_586], %parallel_loop3A_580 {add = true, strides = array<i32>} : memref<80x16xf32, #tpu.memory_space<vmem>>, vector<16xf32>,
      %parallel_loop3A_588 = arith.constant 384 : i32
      %parallel_loop3A_589 = arith.addi %parallel_loop3A_174, %parallel_loop3A_588 : i32
      %parallel_loop3A_590 = arith.constant 48 : i32
      %parallel_loop3A_591 = arith.addi %parallel_loop3A_589, %parallel_loop3A_590 : i32
      %parallel_loop3A_592 = arith.index_cast %parallel_loop3A_591 : i32 to index
      %parallel_loop3A_593 = tpu.vector_load %arg6[%parallel_loop3A_592] {strides = array<i32>} : memref<32768xf32, #tpu.memory_space<vmem>>, vector<16xf32>,
      %parallel_loop3A_594 = arith.constant 4 : i32
      %parallel_loop3A_595 = arith.muli %parallel_loop3A_548, %parallel_loop3A_594 : i32
      %parallel_loop3A_596 = arith.constant 3 : i32
      %parallel_loop3A_597 = arith.addi %parallel_loop3A_595, %parallel_loop3A_596 : i32
      %parallel_loop3A_598 = arith.index_cast %parallel_loop3A_597 : i32 to index
      %parallel_loop3A_599 = arith.constant 0 : index
      %parallel_loop3A_600 = tpu.vector_load %arg10[%parallel_loop3A_598, %parallel_loop3A_599] {strides = array<i32>} : memref<80x16xf32, #tpu.memory_space<vmem>>, vector<16xf32>,
      tpu.vector_store %arg10[%parallel_loop3A_598, %parallel_loop3A_599], %parallel_loop3A_593 {add = true, strides = array<i32>} : memref<80x16xf32, #tpu.memory_space<vmem>>, vector<16xf32>,
      %parallel_loop3A_601 = vector.broadcast %parallel_loop3A_548 : i32 to vector<16xi32>
      %parallel_loop3A_602 = arith.cmpi eq, %iota3A, %parallel_loop3A_601 : vector<16xi32>
      %parallel_loop3A_603 = arith.constant 1.000000e+00 : f32
      %parallel_loop3A_604 = arith.constant 0.000000e+00 : f32
      %parallel_loop3A_605 = vector.broadcast %parallel_loop3A_603 : f32 to vector<16xf32>
      %parallel_loop3A_606 = vector.broadcast %parallel_loop3A_604 : f32 to vector<16xf32>
      %parallel_loop3A_607 = arith.select %parallel_loop3A_602, %parallel_loop3A_605, %parallel_loop3A_606 : vector<16xi1>, vector<16xf32>
      %parallel_loop3A_608 = arith.addf %parallel_loop3A_546, %parallel_loop3A_607 : vector<16xf32>
      %parallel_loop3A_609 = vector.extract_strided_slice %parallel_loop3A_172 {offsets = [7], sizes = [1], strides = [1]} : vector<16xi32> to vector<1xi32>
      %parallel_loop3A_610 = vector.extract %parallel_loop3A_609[0] : i32 from vector<1xi32>
      %parallel_loop3A_611 = arith.constant 448 : i32
      %parallel_loop3A_612 = arith.addi %parallel_loop3A_174, %parallel_loop3A_611 : i32
      %parallel_loop3A_613 = arith.constant 0 : i32
      %parallel_loop3A_614 = arith.addi %parallel_loop3A_612, %parallel_loop3A_613 : i32
      %parallel_loop3A_615 = arith.index_cast %parallel_loop3A_614 : i32 to index
      %parallel_loop3A_616 = tpu.vector_load %arg6[%parallel_loop3A_615] {strides = array<i32>} : memref<32768xf32, #tpu.memory_space<vmem>>, vector<16xf32>,
      %parallel_loop3A_617 = arith.constant 4 : i32
      %parallel_loop3A_618 = arith.muli %parallel_loop3A_610, %parallel_loop3A_617 : i32
      %parallel_loop3A_619 = arith.constant 0 : i32
      %parallel_loop3A_620 = arith.addi %parallel_loop3A_618, %parallel_loop3A_619 : i32
      %parallel_loop3A_621 = arith.index_cast %parallel_loop3A_620 : i32 to index
      %parallel_loop3A_622 = arith.constant 0 : index
      %parallel_loop3A_623 = tpu.vector_load %arg10[%parallel_loop3A_621, %parallel_loop3A_622] {strides = array<i32>} : memref<80x16xf32, #tpu.memory_space<vmem>>, vector<16xf32>,
      tpu.vector_store %arg10[%parallel_loop3A_621, %parallel_loop3A_622], %parallel_loop3A_616 {add = true, strides = array<i32>} : memref<80x16xf32, #tpu.memory_space<vmem>>, vector<16xf32>,
      %parallel_loop3A_624 = arith.constant 448 : i32
      %parallel_loop3A_625 = arith.addi %parallel_loop3A_174, %parallel_loop3A_624 : i32
      %parallel_loop3A_626 = arith.constant 16 : i32
      %parallel_loop3A_627 = arith.addi %parallel_loop3A_625, %parallel_loop3A_626 : i32
      %parallel_loop3A_628 = arith.index_cast %parallel_loop3A_627 : i32 to index
      %parallel_loop3A_629 = tpu.vector_load %arg6[%parallel_loop3A_628] {strides = array<i32>} : memref<32768xf32, #tpu.memory_space<vmem>>, vector<16xf32>,
      %parallel_loop3A_630 = arith.constant 4 : i32
      %parallel_loop3A_631 = arith.muli %parallel_loop3A_610, %parallel_loop3A_630 : i32
      %parallel_loop3A_632 = arith.constant 1 : i32
      %parallel_loop3A_633 = arith.addi %parallel_loop3A_631, %parallel_loop3A_632 : i32
      %parallel_loop3A_634 = arith.index_cast %parallel_loop3A_633 : i32 to index
      %parallel_loop3A_635 = arith.constant 0 : index
      %parallel_loop3A_636 = tpu.vector_load %arg10[%parallel_loop3A_634, %parallel_loop3A_635] {strides = array<i32>} : memref<80x16xf32, #tpu.memory_space<vmem>>, vector<16xf32>,
      tpu.vector_store %arg10[%parallel_loop3A_634, %parallel_loop3A_635], %parallel_loop3A_629 {add = true, strides = array<i32>} : memref<80x16xf32, #tpu.memory_space<vmem>>, vector<16xf32>,
      %parallel_loop3A_637 = arith.constant 448 : i32
      %parallel_loop3A_638 = arith.addi %parallel_loop3A_174, %parallel_loop3A_637 : i32
      %parallel_loop3A_639 = arith.constant 32 : i32
      %parallel_loop3A_640 = arith.addi %parallel_loop3A_638, %parallel_loop3A_639 : i32
      %parallel_loop3A_641 = arith.index_cast %parallel_loop3A_640 : i32 to index
      %parallel_loop3A_642 = tpu.vector_load %arg6[%parallel_loop3A_641] {strides = array<i32>} : memref<32768xf32, #tpu.memory_space<vmem>>, vector<16xf32>,
      %parallel_loop3A_643 = arith.constant 4 : i32
      %parallel_loop3A_644 = arith.muli %parallel_loop3A_610, %parallel_loop3A_643 : i32
      %parallel_loop3A_645 = arith.constant 2 : i32
      %parallel_loop3A_646 = arith.addi %parallel_loop3A_644, %parallel_loop3A_645 : i32
      %parallel_loop3A_647 = arith.index_cast %parallel_loop3A_646 : i32 to index
      %parallel_loop3A_648 = arith.constant 0 : index
      %parallel_loop3A_649 = tpu.vector_load %arg10[%parallel_loop3A_647, %parallel_loop3A_648] {strides = array<i32>} : memref<80x16xf32, #tpu.memory_space<vmem>>, vector<16xf32>,
      tpu.vector_store %arg10[%parallel_loop3A_647, %parallel_loop3A_648], %parallel_loop3A_642 {add = true, strides = array<i32>} : memref<80x16xf32, #tpu.memory_space<vmem>>, vector<16xf32>,
      %parallel_loop3A_650 = arith.constant 448 : i32
      %parallel_loop3A_651 = arith.addi %parallel_loop3A_174, %parallel_loop3A_650 : i32
      %parallel_loop3A_652 = arith.constant 48 : i32
      %parallel_loop3A_653 = arith.addi %parallel_loop3A_651, %parallel_loop3A_652 : i32
      %parallel_loop3A_654 = arith.index_cast %parallel_loop3A_653 : i32 to index
      %parallel_loop3A_655 = tpu.vector_load %arg6[%parallel_loop3A_654] {strides = array<i32>} : memref<32768xf32, #tpu.memory_space<vmem>>, vector<16xf32>,
      %parallel_loop3A_656 = arith.constant 4 : i32
      %parallel_loop3A_657 = arith.muli %parallel_loop3A_610, %parallel_loop3A_656 : i32
      %parallel_loop3A_658 = arith.constant 3 : i32
      %parallel_loop3A_659 = arith.addi %parallel_loop3A_657, %parallel_loop3A_658 : i32
      %parallel_loop3A_660 = arith.index_cast %parallel_loop3A_659 : i32 to index
      %parallel_loop3A_661 = arith.constant 0 : index
      %parallel_loop3A_662 = tpu.vector_load %arg10[%parallel_loop3A_660, %parallel_loop3A_661] {strides = array<i32>} : memref<80x16xf32, #tpu.memory_space<vmem>>, vector<16xf32>,
      tpu.vector_store %arg10[%parallel_loop3A_660, %parallel_loop3A_661], %parallel_loop3A_655 {add = true, strides = array<i32>} : memref<80x16xf32, #tpu.memory_space<vmem>>, vector<16xf32>,
      %parallel_loop3A_663 = vector.broadcast %parallel_loop3A_610 : i32 to vector<16xi32>
      %parallel_loop3A_664 = arith.cmpi eq, %iota3A, %parallel_loop3A_663 : vector<16xi32>
      %parallel_loop3A_665 = arith.constant 1.000000e+00 : f32
      %parallel_loop3A_666 = arith.constant 0.000000e+00 : f32
      %parallel_loop3A_667 = vector.broadcast %parallel_loop3A_665 : f32 to vector<16xf32>
      %parallel_loop3A_668 = vector.broadcast %parallel_loop3A_666 : f32 to vector<16xf32>
      %parallel_loop3A_669 = arith.select %parallel_loop3A_664, %parallel_loop3A_667, %parallel_loop3A_668 : vector<16xi1>, vector<16xf32>
      %parallel_loop3A_670 = arith.addf %parallel_loop3A_608, %parallel_loop3A_669 : vector<16xf32>
      %parallel_loop3A_671 = vector.extract_strided_slice %parallel_loop3A_172 {offsets = [8], sizes = [1], strides = [1]} : vector<16xi32> to vector<1xi32>
      %parallel_loop3A_672 = vector.extract %parallel_loop3A_671[0] : i32 from vector<1xi32>
      %parallel_loop3A_673 = arith.constant 512 : i32
      %parallel_loop3A_674 = arith.addi %parallel_loop3A_174, %parallel_loop3A_673 : i32
      %parallel_loop3A_675 = arith.constant 0 : i32
      %parallel_loop3A_676 = arith.addi %parallel_loop3A_674, %parallel_loop3A_675 : i32
      %parallel_loop3A_677 = arith.index_cast %parallel_loop3A_676 : i32 to index
      %parallel_loop3A_678 = tpu.vector_load %arg6[%parallel_loop3A_677] {strides = array<i32>} : memref<32768xf32, #tpu.memory_space<vmem>>, vector<16xf32>,
      %parallel_loop3A_679 = arith.constant 4 : i32
      %parallel_loop3A_680 = arith.muli %parallel_loop3A_672, %parallel_loop3A_679 : i32
      %parallel_loop3A_681 = arith.constant 0 : i32
      %parallel_loop3A_682 = arith.addi %parallel_loop3A_680, %parallel_loop3A_681 : i32
      %parallel_loop3A_683 = arith.index_cast %parallel_loop3A_682 : i32 to index
      %parallel_loop3A_684 = arith.constant 0 : index
      %parallel_loop3A_685 = tpu.vector_load %arg10[%parallel_loop3A_683, %parallel_loop3A_684] {strides = array<i32>} : memref<80x16xf32, #tpu.memory_space<vmem>>, vector<16xf32>,
      tpu.vector_store %arg10[%parallel_loop3A_683, %parallel_loop3A_684], %parallel_loop3A_678 {add = true, strides = array<i32>} : memref<80x16xf32, #tpu.memory_space<vmem>>, vector<16xf32>,
      %parallel_loop3A_686 = arith.constant 512 : i32
      %parallel_loop3A_687 = arith.addi %parallel_loop3A_174, %parallel_loop3A_686 : i32
      %parallel_loop3A_688 = arith.constant 16 : i32
      %parallel_loop3A_689 = arith.addi %parallel_loop3A_687, %parallel_loop3A_688 : i32
      %parallel_loop3A_690 = arith.index_cast %parallel_loop3A_689 : i32 to index
      %parallel_loop3A_691 = tpu.vector_load %arg6[%parallel_loop3A_690] {strides = array<i32>} : memref<32768xf32, #tpu.memory_space<vmem>>, vector<16xf32>,
      %parallel_loop3A_692 = arith.constant 4 : i32
      %parallel_loop3A_693 = arith.muli %parallel_loop3A_672, %parallel_loop3A_692 : i32
      %parallel_loop3A_694 = arith.constant 1 : i32
      %parallel_loop3A_695 = arith.addi %parallel_loop3A_693, %parallel_loop3A_694 : i32
      %parallel_loop3A_696 = arith.index_cast %parallel_loop3A_695 : i32 to index
      %parallel_loop3A_697 = arith.constant 0 : index
      %parallel_loop3A_698 = tpu.vector_load %arg10[%parallel_loop3A_696, %parallel_loop3A_697] {strides = array<i32>} : memref<80x16xf32, #tpu.memory_space<vmem>>, vector<16xf32>,
      tpu.vector_store %arg10[%parallel_loop3A_696, %parallel_loop3A_697], %parallel_loop3A_691 {add = true, strides = array<i32>} : memref<80x16xf32, #tpu.memory_space<vmem>>, vector<16xf32>,
      %parallel_loop3A_699 = arith.constant 512 : i32
      %parallel_loop3A_700 = arith.addi %parallel_loop3A_174, %parallel_loop3A_699 : i32
      %parallel_loop3A_701 = arith.constant 32 : i32
      %parallel_loop3A_702 = arith.addi %parallel_loop3A_700, %parallel_loop3A_701 : i32
      %parallel_loop3A_703 = arith.index_cast %parallel_loop3A_702 : i32 to index
      %parallel_loop3A_704 = tpu.vector_load %arg6[%parallel_loop3A_703] {strides = array<i32>} : memref<32768xf32, #tpu.memory_space<vmem>>, vector<16xf32>,
      %parallel_loop3A_705 = arith.constant 4 : i32
      %parallel_loop3A_706 = arith.muli %parallel_loop3A_672, %parallel_loop3A_705 : i32
      %parallel_loop3A_707 = arith.constant 2 : i32
      %parallel_loop3A_708 = arith.addi %parallel_loop3A_706, %parallel_loop3A_707 : i32
      %parallel_loop3A_709 = arith.index_cast %parallel_loop3A_708 : i32 to index
      %parallel_loop3A_710 = arith.constant 0 : index
      %parallel_loop3A_711 = tpu.vector_load %arg10[%parallel_loop3A_709, %parallel_loop3A_710] {strides = array<i32>} : memref<80x16xf32, #tpu.memory_space<vmem>>, vector<16xf32>,
      tpu.vector_store %arg10[%parallel_loop3A_709, %parallel_loop3A_710], %parallel_loop3A_704 {add = true, strides = array<i32>} : memref<80x16xf32, #tpu.memory_space<vmem>>, vector<16xf32>,
      %parallel_loop3A_712 = arith.constant 512 : i32
      %parallel_loop3A_713 = arith.addi %parallel_loop3A_174, %parallel_loop3A_712 : i32
      %parallel_loop3A_714 = arith.constant 48 : i32
      %parallel_loop3A_715 = arith.addi %parallel_loop3A_713, %parallel_loop3A_714 : i32
      %parallel_loop3A_716 = arith.index_cast %parallel_loop3A_715 : i32 to index
      %parallel_loop3A_717 = tpu.vector_load %arg6[%parallel_loop3A_716] {strides = array<i32>} : memref<32768xf32, #tpu.memory_space<vmem>>, vector<16xf32>,
      %parallel_loop3A_718 = arith.constant 4 : i32
      %parallel_loop3A_719 = arith.muli %parallel_loop3A_672, %parallel_loop3A_718 : i32
      %parallel_loop3A_720 = arith.constant 3 : i32
      %parallel_loop3A_721 = arith.addi %parallel_loop3A_719, %parallel_loop3A_720 : i32
      %parallel_loop3A_722 = arith.index_cast %parallel_loop3A_721 : i32 to index
      %parallel_loop3A_723 = arith.constant 0 : index
      %parallel_loop3A_724 = tpu.vector_load %arg10[%parallel_loop3A_722, %parallel_loop3A_723] {strides = array<i32>} : memref<80x16xf32, #tpu.memory_space<vmem>>, vector<16xf32>,
      tpu.vector_store %arg10[%parallel_loop3A_722, %parallel_loop3A_723], %parallel_loop3A_717 {add = true, strides = array<i32>} : memref<80x16xf32, #tpu.memory_space<vmem>>, vector<16xf32>,
      %parallel_loop3A_725 = vector.broadcast %parallel_loop3A_672 : i32 to vector<16xi32>
      %parallel_loop3A_726 = arith.cmpi eq, %iota3A, %parallel_loop3A_725 : vector<16xi32>
      %parallel_loop3A_727 = arith.constant 1.000000e+00 : f32
      %parallel_loop3A_728 = arith.constant 0.000000e+00 : f32
      %parallel_loop3A_729 = vector.broadcast %parallel_loop3A_727 : f32 to vector<16xf32>
      %parallel_loop3A_730 = vector.broadcast %parallel_loop3A_728 : f32 to vector<16xf32>
      %parallel_loop3A_731 = arith.select %parallel_loop3A_726, %parallel_loop3A_729, %parallel_loop3A_730 : vector<16xi1>, vector<16xf32>
      %parallel_loop3A_732 = arith.addf %parallel_loop3A_670, %parallel_loop3A_731 : vector<16xf32>
      %parallel_loop3A_733 = vector.extract_strided_slice %parallel_loop3A_172 {offsets = [9], sizes = [1], strides = [1]} : vector<16xi32> to vector<1xi32>
      %parallel_loop3A_734 = vector.extract %parallel_loop3A_733[0] : i32 from vector<1xi32>
      %parallel_loop3A_735 = arith.constant 576 : i32
      %parallel_loop3A_736 = arith.addi %parallel_loop3A_174, %parallel_loop3A_735 : i32
      %parallel_loop3A_737 = arith.constant 0 : i32
      %parallel_loop3A_738 = arith.addi %parallel_loop3A_736, %parallel_loop3A_737 : i32
      %parallel_loop3A_739 = arith.index_cast %parallel_loop3A_738 : i32 to index
      %parallel_loop3A_740 = tpu.vector_load %arg6[%parallel_loop3A_739] {strides = array<i32>} : memref<32768xf32, #tpu.memory_space<vmem>>, vector<16xf32>,
      %parallel_loop3A_741 = arith.constant 4 : i32
      %parallel_loop3A_742 = arith.muli %parallel_loop3A_734, %parallel_loop3A_741 : i32
      %parallel_loop3A_743 = arith.constant 0 : i32
      %parallel_loop3A_744 = arith.addi %parallel_loop3A_742, %parallel_loop3A_743 : i32
      %parallel_loop3A_745 = arith.index_cast %parallel_loop3A_744 : i32 to index
      %parallel_loop3A_746 = arith.constant 0 : index
      %parallel_loop3A_747 = tpu.vector_load %arg10[%parallel_loop3A_745, %parallel_loop3A_746] {strides = array<i32>} : memref<80x16xf32, #tpu.memory_space<vmem>>, vector<16xf32>,
      tpu.vector_store %arg10[%parallel_loop3A_745, %parallel_loop3A_746], %parallel_loop3A_740 {add = true, strides = array<i32>} : memref<80x16xf32, #tpu.memory_space<vmem>>, vector<16xf32>,
      %parallel_loop3A_748 = arith.constant 576 : i32
      %parallel_loop3A_749 = arith.addi %parallel_loop3A_174, %parallel_loop3A_748 : i32
      %parallel_loop3A_750 = arith.constant 16 : i32
      %parallel_loop3A_751 = arith.addi %parallel_loop3A_749, %parallel_loop3A_750 : i32
      %parallel_loop3A_752 = arith.index_cast %parallel_loop3A_751 : i32 to index
      %parallel_loop3A_753 = tpu.vector_load %arg6[%parallel_loop3A_752] {strides = array<i32>} : memref<32768xf32, #tpu.memory_space<vmem>>, vector<16xf32>,
      %parallel_loop3A_754 = arith.constant 4 : i32
      %parallel_loop3A_755 = arith.muli %parallel_loop3A_734, %parallel_loop3A_754 : i32
      %parallel_loop3A_756 = arith.constant 1 : i32
      %parallel_loop3A_757 = arith.addi %parallel_loop3A_755, %parallel_loop3A_756 : i32
      %parallel_loop3A_758 = arith.index_cast %parallel_loop3A_757 : i32 to index
      %parallel_loop3A_759 = arith.constant 0 : index
      %parallel_loop3A_760 = tpu.vector_load %arg10[%parallel_loop3A_758, %parallel_loop3A_759] {strides = array<i32>} : memref<80x16xf32, #tpu.memory_space<vmem>>, vector<16xf32>,
      tpu.vector_store %arg10[%parallel_loop3A_758, %parallel_loop3A_759], %parallel_loop3A_753 {add = true, strides = array<i32>} : memref<80x16xf32, #tpu.memory_space<vmem>>, vector<16xf32>,
      %parallel_loop3A_761 = arith.constant 576 : i32
      %parallel_loop3A_762 = arith.addi %parallel_loop3A_174, %parallel_loop3A_761 : i32
      %parallel_loop3A_763 = arith.constant 32 : i32
      %parallel_loop3A_764 = arith.addi %parallel_loop3A_762, %parallel_loop3A_763 : i32
      %parallel_loop3A_765 = arith.index_cast %parallel_loop3A_764 : i32 to index
      %parallel_loop3A_766 = tpu.vector_load %arg6[%parallel_loop3A_765] {strides = array<i32>} : memref<32768xf32, #tpu.memory_space<vmem>>, vector<16xf32>,
      %parallel_loop3A_767 = arith.constant 4 : i32
      %parallel_loop3A_768 = arith.muli %parallel_loop3A_734, %parallel_loop3A_767 : i32
      %parallel_loop3A_769 = arith.constant 2 : i32
      %parallel_loop3A_770 = arith.addi %parallel_loop3A_768, %parallel_loop3A_769 : i32
      %parallel_loop3A_771 = arith.index_cast %parallel_loop3A_770 : i32 to index
      %parallel_loop3A_772 = arith.constant 0 : index
      %parallel_loop3A_773 = tpu.vector_load %arg10[%parallel_loop3A_771, %parallel_loop3A_772] {strides = array<i32>} : memref<80x16xf32, #tpu.memory_space<vmem>>, vector<16xf32>,
      tpu.vector_store %arg10[%parallel_loop3A_771, %parallel_loop3A_772], %parallel_loop3A_766 {add = true, strides = array<i32>} : memref<80x16xf32, #tpu.memory_space<vmem>>, vector<16xf32>,
      %parallel_loop3A_774 = arith.constant 576 : i32
      %parallel_loop3A_775 = arith.addi %parallel_loop3A_174, %parallel_loop3A_774 : i32
      %parallel_loop3A_776 = arith.constant 48 : i32
      %parallel_loop3A_777 = arith.addi %parallel_loop3A_775, %parallel_loop3A_776 : i32
      %parallel_loop3A_778 = arith.index_cast %parallel_loop3A_777 : i32 to index
      %parallel_loop3A_779 = tpu.vector_load %arg6[%parallel_loop3A_778] {strides = array<i32>} : memref<32768xf32, #tpu.memory_space<vmem>>, vector<16xf32>,
      %parallel_loop3A_780 = arith.constant 4 : i32
      %parallel_loop3A_781 = arith.muli %parallel_loop3A_734, %parallel_loop3A_780 : i32
      %parallel_loop3A_782 = arith.constant 3 : i32
      %parallel_loop3A_783 = arith.addi %parallel_loop3A_781, %parallel_loop3A_782 : i32
      %parallel_loop3A_784 = arith.index_cast %parallel_loop3A_783 : i32 to index
      %parallel_loop3A_785 = arith.constant 0 : index
      %parallel_loop3A_786 = tpu.vector_load %arg10[%parallel_loop3A_784, %parallel_loop3A_785] {strides = array<i32>} : memref<80x16xf32, #tpu.memory_space<vmem>>, vector<16xf32>,
      tpu.vector_store %arg10[%parallel_loop3A_784, %parallel_loop3A_785], %parallel_loop3A_779 {add = true, strides = array<i32>} : memref<80x16xf32, #tpu.memory_space<vmem>>, vector<16xf32>,
      %parallel_loop3A_787 = vector.broadcast %parallel_loop3A_734 : i32 to vector<16xi32>
      %parallel_loop3A_788 = arith.cmpi eq, %iota3A, %parallel_loop3A_787 : vector<16xi32>
      %parallel_loop3A_789 = arith.constant 1.000000e+00 : f32
      %parallel_loop3A_790 = arith.constant 0.000000e+00 : f32
      %parallel_loop3A_791 = vector.broadcast %parallel_loop3A_789 : f32 to vector<16xf32>
      %parallel_loop3A_792 = vector.broadcast %parallel_loop3A_790 : f32 to vector<16xf32>
      %parallel_loop3A_793 = arith.select %parallel_loop3A_788, %parallel_loop3A_791, %parallel_loop3A_792 : vector<16xi1>, vector<16xf32>
      %parallel_loop3A_794 = arith.addf %parallel_loop3A_732, %parallel_loop3A_793 : vector<16xf32>
      %parallel_loop3A_795 = vector.extract_strided_slice %parallel_loop3A_172 {offsets = [10], sizes = [1], strides = [1]} : vector<16xi32> to vector<1xi32>
      %parallel_loop3A_796 = vector.extract %parallel_loop3A_795[0] : i32 from vector<1xi32>
      %parallel_loop3A_797 = arith.constant 640 : i32
      %parallel_loop3A_798 = arith.addi %parallel_loop3A_174, %parallel_loop3A_797 : i32
      %parallel_loop3A_799 = arith.constant 0 : i32
      %parallel_loop3A_800 = arith.addi %parallel_loop3A_798, %parallel_loop3A_799 : i32
      %parallel_loop3A_801 = arith.index_cast %parallel_loop3A_800 : i32 to index
      %parallel_loop3A_802 = tpu.vector_load %arg6[%parallel_loop3A_801] {strides = array<i32>} : memref<32768xf32, #tpu.memory_space<vmem>>, vector<16xf32>,
      %parallel_loop3A_803 = arith.constant 4 : i32
      %parallel_loop3A_804 = arith.muli %parallel_loop3A_796, %parallel_loop3A_803 : i32
      %parallel_loop3A_805 = arith.constant 0 : i32
      %parallel_loop3A_806 = arith.addi %parallel_loop3A_804, %parallel_loop3A_805 : i32
      %parallel_loop3A_807 = arith.index_cast %parallel_loop3A_806 : i32 to index
      %parallel_loop3A_808 = arith.constant 0 : index
      %parallel_loop3A_809 = tpu.vector_load %arg10[%parallel_loop3A_807, %parallel_loop3A_808] {strides = array<i32>} : memref<80x16xf32, #tpu.memory_space<vmem>>, vector<16xf32>,
      tpu.vector_store %arg10[%parallel_loop3A_807, %parallel_loop3A_808], %parallel_loop3A_802 {add = true, strides = array<i32>} : memref<80x16xf32, #tpu.memory_space<vmem>>, vector<16xf32>,
      %parallel_loop3A_810 = arith.constant 640 : i32
      %parallel_loop3A_811 = arith.addi %parallel_loop3A_174, %parallel_loop3A_810 : i32
      %parallel_loop3A_812 = arith.constant 16 : i32
      %parallel_loop3A_813 = arith.addi %parallel_loop3A_811, %parallel_loop3A_812 : i32
      %parallel_loop3A_814 = arith.index_cast %parallel_loop3A_813 : i32 to index
      %parallel_loop3A_815 = tpu.vector_load %arg6[%parallel_loop3A_814] {strides = array<i32>} : memref<32768xf32, #tpu.memory_space<vmem>>, vector<16xf32>,
      %parallel_loop3A_816 = arith.constant 4 : i32
      %parallel_loop3A_817 = arith.muli %parallel_loop3A_796, %parallel_loop3A_816 : i32
      %parallel_loop3A_818 = arith.constant 1 : i32
      %parallel_loop3A_819 = arith.addi %parallel_loop3A_817, %parallel_loop3A_818 : i32
      %parallel_loop3A_820 = arith.index_cast %parallel_loop3A_819 : i32 to index
      %parallel_loop3A_821 = arith.constant 0 : index
      %parallel_loop3A_822 = tpu.vector_load %arg10[%parallel_loop3A_820, %parallel_loop3A_821] {strides = array<i32>} : memref<80x16xf32, #tpu.memory_space<vmem>>, vector<16xf32>,
      tpu.vector_store %arg10[%parallel_loop3A_820, %parallel_loop3A_821], %parallel_loop3A_815 {add = true, strides = array<i32>} : memref<80x16xf32, #tpu.memory_space<vmem>>, vector<16xf32>,
      %parallel_loop3A_823 = arith.constant 640 : i32
      %parallel_loop3A_824 = arith.addi %parallel_loop3A_174, %parallel_loop3A_823 : i32
      %parallel_loop3A_825 = arith.constant 32 : i32
      %parallel_loop3A_826 = arith.addi %parallel_loop3A_824, %parallel_loop3A_825 : i32
      %parallel_loop3A_827 = arith.index_cast %parallel_loop3A_826 : i32 to index
      %parallel_loop3A_828 = tpu.vector_load %arg6[%parallel_loop3A_827] {strides = array<i32>} : memref<32768xf32, #tpu.memory_space<vmem>>, vector<16xf32>,
      %parallel_loop3A_829 = arith.constant 4 : i32
      %parallel_loop3A_830 = arith.muli %parallel_loop3A_796, %parallel_loop3A_829 : i32
      %parallel_loop3A_831 = arith.constant 2 : i32
      %parallel_loop3A_832 = arith.addi %parallel_loop3A_830, %parallel_loop3A_831 : i32
      %parallel_loop3A_833 = arith.index_cast %parallel_loop3A_832 : i32 to index
      %parallel_loop3A_834 = arith.constant 0 : index
      %parallel_loop3A_835 = tpu.vector_load %arg10[%parallel_loop3A_833, %parallel_loop3A_834] {strides = array<i32>} : memref<80x16xf32, #tpu.memory_space<vmem>>, vector<16xf32>,
      tpu.vector_store %arg10[%parallel_loop3A_833, %parallel_loop3A_834], %parallel_loop3A_828 {add = true, strides = array<i32>} : memref<80x16xf32, #tpu.memory_space<vmem>>, vector<16xf32>,
      %parallel_loop3A_836 = arith.constant 640 : i32
      %parallel_loop3A_837 = arith.addi %parallel_loop3A_174, %parallel_loop3A_836 : i32
      %parallel_loop3A_838 = arith.constant 48 : i32
      %parallel_loop3A_839 = arith.addi %parallel_loop3A_837, %parallel_loop3A_838 : i32
      %parallel_loop3A_840 = arith.index_cast %parallel_loop3A_839 : i32 to index
      %parallel_loop3A_841 = tpu.vector_load %arg6[%parallel_loop3A_840] {strides = array<i32>} : memref<32768xf32, #tpu.memory_space<vmem>>, vector<16xf32>,
      %parallel_loop3A_842 = arith.constant 4 : i32
      %parallel_loop3A_843 = arith.muli %parallel_loop3A_796, %parallel_loop3A_842 : i32
      %parallel_loop3A_844 = arith.constant 3 : i32
      %parallel_loop3A_845 = arith.addi %parallel_loop3A_843, %parallel_loop3A_844 : i32
      %parallel_loop3A_846 = arith.index_cast %parallel_loop3A_845 : i32 to index
      %parallel_loop3A_847 = arith.constant 0 : index
      %parallel_loop3A_848 = tpu.vector_load %arg10[%parallel_loop3A_846, %parallel_loop3A_847] {strides = array<i32>} : memref<80x16xf32, #tpu.memory_space<vmem>>, vector<16xf32>,
      tpu.vector_store %arg10[%parallel_loop3A_846, %parallel_loop3A_847], %parallel_loop3A_841 {add = true, strides = array<i32>} : memref<80x16xf32, #tpu.memory_space<vmem>>, vector<16xf32>,
      %parallel_loop3A_849 = vector.broadcast %parallel_loop3A_796 : i32 to vector<16xi32>
      %parallel_loop3A_850 = arith.cmpi eq, %iota3A, %parallel_loop3A_849 : vector<16xi32>
      %parallel_loop3A_851 = arith.constant 1.000000e+00 : f32
      %parallel_loop3A_852 = arith.constant 0.000000e+00 : f32
      %parallel_loop3A_853 = vector.broadcast %parallel_loop3A_851 : f32 to vector<16xf32>
      %parallel_loop3A_854 = vector.broadcast %parallel_loop3A_852 : f32 to vector<16xf32>
      %parallel_loop3A_855 = arith.select %parallel_loop3A_850, %parallel_loop3A_853, %parallel_loop3A_854 : vector<16xi1>, vector<16xf32>
      %parallel_loop3A_856 = arith.addf %parallel_loop3A_794, %parallel_loop3A_855 : vector<16xf32>
      %parallel_loop3A_857 = vector.extract_strided_slice %parallel_loop3A_172 {offsets = [11], sizes = [1], strides = [1]} : vector<16xi32> to vector<1xi32>
      %parallel_loop3A_858 = vector.extract %parallel_loop3A_857[0] : i32 from vector<1xi32>
      %parallel_loop3A_859 = arith.constant 704 : i32
      %parallel_loop3A_860 = arith.addi %parallel_loop3A_174, %parallel_loop3A_859 : i32
      %parallel_loop3A_861 = arith.constant 0 : i32
      %parallel_loop3A_862 = arith.addi %parallel_loop3A_860, %parallel_loop3A_861 : i32
      %parallel_loop3A_863 = arith.index_cast %parallel_loop3A_862 : i32 to index
      %parallel_loop3A_864 = tpu.vector_load %arg6[%parallel_loop3A_863] {strides = array<i32>} : memref<32768xf32, #tpu.memory_space<vmem>>, vector<16xf32>,
      %parallel_loop3A_865 = arith.constant 4 : i32
      %parallel_loop3A_866 = arith.muli %parallel_loop3A_858, %parallel_loop3A_865 : i32
      %parallel_loop3A_867 = arith.constant 0 : i32
      %parallel_loop3A_868 = arith.addi %parallel_loop3A_866, %parallel_loop3A_867 : i32
      %parallel_loop3A_869 = arith.index_cast %parallel_loop3A_868 : i32 to index
      %parallel_loop3A_870 = arith.constant 0 : index
      %parallel_loop3A_871 = tpu.vector_load %arg10[%parallel_loop3A_869, %parallel_loop3A_870] {strides = array<i32>} : memref<80x16xf32, #tpu.memory_space<vmem>>, vector<16xf32>,
      tpu.vector_store %arg10[%parallel_loop3A_869, %parallel_loop3A_870], %parallel_loop3A_864 {add = true, strides = array<i32>} : memref<80x16xf32, #tpu.memory_space<vmem>>, vector<16xf32>,
      %parallel_loop3A_872 = arith.constant 704 : i32
      %parallel_loop3A_873 = arith.addi %parallel_loop3A_174, %parallel_loop3A_872 : i32
      %parallel_loop3A_874 = arith.constant 16 : i32
      %parallel_loop3A_875 = arith.addi %parallel_loop3A_873, %parallel_loop3A_874 : i32
      %parallel_loop3A_876 = arith.index_cast %parallel_loop3A_875 : i32 to index
      %parallel_loop3A_877 = tpu.vector_load %arg6[%parallel_loop3A_876] {strides = array<i32>} : memref<32768xf32, #tpu.memory_space<vmem>>, vector<16xf32>,
      %parallel_loop3A_878 = arith.constant 4 : i32
      %parallel_loop3A_879 = arith.muli %parallel_loop3A_858, %parallel_loop3A_878 : i32
      %parallel_loop3A_880 = arith.constant 1 : i32
      %parallel_loop3A_881 = arith.addi %parallel_loop3A_879, %parallel_loop3A_880 : i32
      %parallel_loop3A_882 = arith.index_cast %parallel_loop3A_881 : i32 to index
      %parallel_loop3A_883 = arith.constant 0 : index
      %parallel_loop3A_884 = tpu.vector_load %arg10[%parallel_loop3A_882, %parallel_loop3A_883] {strides = array<i32>} : memref<80x16xf32, #tpu.memory_space<vmem>>, vector<16xf32>,
      tpu.vector_store %arg10[%parallel_loop3A_882, %parallel_loop3A_883], %parallel_loop3A_877 {add = true, strides = array<i32>} : memref<80x16xf32, #tpu.memory_space<vmem>>, vector<16xf32>,
      %parallel_loop3A_885 = arith.constant 704 : i32
      %parallel_loop3A_886 = arith.addi %parallel_loop3A_174, %parallel_loop3A_885 : i32
      %parallel_loop3A_887 = arith.constant 32 : i32
      %parallel_loop3A_888 = arith.addi %parallel_loop3A_886, %parallel_loop3A_887 : i32
      %parallel_loop3A_889 = arith.index_cast %parallel_loop3A_888 : i32 to index
      %parallel_loop3A_890 = tpu.vector_load %arg6[%parallel_loop3A_889] {strides = array<i32>} : memref<32768xf32, #tpu.memory_space<vmem>>, vector<16xf32>,
      %parallel_loop3A_891 = arith.constant 4 : i32
      %parallel_loop3A_892 = arith.muli %parallel_loop3A_858, %parallel_loop3A_891 : i32
      %parallel_loop3A_893 = arith.constant 2 : i32
      %parallel_loop3A_894 = arith.addi %parallel_loop3A_892, %parallel_loop3A_893 : i32
      %parallel_loop3A_895 = arith.index_cast %parallel_loop3A_894 : i32 to index
      %parallel_loop3A_896 = arith.constant 0 : index
      %parallel_loop3A_897 = tpu.vector_load %arg10[%parallel_loop3A_895, %parallel_loop3A_896] {strides = array<i32>} : memref<80x16xf32, #tpu.memory_space<vmem>>, vector<16xf32>,
      tpu.vector_store %arg10[%parallel_loop3A_895, %parallel_loop3A_896], %parallel_loop3A_890 {add = true, strides = array<i32>} : memref<80x16xf32, #tpu.memory_space<vmem>>, vector<16xf32>,
      %parallel_loop3A_898 = arith.constant 704 : i32
      %parallel_loop3A_899 = arith.addi %parallel_loop3A_174, %parallel_loop3A_898 : i32
      %parallel_loop3A_900 = arith.constant 48 : i32
      %parallel_loop3A_901 = arith.addi %parallel_loop3A_899, %parallel_loop3A_900 : i32
      %parallel_loop3A_902 = arith.index_cast %parallel_loop3A_901 : i32 to index
      %parallel_loop3A_903 = tpu.vector_load %arg6[%parallel_loop3A_902] {strides = array<i32>} : memref<32768xf32, #tpu.memory_space<vmem>>, vector<16xf32>,
      %parallel_loop3A_904 = arith.constant 4 : i32
      %parallel_loop3A_905 = arith.muli %parallel_loop3A_858, %parallel_loop3A_904 : i32
      %parallel_loop3A_906 = arith.constant 3 : i32
      %parallel_loop3A_907 = arith.addi %parallel_loop3A_905, %parallel_loop3A_906 : i32
      %parallel_loop3A_908 = arith.index_cast %parallel_loop3A_907 : i32 to index
      %parallel_loop3A_909 = arith.constant 0 : index
      %parallel_loop3A_910 = tpu.vector_load %arg10[%parallel_loop3A_908, %parallel_loop3A_909] {strides = array<i32>} : memref<80x16xf32, #tpu.memory_space<vmem>>, vector<16xf32>,
      tpu.vector_store %arg10[%parallel_loop3A_908, %parallel_loop3A_909], %parallel_loop3A_903 {add = true, strides = array<i32>} : memref<80x16xf32, #tpu.memory_space<vmem>>, vector<16xf32>,
      %parallel_loop3A_911 = vector.broadcast %parallel_loop3A_858 : i32 to vector<16xi32>
      %parallel_loop3A_912 = arith.cmpi eq, %iota3A, %parallel_loop3A_911 : vector<16xi32>
      %parallel_loop3A_913 = arith.constant 1.000000e+00 : f32
      %parallel_loop3A_914 = arith.constant 0.000000e+00 : f32
      %parallel_loop3A_915 = vector.broadcast %parallel_loop3A_913 : f32 to vector<16xf32>
      %parallel_loop3A_916 = vector.broadcast %parallel_loop3A_914 : f32 to vector<16xf32>
      %parallel_loop3A_917 = arith.select %parallel_loop3A_912, %parallel_loop3A_915, %parallel_loop3A_916 : vector<16xi1>, vector<16xf32>
      %parallel_loop3A_918 = arith.addf %parallel_loop3A_856, %parallel_loop3A_917 : vector<16xf32>
      %parallel_loop3A_919 = vector.extract_strided_slice %parallel_loop3A_172 {offsets = [12], sizes = [1], strides = [1]} : vector<16xi32> to vector<1xi32>
      %parallel_loop3A_920 = vector.extract %parallel_loop3A_919[0] : i32 from vector<1xi32>
      %parallel_loop3A_921 = arith.constant 768 : i32
      %parallel_loop3A_922 = arith.addi %parallel_loop3A_174, %parallel_loop3A_921 : i32
      %parallel_loop3A_923 = arith.constant 0 : i32
      %parallel_loop3A_924 = arith.addi %parallel_loop3A_922, %parallel_loop3A_923 : i32
      %parallel_loop3A_925 = arith.index_cast %parallel_loop3A_924 : i32 to index
      %parallel_loop3A_926 = tpu.vector_load %arg6[%parallel_loop3A_925] {strides = array<i32>} : memref<32768xf32, #tpu.memory_space<vmem>>, vector<16xf32>,
      %parallel_loop3A_927 = arith.constant 4 : i32
      %parallel_loop3A_928 = arith.muli %parallel_loop3A_920, %parallel_loop3A_927 : i32
      %parallel_loop3A_929 = arith.constant 0 : i32
      %parallel_loop3A_930 = arith.addi %parallel_loop3A_928, %parallel_loop3A_929 : i32
      %parallel_loop3A_931 = arith.index_cast %parallel_loop3A_930 : i32 to index
      %parallel_loop3A_932 = arith.constant 0 : index
      %parallel_loop3A_933 = tpu.vector_load %arg10[%parallel_loop3A_931, %parallel_loop3A_932] {strides = array<i32>} : memref<80x16xf32, #tpu.memory_space<vmem>>, vector<16xf32>,
      tpu.vector_store %arg10[%parallel_loop3A_931, %parallel_loop3A_932], %parallel_loop3A_926 {add = true, strides = array<i32>} : memref<80x16xf32, #tpu.memory_space<vmem>>, vector<16xf32>,
      %parallel_loop3A_934 = arith.constant 768 : i32
      %parallel_loop3A_935 = arith.addi %parallel_loop3A_174, %parallel_loop3A_934 : i32
      %parallel_loop3A_936 = arith.constant 16 : i32
      %parallel_loop3A_937 = arith.addi %parallel_loop3A_935, %parallel_loop3A_936 : i32
      %parallel_loop3A_938 = arith.index_cast %parallel_loop3A_937 : i32 to index
      %parallel_loop3A_939 = tpu.vector_load %arg6[%parallel_loop3A_938] {strides = array<i32>} : memref<32768xf32, #tpu.memory_space<vmem>>, vector<16xf32>,
      %parallel_loop3A_940 = arith.constant 4 : i32
      %parallel_loop3A_941 = arith.muli %parallel_loop3A_920, %parallel_loop3A_940 : i32
      %parallel_loop3A_942 = arith.constant 1 : i32
      %parallel_loop3A_943 = arith.addi %parallel_loop3A_941, %parallel_loop3A_942 : i32
      %parallel_loop3A_944 = arith.index_cast %parallel_loop3A_943 : i32 to index
      %parallel_loop3A_945 = arith.constant 0 : index
      %parallel_loop3A_946 = tpu.vector_load %arg10[%parallel_loop3A_944, %parallel_loop3A_945] {strides = array<i32>} : memref<80x16xf32, #tpu.memory_space<vmem>>, vector<16xf32>,
      tpu.vector_store %arg10[%parallel_loop3A_944, %parallel_loop3A_945], %parallel_loop3A_939 {add = true, strides = array<i32>} : memref<80x16xf32, #tpu.memory_space<vmem>>, vector<16xf32>,
      %parallel_loop3A_947 = arith.constant 768 : i32
      %parallel_loop3A_948 = arith.addi %parallel_loop3A_174, %parallel_loop3A_947 : i32
      %parallel_loop3A_949 = arith.constant 32 : i32
      %parallel_loop3A_950 = arith.addi %parallel_loop3A_948, %parallel_loop3A_949 : i32
      %parallel_loop3A_951 = arith.index_cast %parallel_loop3A_950 : i32 to index
      %parallel_loop3A_952 = tpu.vector_load %arg6[%parallel_loop3A_951] {strides = array<i32>} : memref<32768xf32, #tpu.memory_space<vmem>>, vector<16xf32>,
      %parallel_loop3A_953 = arith.constant 4 : i32
      %parallel_loop3A_954 = arith.muli %parallel_loop3A_920, %parallel_loop3A_953 : i32
      %parallel_loop3A_955 = arith.constant 2 : i32
      %parallel_loop3A_956 = arith.addi %parallel_loop3A_954, %parallel_loop3A_955 : i32
      %parallel_loop3A_957 = arith.index_cast %parallel_loop3A_956 : i32 to index
      %parallel_loop3A_958 = arith.constant 0 : index
      %parallel_loop3A_959 = tpu.vector_load %arg10[%parallel_loop3A_957, %parallel_loop3A_958] {strides = array<i32>} : memref<80x16xf32, #tpu.memory_space<vmem>>, vector<16xf32>,
      tpu.vector_store %arg10[%parallel_loop3A_957, %parallel_loop3A_958], %parallel_loop3A_952 {add = true, strides = array<i32>} : memref<80x16xf32, #tpu.memory_space<vmem>>, vector<16xf32>,
      %parallel_loop3A_960 = arith.constant 768 : i32
      %parallel_loop3A_961 = arith.addi %parallel_loop3A_174, %parallel_loop3A_960 : i32
      %parallel_loop3A_962 = arith.constant 48 : i32
      %parallel_loop3A_963 = arith.addi %parallel_loop3A_961, %parallel_loop3A_962 : i32
      %parallel_loop3A_964 = arith.index_cast %parallel_loop3A_963 : i32 to index
      %parallel_loop3A_965 = tpu.vector_load %arg6[%parallel_loop3A_964] {strides = array<i32>} : memref<32768xf32, #tpu.memory_space<vmem>>, vector<16xf32>,
      %parallel_loop3A_966 = arith.constant 4 : i32
      %parallel_loop3A_967 = arith.muli %parallel_loop3A_920, %parallel_loop3A_966 : i32
      %parallel_loop3A_968 = arith.constant 3 : i32
      %parallel_loop3A_969 = arith.addi %parallel_loop3A_967, %parallel_loop3A_968 : i32
      %parallel_loop3A_970 = arith.index_cast %parallel_loop3A_969 : i32 to index
      %parallel_loop3A_971 = arith.constant 0 : index
      %parallel_loop3A_972 = tpu.vector_load %arg10[%parallel_loop3A_970, %parallel_loop3A_971] {strides = array<i32>} : memref<80x16xf32, #tpu.memory_space<vmem>>, vector<16xf32>,
      tpu.vector_store %arg10[%parallel_loop3A_970, %parallel_loop3A_971], %parallel_loop3A_965 {add = true, strides = array<i32>} : memref<80x16xf32, #tpu.memory_space<vmem>>, vector<16xf32>,
      %parallel_loop3A_973 = vector.broadcast %parallel_loop3A_920 : i32 to vector<16xi32>
      %parallel_loop3A_974 = arith.cmpi eq, %iota3A, %parallel_loop3A_973 : vector<16xi32>
      %parallel_loop3A_975 = arith.constant 1.000000e+00 : f32
      %parallel_loop3A_976 = arith.constant 0.000000e+00 : f32
      %parallel_loop3A_977 = vector.broadcast %parallel_loop3A_975 : f32 to vector<16xf32>
      %parallel_loop3A_978 = vector.broadcast %parallel_loop3A_976 : f32 to vector<16xf32>
      %parallel_loop3A_979 = arith.select %parallel_loop3A_974, %parallel_loop3A_977, %parallel_loop3A_978 : vector<16xi1>, vector<16xf32>
      %parallel_loop3A_980 = arith.addf %parallel_loop3A_918, %parallel_loop3A_979 : vector<16xf32>
      %parallel_loop3A_981 = vector.extract_strided_slice %parallel_loop3A_172 {offsets = [13], sizes = [1], strides = [1]} : vector<16xi32> to vector<1xi32>
      %parallel_loop3A_982 = vector.extract %parallel_loop3A_981[0] : i32 from vector<1xi32>
      %parallel_loop3A_983 = arith.constant 832 : i32
      %parallel_loop3A_984 = arith.addi %parallel_loop3A_174, %parallel_loop3A_983 : i32
      %parallel_loop3A_985 = arith.constant 0 : i32
      %parallel_loop3A_986 = arith.addi %parallel_loop3A_984, %parallel_loop3A_985 : i32
      %parallel_loop3A_987 = arith.index_cast %parallel_loop3A_986 : i32 to index
      %parallel_loop3A_988 = tpu.vector_load %arg6[%parallel_loop3A_987] {strides = array<i32>} : memref<32768xf32, #tpu.memory_space<vmem>>, vector<16xf32>,
      %parallel_loop3A_989 = arith.constant 4 : i32
      %parallel_loop3A_990 = arith.muli %parallel_loop3A_982, %parallel_loop3A_989 : i32
      %parallel_loop3A_991 = arith.constant 0 : i32
      %parallel_loop3A_992 = arith.addi %parallel_loop3A_990, %parallel_loop3A_991 : i32
      %parallel_loop3A_993 = arith.index_cast %parallel_loop3A_992 : i32 to index
      %parallel_loop3A_994 = arith.constant 0 : index
      %parallel_loop3A_995 = tpu.vector_load %arg10[%parallel_loop3A_993, %parallel_loop3A_994] {strides = array<i32>} : memref<80x16xf32, #tpu.memory_space<vmem>>, vector<16xf32>,
      tpu.vector_store %arg10[%parallel_loop3A_993, %parallel_loop3A_994], %parallel_loop3A_988 {add = true, strides = array<i32>} : memref<80x16xf32, #tpu.memory_space<vmem>>, vector<16xf32>,
      %parallel_loop3A_996 = arith.constant 832 : i32
      %parallel_loop3A_997 = arith.addi %parallel_loop3A_174, %parallel_loop3A_996 : i32
      %parallel_loop3A_998 = arith.constant 16 : i32
      %parallel_loop3A_999 = arith.addi %parallel_loop3A_997, %parallel_loop3A_998 : i32
      %parallel_loop3A_1000 = arith.index_cast %parallel_loop3A_999 : i32 to index
      %parallel_loop3A_1001 = tpu.vector_load %arg6[%parallel_loop3A_1000] {strides = array<i32>} : memref<32768xf32, #tpu.memory_space<vmem>>, vector<16xf32>,
      %parallel_loop3A_1002 = arith.constant 4 : i32
      %parallel_loop3A_1003 = arith.muli %parallel_loop3A_982, %parallel_loop3A_1002 : i32
      %parallel_loop3A_1004 = arith.constant 1 : i32
      %parallel_loop3A_1005 = arith.addi %parallel_loop3A_1003, %parallel_loop3A_1004 : i32
      %parallel_loop3A_1006 = arith.index_cast %parallel_loop3A_1005 : i32 to index
      %parallel_loop3A_1007 = arith.constant 0 : index
      %parallel_loop3A_1008 = tpu.vector_load %arg10[%parallel_loop3A_1006, %parallel_loop3A_1007] {strides = array<i32>} : memref<80x16xf32, #tpu.memory_space<vmem>>, vector<16xf32>,
      tpu.vector_store %arg10[%parallel_loop3A_1006, %parallel_loop3A_1007], %parallel_loop3A_1001 {add = true, strides = array<i32>} : memref<80x16xf32, #tpu.memory_space<vmem>>, vector<16xf32>,
      %parallel_loop3A_1009 = arith.constant 832 : i32
      %parallel_loop3A_1010 = arith.addi %parallel_loop3A_174, %parallel_loop3A_1009 : i32
      %parallel_loop3A_1011 = arith.constant 32 : i32
      %parallel_loop3A_1012 = arith.addi %parallel_loop3A_1010, %parallel_loop3A_1011 : i32
      %parallel_loop3A_1013 = arith.index_cast %parallel_loop3A_1012 : i32 to index
      %parallel_loop3A_1014 = tpu.vector_load %arg6[%parallel_loop3A_1013] {strides = array<i32>} : memref<32768xf32, #tpu.memory_space<vmem>>, vector<16xf32>,
      %parallel_loop3A_1015 = arith.constant 4 : i32
      %parallel_loop3A_1016 = arith.muli %parallel_loop3A_982, %parallel_loop3A_1015 : i32
      %parallel_loop3A_1017 = arith.constant 2 : i32
      %parallel_loop3A_1018 = arith.addi %parallel_loop3A_1016, %parallel_loop3A_1017 : i32
      %parallel_loop3A_1019 = arith.index_cast %parallel_loop3A_1018 : i32 to index
      %parallel_loop3A_1020 = arith.constant 0 : index
      %parallel_loop3A_1021 = tpu.vector_load %arg10[%parallel_loop3A_1019, %parallel_loop3A_1020] {strides = array<i32>} : memref<80x16xf32, #tpu.memory_space<vmem>>, vector<16xf32>,
      tpu.vector_store %arg10[%parallel_loop3A_1019, %parallel_loop3A_1020], %parallel_loop3A_1014 {add = true, strides = array<i32>} : memref<80x16xf32, #tpu.memory_space<vmem>>, vector<16xf32>,
      %parallel_loop3A_1022 = arith.constant 832 : i32
      %parallel_loop3A_1023 = arith.addi %parallel_loop3A_174, %parallel_loop3A_1022 : i32
      %parallel_loop3A_1024 = arith.constant 48 : i32
      %parallel_loop3A_1025 = arith.addi %parallel_loop3A_1023, %parallel_loop3A_1024 : i32
      %parallel_loop3A_1026 = arith.index_cast %parallel_loop3A_1025 : i32 to index
      %parallel_loop3A_1027 = tpu.vector_load %arg6[%parallel_loop3A_1026] {strides = array<i32>} : memref<32768xf32, #tpu.memory_space<vmem>>, vector<16xf32>,
      %parallel_loop3A_1028 = arith.constant 4 : i32
      %parallel_loop3A_1029 = arith.muli %parallel_loop3A_982, %parallel_loop3A_1028 : i32
      %parallel_loop3A_1030 = arith.constant 3 : i32
      %parallel_loop3A_1031 = arith.addi %parallel_loop3A_1029, %parallel_loop3A_1030 : i32
      %parallel_loop3A_1032 = arith.index_cast %parallel_loop3A_1031 : i32 to index
      %parallel_loop3A_1033 = arith.constant 0 : index
      %parallel_loop3A_1034 = tpu.vector_load %arg10[%parallel_loop3A_1032, %parallel_loop3A_1033] {strides = array<i32>} : memref<80x16xf32, #tpu.memory_space<vmem>>, vector<16xf32>,
      tpu.vector_store %arg10[%parallel_loop3A_1032, %parallel_loop3A_1033], %parallel_loop3A_1027 {add = true, strides = array<i32>} : memref<80x16xf32, #tpu.memory_space<vmem>>, vector<16xf32>,
      %parallel_loop3A_1035 = vector.broadcast %parallel_loop3A_982 : i32 to vector<16xi32>
      %parallel_loop3A_1036 = arith.cmpi eq, %iota3A, %parallel_loop3A_1035 : vector<16xi32>
      %parallel_loop3A_1037 = arith.constant 1.000000e+00 : f32
      %parallel_loop3A_1038 = arith.constant 0.000000e+00 : f32
      %parallel_loop3A_1039 = vector.broadcast %parallel_loop3A_1037 : f32 to vector<16xf32>
      %parallel_loop3A_1040 = vector.broadcast %parallel_loop3A_1038 : f32 to vector<16xf32>
      %parallel_loop3A_1041 = arith.select %parallel_loop3A_1036, %parallel_loop3A_1039, %parallel_loop3A_1040 : vector<16xi1>, vector<16xf32>
      %parallel_loop3A_1042 = arith.addf %parallel_loop3A_980, %parallel_loop3A_1041 : vector<16xf32>
      %parallel_loop3A_1043 = vector.extract_strided_slice %parallel_loop3A_172 {offsets = [14], sizes = [1], strides = [1]} : vector<16xi32> to vector<1xi32>
      %parallel_loop3A_1044 = vector.extract %parallel_loop3A_1043[0] : i32 from vector<1xi32>
      %parallel_loop3A_1045 = arith.constant 896 : i32
      %parallel_loop3A_1046 = arith.addi %parallel_loop3A_174, %parallel_loop3A_1045 : i32
      %parallel_loop3A_1047 = arith.constant 0 : i32
      %parallel_loop3A_1048 = arith.addi %parallel_loop3A_1046, %parallel_loop3A_1047 : i32
      %parallel_loop3A_1049 = arith.index_cast %parallel_loop3A_1048 : i32 to index
      %parallel_loop3A_1050 = tpu.vector_load %arg6[%parallel_loop3A_1049] {strides = array<i32>} : memref<32768xf32, #tpu.memory_space<vmem>>, vector<16xf32>,
      %parallel_loop3A_1051 = arith.constant 4 : i32
      %parallel_loop3A_1052 = arith.muli %parallel_loop3A_1044, %parallel_loop3A_1051 : i32
      %parallel_loop3A_1053 = arith.constant 0 : i32
      %parallel_loop3A_1054 = arith.addi %parallel_loop3A_1052, %parallel_loop3A_1053 : i32
      %parallel_loop3A_1055 = arith.index_cast %parallel_loop3A_1054 : i32 to index
      %parallel_loop3A_1056 = arith.constant 0 : index
      %parallel_loop3A_1057 = tpu.vector_load %arg10[%parallel_loop3A_1055, %parallel_loop3A_1056] {strides = array<i32>} : memref<80x16xf32, #tpu.memory_space<vmem>>, vector<16xf32>,
      tpu.vector_store %arg10[%parallel_loop3A_1055, %parallel_loop3A_1056], %parallel_loop3A_1050 {add = true, strides = array<i32>} : memref<80x16xf32, #tpu.memory_space<vmem>>, vector<16xf32>,
      %parallel_loop3A_1058 = arith.constant 896 : i32
      %parallel_loop3A_1059 = arith.addi %parallel_loop3A_174, %parallel_loop3A_1058 : i32
      %parallel_loop3A_1060 = arith.constant 16 : i32
      %parallel_loop3A_1061 = arith.addi %parallel_loop3A_1059, %parallel_loop3A_1060 : i32
      %parallel_loop3A_1062 = arith.index_cast %parallel_loop3A_1061 : i32 to index
      %parallel_loop3A_1063 = tpu.vector_load %arg6[%parallel_loop3A_1062] {strides = array<i32>} : memref<32768xf32, #tpu.memory_space<vmem>>, vector<16xf32>,
      %parallel_loop3A_1064 = arith.constant 4 : i32
      %parallel_loop3A_1065 = arith.muli %parallel_loop3A_1044, %parallel_loop3A_1064 : i32
      %parallel_loop3A_1066 = arith.constant 1 : i32
      %parallel_loop3A_1067 = arith.addi %parallel_loop3A_1065, %parallel_loop3A_1066 : i32
      %parallel_loop3A_1068 = arith.index_cast %parallel_loop3A_1067 : i32 to index
      %parallel_loop3A_1069 = arith.constant 0 : index
      %parallel_loop3A_1070 = tpu.vector_load %arg10[%parallel_loop3A_1068, %parallel_loop3A_1069] {strides = array<i32>} : memref<80x16xf32, #tpu.memory_space<vmem>>, vector<16xf32>,
      tpu.vector_store %arg10[%parallel_loop3A_1068, %parallel_loop3A_1069], %parallel_loop3A_1063 {add = true, strides = array<i32>} : memref<80x16xf32, #tpu.memory_space<vmem>>, vector<16xf32>,
      %parallel_loop3A_1071 = arith.constant 896 : i32
      %parallel_loop3A_1072 = arith.addi %parallel_loop3A_174, %parallel_loop3A_1071 : i32
      %parallel_loop3A_1073 = arith.constant 32 : i32
      %parallel_loop3A_1074 = arith.addi %parallel_loop3A_1072, %parallel_loop3A_1073 : i32
      %parallel_loop3A_1075 = arith.index_cast %parallel_loop3A_1074 : i32 to index
      %parallel_loop3A_1076 = tpu.vector_load %arg6[%parallel_loop3A_1075] {strides = array<i32>} : memref<32768xf32, #tpu.memory_space<vmem>>, vector<16xf32>,
      %parallel_loop3A_1077 = arith.constant 4 : i32
      %parallel_loop3A_1078 = arith.muli %parallel_loop3A_1044, %parallel_loop3A_1077 : i32
      %parallel_loop3A_1079 = arith.constant 2 : i32
      %parallel_loop3A_1080 = arith.addi %parallel_loop3A_1078, %parallel_loop3A_1079 : i32
      %parallel_loop3A_1081 = arith.index_cast %parallel_loop3A_1080 : i32 to index
      %parallel_loop3A_1082 = arith.constant 0 : index
      %parallel_loop3A_1083 = tpu.vector_load %arg10[%parallel_loop3A_1081, %parallel_loop3A_1082] {strides = array<i32>} : memref<80x16xf32, #tpu.memory_space<vmem>>, vector<16xf32>,
      tpu.vector_store %arg10[%parallel_loop3A_1081, %parallel_loop3A_1082], %parallel_loop3A_1076 {add = true, strides = array<i32>} : memref<80x16xf32, #tpu.memory_space<vmem>>, vector<16xf32>,
      %parallel_loop3A_1084 = arith.constant 896 : i32
      %parallel_loop3A_1085 = arith.addi %parallel_loop3A_174, %parallel_loop3A_1084 : i32
      %parallel_loop3A_1086 = arith.constant 48 : i32
      %parallel_loop3A_1087 = arith.addi %parallel_loop3A_1085, %parallel_loop3A_1086 : i32
      %parallel_loop3A_1088 = arith.index_cast %parallel_loop3A_1087 : i32 to index
      %parallel_loop3A_1089 = tpu.vector_load %arg6[%parallel_loop3A_1088] {strides = array<i32>} : memref<32768xf32, #tpu.memory_space<vmem>>, vector<16xf32>,
      %parallel_loop3A_1090 = arith.constant 4 : i32
      %parallel_loop3A_1091 = arith.muli %parallel_loop3A_1044, %parallel_loop3A_1090 : i32
      %parallel_loop3A_1092 = arith.constant 3 : i32
      %parallel_loop3A_1093 = arith.addi %parallel_loop3A_1091, %parallel_loop3A_1092 : i32
      %parallel_loop3A_1094 = arith.index_cast %parallel_loop3A_1093 : i32 to index
      %parallel_loop3A_1095 = arith.constant 0 : index
      %parallel_loop3A_1096 = tpu.vector_load %arg10[%parallel_loop3A_1094, %parallel_loop3A_1095] {strides = array<i32>} : memref<80x16xf32, #tpu.memory_space<vmem>>, vector<16xf32>,
      tpu.vector_store %arg10[%parallel_loop3A_1094, %parallel_loop3A_1095], %parallel_loop3A_1089 {add = true, strides = array<i32>} : memref<80x16xf32, #tpu.memory_space<vmem>>, vector<16xf32>,
      %parallel_loop3A_1097 = vector.broadcast %parallel_loop3A_1044 : i32 to vector<16xi32>
      %parallel_loop3A_1098 = arith.cmpi eq, %iota3A, %parallel_loop3A_1097 : vector<16xi32>
      %parallel_loop3A_1099 = arith.constant 1.000000e+00 : f32
      %parallel_loop3A_1100 = arith.constant 0.000000e+00 : f32
      %parallel_loop3A_1101 = vector.broadcast %parallel_loop3A_1099 : f32 to vector<16xf32>
      %parallel_loop3A_1102 = vector.broadcast %parallel_loop3A_1100 : f32 to vector<16xf32>
      %parallel_loop3A_1103 = arith.select %parallel_loop3A_1098, %parallel_loop3A_1101, %parallel_loop3A_1102 : vector<16xi1>, vector<16xf32>
      %parallel_loop3A_1104 = arith.addf %parallel_loop3A_1042, %parallel_loop3A_1103 : vector<16xf32>
      %parallel_loop3A_1105 = vector.extract_strided_slice %parallel_loop3A_172 {offsets = [15], sizes = [1], strides = [1]} : vector<16xi32> to vector<1xi32>
      %parallel_loop3A_1106 = vector.extract %parallel_loop3A_1105[0] : i32 from vector<1xi32>
      %parallel_loop3A_1107 = arith.constant 960 : i32
      %parallel_loop3A_1108 = arith.addi %parallel_loop3A_174, %parallel_loop3A_1107 : i32
      %parallel_loop3A_1109 = arith.constant 0 : i32
      %parallel_loop3A_1110 = arith.addi %parallel_loop3A_1108, %parallel_loop3A_1109 : i32
      %parallel_loop3A_1111 = arith.index_cast %parallel_loop3A_1110 : i32 to index
      %parallel_loop3A_1112 = tpu.vector_load %arg6[%parallel_loop3A_1111] {strides = array<i32>} : memref<32768xf32, #tpu.memory_space<vmem>>, vector<16xf32>,
      %parallel_loop3A_1113 = arith.constant 4 : i32
      %parallel_loop3A_1114 = arith.muli %parallel_loop3A_1106, %parallel_loop3A_1113 : i32
      %parallel_loop3A_1115 = arith.constant 0 : i32
      %parallel_loop3A_1116 = arith.addi %parallel_loop3A_1114, %parallel_loop3A_1115 : i32
      %parallel_loop3A_1117 = arith.index_cast %parallel_loop3A_1116 : i32 to index
      %parallel_loop3A_1118 = arith.constant 0 : index
      %parallel_loop3A_1119 = tpu.vector_load %arg10[%parallel_loop3A_1117, %parallel_loop3A_1118] {strides = array<i32>} : memref<80x16xf32, #tpu.memory_space<vmem>>, vector<16xf32>,
      tpu.vector_store %arg10[%parallel_loop3A_1117, %parallel_loop3A_1118], %parallel_loop3A_1112 {add = true, strides = array<i32>} : memref<80x16xf32, #tpu.memory_space<vmem>>, vector<16xf32>,
      %parallel_loop3A_1120 = arith.constant 960 : i32
      %parallel_loop3A_1121 = arith.addi %parallel_loop3A_174, %parallel_loop3A_1120 : i32
      %parallel_loop3A_1122 = arith.constant 16 : i32
      %parallel_loop3A_1123 = arith.addi %parallel_loop3A_1121, %parallel_loop3A_1122 : i32
      %parallel_loop3A_1124 = arith.index_cast %parallel_loop3A_1123 : i32 to index
      %parallel_loop3A_1125 = tpu.vector_load %arg6[%parallel_loop3A_1124] {strides = array<i32>} : memref<32768xf32, #tpu.memory_space<vmem>>, vector<16xf32>,
      %parallel_loop3A_1126 = arith.constant 4 : i32
      %parallel_loop3A_1127 = arith.muli %parallel_loop3A_1106, %parallel_loop3A_1126 : i32
      %parallel_loop3A_1128 = arith.constant 1 : i32
      %parallel_loop3A_1129 = arith.addi %parallel_loop3A_1127, %parallel_loop3A_1128 : i32
      %parallel_loop3A_1130 = arith.index_cast %parallel_loop3A_1129 : i32 to index
      %parallel_loop3A_1131 = arith.constant 0 : index
      %parallel_loop3A_1132 = tpu.vector_load %arg10[%parallel_loop3A_1130, %parallel_loop3A_1131] {strides = array<i32>} : memref<80x16xf32, #tpu.memory_space<vmem>>, vector<16xf32>,
      tpu.vector_store %arg10[%parallel_loop3A_1130, %parallel_loop3A_1131], %parallel_loop3A_1125 {add = true, strides = array<i32>} : memref<80x16xf32, #tpu.memory_space<vmem>>, vector<16xf32>,
      %parallel_loop3A_1133 = arith.constant 960 : i32
      %parallel_loop3A_1134 = arith.addi %parallel_loop3A_174, %parallel_loop3A_1133 : i32
      %parallel_loop3A_1135 = arith.constant 32 : i32
      %parallel_loop3A_1136 = arith.addi %parallel_loop3A_1134, %parallel_loop3A_1135 : i32
      %parallel_loop3A_1137 = arith.index_cast %parallel_loop3A_1136 : i32 to index
      %parallel_loop3A_1138 = tpu.vector_load %arg6[%parallel_loop3A_1137] {strides = array<i32>} : memref<32768xf32, #tpu.memory_space<vmem>>, vector<16xf32>,
      %parallel_loop3A_1139 = arith.constant 4 : i32
      %parallel_loop3A_1140 = arith.muli %parallel_loop3A_1106, %parallel_loop3A_1139 : i32
      %parallel_loop3A_1141 = arith.constant 2 : i32
      %parallel_loop3A_1142 = arith.addi %parallel_loop3A_1140, %parallel_loop3A_1141 : i32
      %parallel_loop3A_1143 = arith.index_cast %parallel_loop3A_1142 : i32 to index
      %parallel_loop3A_1144 = arith.constant 0 : index
      %parallel_loop3A_1145 = tpu.vector_load %arg10[%parallel_loop3A_1143, %parallel_loop3A_1144] {strides = array<i32>} : memref<80x16xf32, #tpu.memory_space<vmem>>, vector<16xf32>,
      tpu.vector_store %arg10[%parallel_loop3A_1143, %parallel_loop3A_1144], %parallel_loop3A_1138 {add = true, strides = array<i32>} : memref<80x16xf32, #tpu.memory_space<vmem>>, vector<16xf32>,
      %parallel_loop3A_1146 = arith.constant 960 : i32
      %parallel_loop3A_1147 = arith.addi %parallel_loop3A_174, %parallel_loop3A_1146 : i32
      %parallel_loop3A_1148 = arith.constant 48 : i32
      %parallel_loop3A_1149 = arith.addi %parallel_loop3A_1147, %parallel_loop3A_1148 : i32
      %parallel_loop3A_1150 = arith.index_cast %parallel_loop3A_1149 : i32 to index
      %parallel_loop3A_1151 = tpu.vector_load %arg6[%parallel_loop3A_1150] {strides = array<i32>} : memref<32768xf32, #tpu.memory_space<vmem>>, vector<16xf32>,
      %parallel_loop3A_1152 = arith.constant 4 : i32
      %parallel_loop3A_1153 = arith.muli %parallel_loop3A_1106, %parallel_loop3A_1152 : i32
      %parallel_loop3A_1154 = arith.constant 3 : i32
      %parallel_loop3A_1155 = arith.addi %parallel_loop3A_1153, %parallel_loop3A_1154 : i32
      %parallel_loop3A_1156 = arith.index_cast %parallel_loop3A_1155 : i32 to index
      %parallel_loop3A_1157 = arith.constant 0 : index
      %parallel_loop3A_1158 = tpu.vector_load %arg10[%parallel_loop3A_1156, %parallel_loop3A_1157] {strides = array<i32>} : memref<80x16xf32, #tpu.memory_space<vmem>>, vector<16xf32>,
      tpu.vector_store %arg10[%parallel_loop3A_1156, %parallel_loop3A_1157], %parallel_loop3A_1151 {add = true, strides = array<i32>} : memref<80x16xf32, #tpu.memory_space<vmem>>, vector<16xf32>,
      %parallel_loop3A_1159 = vector.broadcast %parallel_loop3A_1106 : i32 to vector<16xi32>
      %parallel_loop3A_1160 = arith.cmpi eq, %iota3A, %parallel_loop3A_1159 : vector<16xi32>
      %parallel_loop3A_1161 = arith.constant 1.000000e+00 : f32
      %parallel_loop3A_1162 = arith.constant 0.000000e+00 : f32
      %parallel_loop3A_1163 = vector.broadcast %parallel_loop3A_1161 : f32 to vector<16xf32>
      %parallel_loop3A_1164 = vector.broadcast %parallel_loop3A_1162 : f32 to vector<16xf32>
      %parallel_loop3A_1165 = arith.select %parallel_loop3A_1160, %parallel_loop3A_1163, %parallel_loop3A_1164 : vector<16xi1>, vector<16xf32>
      %parallel_loop3A_1166 = arith.addf %parallel_loop3A_1104, %parallel_loop3A_1165 : vector<16xf32>
      %parallel_loop3A_1167 = arith.constant 64 : i32
      %parallel_loop3A_1168 = arith.index_cast %parallel_loop3A_1167 : i32 to index
      %parallel_loop3A_1169 = arith.constant 0 : index
      %parallel_loop3A_1170 = tpu.vector_load %arg10[%parallel_loop3A_1168, %parallel_loop3A_1169] {strides = array<i32>} : memref<80x16xf32, #tpu.memory_space<vmem>>, vector<16xf32>,
      tpu.vector_store %arg10[%parallel_loop3A_1168, %parallel_loop3A_1169], %parallel_loop3A_1166 {add = true, strides = array<i32>} : memref<80x16xf32, #tpu.memory_space<vmem>>, vector<16xf32>,
    } {sc.loop_unroll_factor = 1 : i64, sc.parallel_access}
    "tpu.trace_stop"() : () -> ()
    "tpu.trace_start"() <{level = 10 : i32, message = "ph_reduce1"}> : () -> ()
    %barrier3A = arith.constant 0 : index
    tpu.barrier barrier_id(%barrier3A)
    "tpu.region"() ({
      %run_scoped3A = tpu.sem_alloc : memref<!tpu.dma_semaphore, #tpu.memory_space<semaphore_mem>>
      %dma_start3A_168 = arith.constant 0 : i32
      %dma_start3A_169 = arith.constant 0 : i32
      %dma_start3A_170 = tpu.memref_slice %arg19[%dma_start3A_168, %dma_start3A_169] : memref<80x16xf32, #tpu.memory_space<vmem_shared>> -> memref<80x16xf32, #tpu.memory_space<vmem_shared>>
      tpu.enqueue_indirect_dma source(%arg10 : memref<80x16xf32, #tpu.memory_space<vmem>>) target(%dma_start3A_170 : memref<80x16xf32, #tpu.memory_space<vmem_shared>>) offsets(%arg16 : memref<80xi32, #tpu.memory_space<vmem>>) semaphore(%run_scoped3A : memref<!tpu.dma_semaphore, #tpu.memory_space<semaphore_mem>>) {add = true}
      %dma_wait3A_171 = arith.constant 0 : i32
      %dma_wait3A_172 = arith.constant 0 : i32
      %dma_wait3A_173 = tpu.memref_slice %arg19[%dma_wait3A_171, %dma_wait3A_172] : memref<80x16xf32, #tpu.memory_space<vmem_shared>> -> memref<80x16xf32, #tpu.memory_space<vmem_shared>>
      tpu.wait_indirect_dma semaphore(%run_scoped3A : memref<!tpu.dma_semaphore, #tpu.memory_space<semaphore_mem>>) src(%arg10 : memref<80x16xf32, #tpu.memory_space<vmem>>) dst(%dma_wait3A_173 : memref<80x16xf32, #tpu.memory_space<vmem_shared>>)
      tpu.yield
    }) : () -> ()
    %barrier3A_32 = arith.constant 0 : index
    tpu.barrier barrier_id(%barrier3A_32)
    "tpu.region"() ({
      %run_scoped3A = tpu.sem_alloc : memref<!tpu.dma_semaphore, #tpu.memory_space<semaphore_mem>>
      tpu.enqueue_dma source(%arg19 : memref<80x16xf32, #tpu.memory_space<vmem_shared>>) target(%arg11 : memref<80x16xf32, #tpu.memory_space<vmem>>) target_semaphore(%run_scoped3A : memref<!tpu.dma_semaphore, #tpu.memory_space<semaphore_mem>>)
      tpu.wait_dma2 semaphore(%run_scoped3A : memref<!tpu.dma_semaphore, #tpu.memory_space<semaphore_mem>>) src(%arg19 : memref<80x16xf32, #tpu.memory_space<vmem_shared>>) dst(%arg11 : memref<80x16xf32, #tpu.memory_space<vmem>>)
      tpu.yield
    }) : () -> ()
    %get3A = arith.constant 64 : i32
    "tpu.trace_stop"() : () -> ()
    %get3A_33 = arith.index_cast %get3A : i32 to index
    %get3A_34 = arith.constant 0 : index
    %get3A_35 = tpu.vector_load %arg11[%get3A_33, %get3A_34] {strides = array<i32>} : memref<80x16xf32, #tpu.memory_space<vmem>>, vector<16xf32>,
    %convert_element_type3A_36 = arith.sitofp %iota3A : vector<16xi32> to vector<16xf32>
    %gt3A = arith.constant 0.000000e+00 : f32
    %gt3A_37 = vector.broadcast %gt3A : f32 to vector<16xf32>
    %gt3A_38 = arith.cmpf ogt, %get3A_35, %gt3A_37 : vector<16xf32>
    %jit3A = arith.constant 1.000000e+00 : f32
    %jit3A_39 = arith.constant 0.000000e+00 : f32
    %broadcast_in_dim3A_40 = vector.broadcast %jit3A : f32 to vector<16xf32>
    %broadcast_in_dim3A_41 = vector.broadcast %jit3A_39 : f32 to vector<16xf32>
    %select_n3A = arith.select %gt3A_38, %broadcast_in_dim3A_40, %broadcast_in_dim3A_41 : vector<16xi1>, vector<16xf32>
    %reduce_sum3A = arith.constant true
    %reduce_sum3A_42 = vector.broadcast %reduce_sum3A : i1 to vector<16xi1>
    %reduce_sum3A_43 = tpu.scan <sum>, %select_n3A masked %reduce_sum3A_42 : vector<16xf32>, vector<16xi1> -> vector<16xf32>
    %reduce_sum3A_44 = vector.extract %reduce_sum3A_43[15] : f32 from vector<16xf32>
    %ge3A = arith.constant 1.000000e+00 : f32
    %ge3A_45 = vector.broadcast %ge3A : f32 to vector<16xf32>
    %ge3A_46 = arith.cmpf oge, %convert_element_type3A_36, %ge3A_45 : vector<16xf32>
    %lt3A = vector.broadcast %reduce_sum3A_44 : f32 to vector<16xf32>
    %lt3A_47 = arith.cmpf olt, %convert_element_type3A_36, %lt3A : vector<16xf32>
    %and3A = arith.andi %ge3A_46, %lt3A_47 : vector<16xi1>
    %div3A = arith.constant 1.000000e+00 : f32
    %div3A_48 = vector.broadcast %div3A : f32 to vector<16xf32>
    %div3A_49 = arith.divf %div3A_48, %get3A_35 : vector<16xf32>
    %jit3A_50 = arith.constant 0.000000e+00 : f32
    %broadcast_in_dim3A_51 = vector.broadcast %jit3A_50 : f32 to vector<16xf32>
    %select_n3A_52 = arith.select %and3A, %div3A_49, %broadcast_in_dim3A_51 : vector<16xi1>, vector<16xf32>
    %swap3A_53 = arith.constant 0 : index
    %swap3A_54 = tpu.vector_load %arg13[%swap3A_53] {strides = array<i32>} : memref<16xf32, #tpu.memory_space<vmem>>, vector<16xf32>,
    tpu.vector_store %arg13[%swap3A_53], %select_n3A_52 {strides = array<i32>} : memref<16xf32, #tpu.memory_space<vmem>>, vector<16xf32>,
    %mul3A_55 = arith.constant 64 : i32
    %mul3A_56 = vector.broadcast %mul3A_55 : i32 to vector<16xi32>
    %mul3A_57 = arith.muli %iota3A, %mul3A_56 : vector<16xi32>
    %mul3A_58 = arith.constant 4 : i32
    %mul3A_59 = vector.broadcast %mul3A_58 : i32 to vector<16xi32>
    %mul3A_60 = arith.muli %iota3A, %mul3A_59 : vector<16xi32>
    %parallel_loop3A_61 = arith.constant 0 : i32
    %parallel_loop3A_62 = arith.constant 64 : i32
    %parallel_loop3A_63 = arith.constant 1 : i32
    scf.for %parallel_loop3A_168 = %parallel_loop3A_61 to %parallel_loop3A_62 step %parallel_loop3A_63  : i32 {
      %parallel_loop3A_169 = arith.constant 4 : i32
      %parallel_loop3A_170 = arith.shrui %parallel_loop3A_168, %parallel_loop3A_169 : i32
      %parallel_loop3A_171 = vector.broadcast %parallel_loop3A_170 : i32 to vector<16xi32>
      %parallel_loop3A_172 = arith.addi %mul3A_60, %parallel_loop3A_171 : vector<16xi32>
      %parallel_loop3A_173 = arith.constant 15 : i32
      %parallel_loop3A_174 = arith.andi %parallel_loop3A_168, %parallel_loop3A_173 : i32
      %parallel_loop3A_175 = vector.broadcast %parallel_loop3A_174 : i32 to vector<16xi32>
      %parallel_loop3A_176 = tpu.vector_load_idx %arg11[%parallel_loop3A_172, %parallel_loop3A_175] : memref<80x16xf32, #tpu.memory_space<vmem>>[vector<16xi32>, vector<16xi32>], vector<16xf32>,
      %parallel_loop3A_177 = arith.mulf %parallel_loop3A_176, %select_n3A_52 : vector<16xf32>
      %parallel_loop3A_178 = arith.index_cast %parallel_loop3A_168 : i32 to index
      %parallel_loop3A_179 = arith.constant 0 : index
      %parallel_loop3A_180 = tpu.vector_load %arg12[%parallel_loop3A_178, %parallel_loop3A_179] {strides = array<i32>} : memref<64x16xf32, #tpu.memory_space<vmem>>, vector<16xf32>,
      tpu.vector_store %arg12[%parallel_loop3A_178, %parallel_loop3A_179], %parallel_loop3A_177 {strides = array<i32>} : memref<64x16xf32, #tpu.memory_space<vmem>>, vector<16xf32>,
    } {sc.loop_unroll_factor = 1 : i64, sc.parallel_access}
    %parallel_loop3A_64 = arith.constant 0 : i32
    %parallel_loop3A_65 = arith.constant 16 : i32
    %parallel_loop3A_66 = arith.constant 1 : i32
    "tpu.trace_start"() <{level = 10 : i32, message = "ph_pass2"}> : () -> ()
    %parallel_loop3A_67 = scf.for %parallel_loop3A_168 = %parallel_loop3A_64 to %parallel_loop3A_65 step %parallel_loop3A_66 iter_args(%parallel_loop3A_169 = %broadcast_in_dim3A_5) -> (vector<16xf32>)  : i32 {
      %parallel_loop3A_170 = arith.constant 16 : i32
      %parallel_loop3A_171 = arith.muli %parallel_loop3A_168, %parallel_loop3A_170 : i32
      %parallel_loop3A_172 = arith.addi %mul3A_4, %parallel_loop3A_171 : i32
      %parallel_loop3A_173 = arith.index_cast %parallel_loop3A_172 : i32 to index
      %parallel_loop3A_174 = tpu.vector_load %arg7[%parallel_loop3A_173] {strides = array<i32>} : memref<512xi32, #tpu.memory_space<vmem>>, vector<16xi32>,
      %parallel_loop3A_175 = arith.constant 16 : i32
      %parallel_loop3A_176 = arith.muli %parallel_loop3A_168, %parallel_loop3A_175 : i32
      %parallel_loop3A_177 = arith.addi %mul3A_4, %parallel_loop3A_176 : i32
      %parallel_loop3A_178 = arith.constant 64 : i32
      %parallel_loop3A_179 = arith.muli %parallel_loop3A_177, %parallel_loop3A_178 : i32
      %parallel_loop3A_180 = vector.broadcast %parallel_loop3A_179 : i32 to vector<16xi32>
      %parallel_loop3A_181 = arith.addi %mul3A_57, %parallel_loop3A_180 : vector<16xi32>
      %parallel_loop3A_182 = arith.constant 0 : i32
      %parallel_loop3A_183 = arith.constant 8 : i32
      %parallel_loop3A_184 = arith.addi %parallel_loop3A_182, %parallel_loop3A_183 : i32
      %parallel_loop3A_185 = arith.constant 1 : i32
      %parallel_loop3A_186:2 = scf.for %scan3A_243 = %parallel_loop3A_182 to %parallel_loop3A_184 step %parallel_loop3A_185 iter_args(%scan3A_244 = %broadcast_in_dim3A_5, %scan3A_245 = %broadcast_in_dim3A_5) -> (vector<16xf32>, vector<16xf32>)  : i32 {
        %parallel_loop3A_246 = arith.constant 8 : i32
        %parallel_loop3A_247 = arith.muli %scan3A_243, %parallel_loop3A_246 : i32
        %parallel_loop3A_248 = arith.constant 0 : i32
        %parallel_loop3A_249 = arith.addi %parallel_loop3A_247, %parallel_loop3A_248 : i32
        %parallel_loop3A_250 = vector.broadcast %parallel_loop3A_249 : i32 to vector<16xi32>
        %parallel_loop3A_251 = arith.addi %parallel_loop3A_181, %parallel_loop3A_250 : vector<16xi32>
        %parallel_loop3A_252 = tpu.vector_load_idx %arg6[%parallel_loop3A_251] : memref<32768xf32, #tpu.memory_space<vmem>>[vector<16xi32>], vector<16xf32>,
        %parallel_loop3A_253 = arith.index_cast %parallel_loop3A_249 : i32 to index
        %parallel_loop3A_254 = arith.constant 0 : index
        %parallel_loop3A_255 = tpu.vector_load %arg12[%parallel_loop3A_253, %parallel_loop3A_254] {strides = array<i32>} : memref<64x16xf32, #tpu.memory_space<vmem>>, vector<16xf32>,
        %parallel_loop3A_256 = arith.constant 0 : i32
        %parallel_loop3A_257 = vector.broadcast %parallel_loop3A_256 : i32 to vector<16xi32>
        %parallel_loop3A_258 = arith.cmpi slt, %parallel_loop3A_174, %parallel_loop3A_257 : vector<16xi32>
        %parallel_loop3A_259 = arith.constant 16 : i32
        %parallel_loop3A_260 = vector.broadcast %parallel_loop3A_259 : i32 to vector<16xi32>
        %parallel_loop3A_261 = arith.addi %parallel_loop3A_174, %parallel_loop3A_260 : vector<16xi32>
        %parallel_loop3A_262 = arith.select %parallel_loop3A_258, %parallel_loop3A_261, %parallel_loop3A_174 : vector<16xi1>, vector<16xi32>
        %parallel_loop3A_263 = vector.shape_cast %parallel_loop3A_262 : vector<16xi32> to vector<16x1xi32>
        %parallel_loop3A_264 = vector.shape_cast %parallel_loop3A_263 : vector<16x1xi32> to vector<16xi32>
        %parallel_loop3A_265 = tpu.dynamic_gather %parallel_loop3A_255[%parallel_loop3A_264] in [0] : vector<16xf32>, vector<16xi32> -> vector<16xf32>
        %parallel_loop3A_266 = arith.subf %parallel_loop3A_252, %parallel_loop3A_265 : vector<16xf32>
        %parallel_loop3A_267 = arith.mulf %parallel_loop3A_266, %parallel_loop3A_266 : vector<16xf32>
        %parallel_loop3A_268 = arith.addf %scan3A_244, %parallel_loop3A_267 : vector<16xf32>
        %parallel_loop3A_269 = arith.constant 8 : i32
        %parallel_loop3A_270 = arith.muli %scan3A_243, %parallel_loop3A_269 : i32
        %parallel_loop3A_271 = arith.constant 1 : i32
        %parallel_loop3A_272 = arith.addi %parallel_loop3A_270, %parallel_loop3A_271 : i32
        %parallel_loop3A_273 = vector.broadcast %parallel_loop3A_272 : i32 to vector<16xi32>
        %parallel_loop3A_274 = arith.addi %parallel_loop3A_181, %parallel_loop3A_273 : vector<16xi32>
        %parallel_loop3A_275 = tpu.vector_load_idx %arg6[%parallel_loop3A_274] : memref<32768xf32, #tpu.memory_space<vmem>>[vector<16xi32>], vector<16xf32>,
        %parallel_loop3A_276 = arith.index_cast %parallel_loop3A_272 : i32 to index
        %parallel_loop3A_277 = arith.constant 0 : index
        %parallel_loop3A_278 = tpu.vector_load %arg12[%parallel_loop3A_276, %parallel_loop3A_277] {strides = array<i32>} : memref<64x16xf32, #tpu.memory_space<vmem>>, vector<16xf32>,
        %parallel_loop3A_279 = arith.constant 0 : i32
        %parallel_loop3A_280 = vector.broadcast %parallel_loop3A_279 : i32 to vector<16xi32>
        %parallel_loop3A_281 = arith.cmpi slt, %parallel_loop3A_174, %parallel_loop3A_280 : vector<16xi32>
        %parallel_loop3A_282 = arith.constant 16 : i32
        %parallel_loop3A_283 = vector.broadcast %parallel_loop3A_282 : i32 to vector<16xi32>
        %parallel_loop3A_284 = arith.addi %parallel_loop3A_174, %parallel_loop3A_283 : vector<16xi32>
        %parallel_loop3A_285 = arith.select %parallel_loop3A_281, %parallel_loop3A_284, %parallel_loop3A_174 : vector<16xi1>, vector<16xi32>
        %parallel_loop3A_286 = vector.shape_cast %parallel_loop3A_285 : vector<16xi32> to vector<16x1xi32>
        %parallel_loop3A_287 = vector.shape_cast %parallel_loop3A_286 : vector<16x1xi32> to vector<16xi32>
        %parallel_loop3A_288 = tpu.dynamic_gather %parallel_loop3A_278[%parallel_loop3A_287] in [0] : vector<16xf32>, vector<16xi32> -> vector<16xf32>
        %parallel_loop3A_289 = arith.subf %parallel_loop3A_275, %parallel_loop3A_288 : vector<16xf32>
        %parallel_loop3A_290 = arith.mulf %parallel_loop3A_289, %parallel_loop3A_289 : vector<16xf32>
        %parallel_loop3A_291 = arith.addf %scan3A_245, %parallel_loop3A_290 : vector<16xf32>
        %parallel_loop3A_292 = arith.constant 8 : i32
        %parallel_loop3A_293 = arith.muli %scan3A_243, %parallel_loop3A_292 : i32
        %parallel_loop3A_294 = arith.constant 2 : i32
        %parallel_loop3A_295 = arith.addi %parallel_loop3A_293, %parallel_loop3A_294 : i32
        %parallel_loop3A_296 = vector.broadcast %parallel_loop3A_295 : i32 to vector<16xi32>
        %parallel_loop3A_297 = arith.addi %parallel_loop3A_181, %parallel_loop3A_296 : vector<16xi32>
        %parallel_loop3A_298 = tpu.vector_load_idx %arg6[%parallel_loop3A_297] : memref<32768xf32, #tpu.memory_space<vmem>>[vector<16xi32>], vector<16xf32>,
        %parallel_loop3A_299 = arith.index_cast %parallel_loop3A_295 : i32 to index
        %parallel_loop3A_300 = arith.constant 0 : index
        %parallel_loop3A_301 = tpu.vector_load %arg12[%parallel_loop3A_299, %parallel_loop3A_300] {strides = array<i32>} : memref<64x16xf32, #tpu.memory_space<vmem>>, vector<16xf32>,
        %parallel_loop3A_302 = arith.constant 0 : i32
        %parallel_loop3A_303 = vector.broadcast %parallel_loop3A_302 : i32 to vector<16xi32>
        %parallel_loop3A_304 = arith.cmpi slt, %parallel_loop3A_174, %parallel_loop3A_303 : vector<16xi32>
        %parallel_loop3A_305 = arith.constant 16 : i32
        %parallel_loop3A_306 = vector.broadcast %parallel_loop3A_305 : i32 to vector<16xi32>
        %parallel_loop3A_307 = arith.addi %parallel_loop3A_174, %parallel_loop3A_306 : vector<16xi32>
        %parallel_loop3A_308 = arith.select %parallel_loop3A_304, %parallel_loop3A_307, %parallel_loop3A_174 : vector<16xi1>, vector<16xi32>
        %parallel_loop3A_309 = vector.shape_cast %parallel_loop3A_308 : vector<16xi32> to vector<16x1xi32>
        %parallel_loop3A_310 = vector.shape_cast %parallel_loop3A_309 : vector<16x1xi32> to vector<16xi32>
        %parallel_loop3A_311 = tpu.dynamic_gather %parallel_loop3A_301[%parallel_loop3A_310] in [0] : vector<16xf32>, vector<16xi32> -> vector<16xf32>
        %parallel_loop3A_312 = arith.subf %parallel_loop3A_298, %parallel_loop3A_311 : vector<16xf32>
        %parallel_loop3A_313 = arith.mulf %parallel_loop3A_312, %parallel_loop3A_312 : vector<16xf32>
        %parallel_loop3A_314 = arith.addf %parallel_loop3A_268, %parallel_loop3A_313 : vector<16xf32>
        %parallel_loop3A_315 = arith.constant 8 : i32
        %parallel_loop3A_316 = arith.muli %scan3A_243, %parallel_loop3A_315 : i32
        %parallel_loop3A_317 = arith.constant 3 : i32
        %parallel_loop3A_318 = arith.addi %parallel_loop3A_316, %parallel_loop3A_317 : i32
        %parallel_loop3A_319 = vector.broadcast %parallel_loop3A_318 : i32 to vector<16xi32>
        %parallel_loop3A_320 = arith.addi %parallel_loop3A_181, %parallel_loop3A_319 : vector<16xi32>
        %parallel_loop3A_321 = tpu.vector_load_idx %arg6[%parallel_loop3A_320] : memref<32768xf32, #tpu.memory_space<vmem>>[vector<16xi32>], vector<16xf32>,
        %parallel_loop3A_322 = arith.index_cast %parallel_loop3A_318 : i32 to index
        %parallel_loop3A_323 = arith.constant 0 : index
        %parallel_loop3A_324 = tpu.vector_load %arg12[%parallel_loop3A_322, %parallel_loop3A_323] {strides = array<i32>} : memref<64x16xf32, #tpu.memory_space<vmem>>, vector<16xf32>,
        %parallel_loop3A_325 = arith.constant 0 : i32
        %parallel_loop3A_326 = vector.broadcast %parallel_loop3A_325 : i32 to vector<16xi32>
        %parallel_loop3A_327 = arith.cmpi slt, %parallel_loop3A_174, %parallel_loop3A_326 : vector<16xi32>
        %parallel_loop3A_328 = arith.constant 16 : i32
        %parallel_loop3A_329 = vector.broadcast %parallel_loop3A_328 : i32 to vector<16xi32>
        %parallel_loop3A_330 = arith.addi %parallel_loop3A_174, %parallel_loop3A_329 : vector<16xi32>
        %parallel_loop3A_331 = arith.select %parallel_loop3A_327, %parallel_loop3A_330, %parallel_loop3A_174 : vector<16xi1>, vector<16xi32>
        %parallel_loop3A_332 = vector.shape_cast %parallel_loop3A_331 : vector<16xi32> to vector<16x1xi32>
        %parallel_loop3A_333 = vector.shape_cast %parallel_loop3A_332 : vector<16x1xi32> to vector<16xi32>
        %parallel_loop3A_334 = tpu.dynamic_gather %parallel_loop3A_324[%parallel_loop3A_333] in [0] : vector<16xf32>, vector<16xi32> -> vector<16xf32>
        %parallel_loop3A_335 = arith.subf %parallel_loop3A_321, %parallel_loop3A_334 : vector<16xf32>
        %parallel_loop3A_336 = arith.mulf %parallel_loop3A_335, %parallel_loop3A_335 : vector<16xf32>
        %parallel_loop3A_337 = arith.addf %parallel_loop3A_291, %parallel_loop3A_336 : vector<16xf32>
        %parallel_loop3A_338 = arith.constant 8 : i32
        %parallel_loop3A_339 = arith.muli %scan3A_243, %parallel_loop3A_338 : i32
        %parallel_loop3A_340 = arith.constant 4 : i32
        %parallel_loop3A_341 = arith.addi %parallel_loop3A_339, %parallel_loop3A_340 : i32
        %parallel_loop3A_342 = vector.broadcast %parallel_loop3A_341 : i32 to vector<16xi32>
        %parallel_loop3A_343 = arith.addi %parallel_loop3A_181, %parallel_loop3A_342 : vector<16xi32>
        %parallel_loop3A_344 = tpu.vector_load_idx %arg6[%parallel_loop3A_343] : memref<32768xf32, #tpu.memory_space<vmem>>[vector<16xi32>], vector<16xf32>,
        %parallel_loop3A_345 = arith.index_cast %parallel_loop3A_341 : i32 to index
        %parallel_loop3A_346 = arith.constant 0 : index
        %parallel_loop3A_347 = tpu.vector_load %arg12[%parallel_loop3A_345, %parallel_loop3A_346] {strides = array<i32>} : memref<64x16xf32, #tpu.memory_space<vmem>>, vector<16xf32>,
        %parallel_loop3A_348 = arith.constant 0 : i32
        %parallel_loop3A_349 = vector.broadcast %parallel_loop3A_348 : i32 to vector<16xi32>
        %parallel_loop3A_350 = arith.cmpi slt, %parallel_loop3A_174, %parallel_loop3A_349 : vector<16xi32>
        %parallel_loop3A_351 = arith.constant 16 : i32
        %parallel_loop3A_352 = vector.broadcast %parallel_loop3A_351 : i32 to vector<16xi32>
        %parallel_loop3A_353 = arith.addi %parallel_loop3A_174, %parallel_loop3A_352 : vector<16xi32>
        %parallel_loop3A_354 = arith.select %parallel_loop3A_350, %parallel_loop3A_353, %parallel_loop3A_174 : vector<16xi1>, vector<16xi32>
        %parallel_loop3A_355 = vector.shape_cast %parallel_loop3A_354 : vector<16xi32> to vector<16x1xi32>
        %parallel_loop3A_356 = vector.shape_cast %parallel_loop3A_355 : vector<16x1xi32> to vector<16xi32>
        %parallel_loop3A_357 = tpu.dynamic_gather %parallel_loop3A_347[%parallel_loop3A_356] in [0] : vector<16xf32>, vector<16xi32> -> vector<16xf32>
        %parallel_loop3A_358 = arith.subf %parallel_loop3A_344, %parallel_loop3A_357 : vector<16xf32>
        %parallel_loop3A_359 = arith.mulf %parallel_loop3A_358, %parallel_loop3A_358 : vector<16xf32>
        %parallel_loop3A_360 = arith.addf %parallel_loop3A_314, %parallel_loop3A_359 : vector<16xf32>
        %parallel_loop3A_361 = arith.constant 8 : i32
        %parallel_loop3A_362 = arith.muli %scan3A_243, %parallel_loop3A_361 : i32
        %parallel_loop3A_363 = arith.constant 5 : i32
        %parallel_loop3A_364 = arith.addi %parallel_loop3A_362, %parallel_loop3A_363 : i32
        %parallel_loop3A_365 = vector.broadcast %parallel_loop3A_364 : i32 to vector<16xi32>
        %parallel_loop3A_366 = arith.addi %parallel_loop3A_181, %parallel_loop3A_365 : vector<16xi32>
        %parallel_loop3A_367 = tpu.vector_load_idx %arg6[%parallel_loop3A_366] : memref<32768xf32, #tpu.memory_space<vmem>>[vector<16xi32>], vector<16xf32>,
        %parallel_loop3A_368 = arith.index_cast %parallel_loop3A_364 : i32 to index
        %parallel_loop3A_369 = arith.constant 0 : index
        %parallel_loop3A_370 = tpu.vector_load %arg12[%parallel_loop3A_368, %parallel_loop3A_369] {strides = array<i32>} : memref<64x16xf32, #tpu.memory_space<vmem>>, vector<16xf32>,
        %parallel_loop3A_371 = arith.constant 0 : i32
        %parallel_loop3A_372 = vector.broadcast %parallel_loop3A_371 : i32 to vector<16xi32>
        %parallel_loop3A_373 = arith.cmpi slt, %parallel_loop3A_174, %parallel_loop3A_372 : vector<16xi32>
        %parallel_loop3A_374 = arith.constant 16 : i32
        %parallel_loop3A_375 = vector.broadcast %parallel_loop3A_374 : i32 to vector<16xi32>
        %parallel_loop3A_376 = arith.addi %parallel_loop3A_174, %parallel_loop3A_375 : vector<16xi32>
        %parallel_loop3A_377 = arith.select %parallel_loop3A_373, %parallel_loop3A_376, %parallel_loop3A_174 : vector<16xi1>, vector<16xi32>
        %parallel_loop3A_378 = vector.shape_cast %parallel_loop3A_377 : vector<16xi32> to vector<16x1xi32>
        %parallel_loop3A_379 = vector.shape_cast %parallel_loop3A_378 : vector<16x1xi32> to vector<16xi32>
        %parallel_loop3A_380 = tpu.dynamic_gather %parallel_loop3A_370[%parallel_loop3A_379] in [0] : vector<16xf32>, vector<16xi32> -> vector<16xf32>
        %parallel_loop3A_381 = arith.subf %parallel_loop3A_367, %parallel_loop3A_380 : vector<16xf32>
        %parallel_loop3A_382 = arith.mulf %parallel_loop3A_381, %parallel_loop3A_381 : vector<16xf32>
        %parallel_loop3A_383 = arith.addf %parallel_loop3A_337, %parallel_loop3A_382 : vector<16xf32>
        %parallel_loop3A_384 = arith.constant 8 : i32
        %parallel_loop3A_385 = arith.muli %scan3A_243, %parallel_loop3A_384 : i32
        %parallel_loop3A_386 = arith.constant 6 : i32
        %parallel_loop3A_387 = arith.addi %parallel_loop3A_385, %parallel_loop3A_386 : i32
        %parallel_loop3A_388 = vector.broadcast %parallel_loop3A_387 : i32 to vector<16xi32>
        %parallel_loop3A_389 = arith.addi %parallel_loop3A_181, %parallel_loop3A_388 : vector<16xi32>
        %parallel_loop3A_390 = tpu.vector_load_idx %arg6[%parallel_loop3A_389] : memref<32768xf32, #tpu.memory_space<vmem>>[vector<16xi32>], vector<16xf32>,
        %parallel_loop3A_391 = arith.index_cast %parallel_loop3A_387 : i32 to index
        %parallel_loop3A_392 = arith.constant 0 : index
        %parallel_loop3A_393 = tpu.vector_load %arg12[%parallel_loop3A_391, %parallel_loop3A_392] {strides = array<i32>} : memref<64x16xf32, #tpu.memory_space<vmem>>, vector<16xf32>,
        %parallel_loop3A_394 = arith.constant 0 : i32
        %parallel_loop3A_395 = vector.broadcast %parallel_loop3A_394 : i32 to vector<16xi32>
        %parallel_loop3A_396 = arith.cmpi slt, %parallel_loop3A_174, %parallel_loop3A_395 : vector<16xi32>
        %parallel_loop3A_397 = arith.constant 16 : i32
        %parallel_loop3A_398 = vector.broadcast %parallel_loop3A_397 : i32 to vector<16xi32>
        %parallel_loop3A_399 = arith.addi %parallel_loop3A_174, %parallel_loop3A_398 : vector<16xi32>
        %parallel_loop3A_400 = arith.select %parallel_loop3A_396, %parallel_loop3A_399, %parallel_loop3A_174 : vector<16xi1>, vector<16xi32>
        %parallel_loop3A_401 = vector.shape_cast %parallel_loop3A_400 : vector<16xi32> to vector<16x1xi32>
        %parallel_loop3A_402 = vector.shape_cast %parallel_loop3A_401 : vector<16x1xi32> to vector<16xi32>
        %parallel_loop3A_403 = tpu.dynamic_gather %parallel_loop3A_393[%parallel_loop3A_402] in [0] : vector<16xf32>, vector<16xi32> -> vector<16xf32>
        %parallel_loop3A_404 = arith.subf %parallel_loop3A_390, %parallel_loop3A_403 : vector<16xf32>
        %parallel_loop3A_405 = arith.mulf %parallel_loop3A_404, %parallel_loop3A_404 : vector<16xf32>
        %parallel_loop3A_406 = arith.addf %parallel_loop3A_360, %parallel_loop3A_405 : vector<16xf32>
        %parallel_loop3A_407 = arith.constant 8 : i32
        %parallel_loop3A_408 = arith.muli %scan3A_243, %parallel_loop3A_407 : i32
        %parallel_loop3A_409 = arith.constant 7 : i32
        %parallel_loop3A_410 = arith.addi %parallel_loop3A_408, %parallel_loop3A_409 : i32
        %parallel_loop3A_411 = vector.broadcast %parallel_loop3A_410 : i32 to vector<16xi32>
        %parallel_loop3A_412 = arith.addi %parallel_loop3A_181, %parallel_loop3A_411 : vector<16xi32>
        %parallel_loop3A_413 = tpu.vector_load_idx %arg6[%parallel_loop3A_412] : memref<32768xf32, #tpu.memory_space<vmem>>[vector<16xi32>], vector<16xf32>,
        %parallel_loop3A_414 = arith.index_cast %parallel_loop3A_410 : i32 to index
        %parallel_loop3A_415 = arith.constant 0 : index
        %parallel_loop3A_416 = tpu.vector_load %arg12[%parallel_loop3A_414, %parallel_loop3A_415] {strides = array<i32>} : memref<64x16xf32, #tpu.memory_space<vmem>>, vector<16xf32>,
        %parallel_loop3A_417 = arith.constant 0 : i32
        %parallel_loop3A_418 = vector.broadcast %parallel_loop3A_417 : i32 to vector<16xi32>
        %parallel_loop3A_419 = arith.cmpi slt, %parallel_loop3A_174, %parallel_loop3A_418 : vector<16xi32>
        %parallel_loop3A_420 = arith.constant 16 : i32
        %parallel_loop3A_421 = vector.broadcast %parallel_loop3A_420 : i32 to vector<16xi32>
        %parallel_loop3A_422 = arith.addi %parallel_loop3A_174, %parallel_loop3A_421 : vector<16xi32>
        %parallel_loop3A_423 = arith.select %parallel_loop3A_419, %parallel_loop3A_422, %parallel_loop3A_174 : vector<16xi1>, vector<16xi32>
        %parallel_loop3A_424 = vector.shape_cast %parallel_loop3A_423 : vector<16xi32> to vector<16x1xi32>
        %parallel_loop3A_425 = vector.shape_cast %parallel_loop3A_424 : vector<16x1xi32> to vector<16xi32>
        %parallel_loop3A_426 = tpu.dynamic_gather %parallel_loop3A_416[%parallel_loop3A_425] in [0] : vector<16xf32>, vector<16xi32> -> vector<16xf32>
        %parallel_loop3A_427 = arith.subf %parallel_loop3A_413, %parallel_loop3A_426 : vector<16xf32>
        %parallel_loop3A_428 = arith.mulf %parallel_loop3A_427, %parallel_loop3A_427 : vector<16xf32>
        %parallel_loop3A_429 = arith.addf %parallel_loop3A_383, %parallel_loop3A_428 : vector<16xf32>
        scf.yield %parallel_loop3A_406, %parallel_loop3A_429 : vector<16xf32>, vector<16xf32>
      }
      %parallel_loop3A_187 = arith.constant 8 : i32
      %parallel_loop3A_188 = arith.addf %parallel_loop3A_186#0, %parallel_loop3A_186#1 : vector<16xf32>
      %parallel_loop3A_189 = arith.constant 1.000000e-30 : f32
      %parallel_loop3A_190 = vector.broadcast %parallel_loop3A_189 : f32 to vector<16xf32>
      %parallel_loop3A_191 = arith.maximumf %parallel_loop3A_188, %parallel_loop3A_190 : vector<16xf32>
      %parallel_loop3A_192 = tpu.bitcast %parallel_loop3A_191 : vector<16xf32> -> vector<16xi32>
      %parallel_loop3A_193 = arith.constant 1 : i32
      %parallel_loop3A_194 = vector.broadcast %parallel_loop3A_193 : i32 to vector<16xi32>
      %parallel_loop3A_195 = arith.shrui %parallel_loop3A_192, %parallel_loop3A_194 : vector<16xi32>
      %parallel_loop3A_196 = arith.constant 1597463007 : i32
      %parallel_loop3A_197 = vector.broadcast %parallel_loop3A_196 : i32 to vector<16xi32>
      %parallel_loop3A_198 = arith.subi %parallel_loop3A_197, %parallel_loop3A_195 : vector<16xi32>
      %parallel_loop3A_199 = tpu.bitcast %parallel_loop3A_198 : vector<16xi32> -> vector<16xf32>
      %parallel_loop3A_200 = arith.constant 5.000000e-01 : f32
      %parallel_loop3A_201 = vector.broadcast %parallel_loop3A_200 : f32 to vector<16xf32>
      %parallel_loop3A_202 = arith.mulf %parallel_loop3A_201, %parallel_loop3A_191 : vector<16xf32>
      %parallel_loop3A_203 = arith.mulf %parallel_loop3A_202, %parallel_loop3A_199 : vector<16xf32>
      %parallel_loop3A_204 = arith.mulf %parallel_loop3A_203, %parallel_loop3A_199 : vector<16xf32>
      %parallel_loop3A_205 = arith.constant 1.500000e+00 : f32
      %parallel_loop3A_206 = vector.broadcast %parallel_loop3A_205 : f32 to vector<16xf32>
      %parallel_loop3A_207 = arith.subf %parallel_loop3A_206, %parallel_loop3A_204 : vector<16xf32>
      %parallel_loop3A_208 = arith.mulf %parallel_loop3A_199, %parallel_loop3A_207 : vector<16xf32>
      %parallel_loop3A_209 = arith.constant 5.000000e-01 : f32
      %parallel_loop3A_210 = vector.broadcast %parallel_loop3A_209 : f32 to vector<16xf32>
      %parallel_loop3A_211 = arith.mulf %parallel_loop3A_210, %parallel_loop3A_191 : vector<16xf32>
      %parallel_loop3A_212 = arith.mulf %parallel_loop3A_211, %parallel_loop3A_208 : vector<16xf32>
      %parallel_loop3A_213 = arith.mulf %parallel_loop3A_212, %parallel_loop3A_208 : vector<16xf32>
      %parallel_loop3A_214 = arith.constant 1.500000e+00 : f32
      %parallel_loop3A_215 = vector.broadcast %parallel_loop3A_214 : f32 to vector<16xf32>
      %parallel_loop3A_216 = arith.subf %parallel_loop3A_215, %parallel_loop3A_213 : vector<16xf32>
      %parallel_loop3A_217 = arith.mulf %parallel_loop3A_208, %parallel_loop3A_216 : vector<16xf32>
      %parallel_loop3A_218 = arith.constant 5.000000e-01 : f32
      %parallel_loop3A_219 = vector.broadcast %parallel_loop3A_218 : f32 to vector<16xf32>
      %parallel_loop3A_220 = arith.mulf %parallel_loop3A_219, %parallel_loop3A_191 : vector<16xf32>
      %parallel_loop3A_221 = arith.mulf %parallel_loop3A_220, %parallel_loop3A_217 : vector<16xf32>
      %parallel_loop3A_222 = arith.mulf %parallel_loop3A_221, %parallel_loop3A_217 : vector<16xf32>
      %parallel_loop3A_223 = arith.constant 1.500000e+00 : f32
      %parallel_loop3A_224 = vector.broadcast %parallel_loop3A_223 : f32 to vector<16xf32>
      %parallel_loop3A_225 = arith.subf %parallel_loop3A_224, %parallel_loop3A_222 : vector<16xf32>
      %parallel_loop3A_226 = arith.mulf %parallel_loop3A_217, %parallel_loop3A_225 : vector<16xf32>
      %parallel_loop3A_227 = arith.mulf %parallel_loop3A_191, %parallel_loop3A_226 : vector<16xf32>
      %parallel_loop3A_228 = arith.constant 0.699999988 : f32
      %parallel_loop3A_229 = vector.broadcast %parallel_loop3A_228 : f32 to vector<16xf32>
      %parallel_loop3A_230 = arith.subf %parallel_loop3A_227, %parallel_loop3A_229 : vector<16xf32>
      %parallel_loop3A_231 = arith.constant 0.000000e+00 : f32
      %parallel_loop3A_232 = vector.broadcast %parallel_loop3A_231 : f32 to vector<16xf32>
      %parallel_loop3A_233 = arith.maximumf %parallel_loop3A_230, %parallel_loop3A_232 : vector<16xf32>
      %parallel_loop3A_234 = arith.constant 16 : i32
      %parallel_loop3A_235 = arith.muli %parallel_loop3A_168, %parallel_loop3A_234 : i32
      %parallel_loop3A_236 = arith.index_cast %parallel_loop3A_235 : i32 to index
      %parallel_loop3A_237 = tpu.vector_load %arg9[%parallel_loop3A_236] {strides = array<i32>} : memref<256xf32, #tpu.memory_space<vmem>>, vector<16xf32>,
      %parallel_loop3A_238 = arith.mulf %parallel_loop3A_237, %parallel_loop3A_233 : vector<16xf32>
      %parallel_loop3A_239 = arith.mulf %parallel_loop3A_238, %parallel_loop3A_233 : vector<16xf32>
      %parallel_loop3A_240 = tpu.vector_load_idx %arg13[%parallel_loop3A_174] : memref<16xf32, #tpu.memory_space<vmem>>[vector<16xi32>], vector<16xf32>,
      %parallel_loop3A_241 = arith.mulf %parallel_loop3A_239, %parallel_loop3A_240 : vector<16xf32>
      %parallel_loop3A_242 = arith.addf %parallel_loop3A_169, %parallel_loop3A_241 : vector<16xf32>
      scf.yield %parallel_loop3A_242 : vector<16xf32>
    } {sc.loop_unroll_factor = 1 : i64, sc.parallel_access}
    "tpu.trace_stop"() : () -> ()
    %broadcast_in_dim3A_68 = vector.broadcast %arg1 : i32 to vector<16xi32>
    %lt3A_69 = arith.constant 0 : i32
    %lt3A_70 = vector.broadcast %lt3A_69 : i32 to vector<16xi32>
    %lt3A_71 = arith.cmpi slt, %broadcast_in_dim3A_68, %lt3A_70 : vector<16xi32>
    %add3A_72 = arith.constant 16 : i32
    %add3A_73 = vector.broadcast %add3A_72 : i32 to vector<16xi32>
    %add3A_74 = arith.addi %broadcast_in_dim3A_68, %add3A_73 : vector<16xi32>
    %select_n3A_75 = arith.select %lt3A_71, %add3A_74, %broadcast_in_dim3A_68 : vector<16xi1>, vector<16xi32>
    %broadcast_in_dim3A_76 = vector.shape_cast %select_n3A_75 : vector<16xi32> to vector<16x1xi32>
    %gather3A = vector.shape_cast %broadcast_in_dim3A_76 : vector<16x1xi32> to vector<16xi32>
    %gather3A_77 = tpu.dynamic_gather %select_n3A_52[%gather3A] in [0] : vector<16xf32>, vector<16xi32> -> vector<16xf32>
    %scan3A = arith.constant 0 : i32
    %scan3A_78 = arith.constant 4 : i32
    %scan3A_79 = arith.addi %scan3A, %scan3A_78 : i32
    %scan3A_80 = arith.constant 1 : i32
    %scan3A_81 = scf.for %scan3A_168 = %scan3A to %scan3A_79 step %scan3A_80 iter_args(%scan3A_169 = %broadcast_in_dim3A_5) -> (vector<16xf32>)  : i32 {
      %mul3A_170 = arith.constant 4 : i32
      %mul3A_171 = arith.muli %arg1, %mul3A_170 : i32
      %add3A_172 = arith.addi %mul3A_171, %scan3A_168 : i32
      %get3A_173 = arith.index_cast %add3A_172 : i32 to index
      %get3A_174 = arith.constant 0 : index
      %get3A_175 = tpu.vector_load %arg11[%get3A_173, %get3A_174] {strides = array<i32>} : memref<80x16xf32, #tpu.memory_space<vmem>>, vector<16xf32>,
      %mul3A_176 = arith.mulf %get3A_175, %gather3A_77 : vector<16xf32>
      %mul3A_177 = arith.constant 16 : i32
      %mul3A_178 = arith.muli %scan3A_168, %mul3A_177 : i32
      %add3A_179 = arith.constant 0 : i32
      %add3A_180 = arith.addi %mul3A_178, %add3A_179 : i32
      %get3A_181 = arith.index_cast %add3A_180 : i32 to index
      %get3A_182 = arith.constant 0 : index
      %get3A_183 = tpu.vector_load %arg12[%get3A_181, %get3A_182] {strides = array<i32>} : memref<64x16xf32, #tpu.memory_space<vmem>>, vector<16xf32>,
      %slice3A = vector.extract_strided_slice %mul3A_176 {offsets = [0], sizes = [1], strides = [1]} : vector<16xf32> to vector<1xf32>
      %squeeze3A = vector.extract %slice3A[0] : f32 from vector<1xf32>
      %sub3A_184 = vector.broadcast %squeeze3A : f32 to vector<16xf32>
      %sub3A_185 = arith.subf %get3A_183, %sub3A_184 : vector<16xf32>
      %mul3A_186 = arith.mulf %sub3A_185, %sub3A_185 : vector<16xf32>
      %add3A_187 = arith.addf %scan3A_169, %mul3A_186 : vector<16xf32>
      %mul3A_188 = arith.constant 16 : i32
      %mul3A_189 = arith.muli %scan3A_168, %mul3A_188 : i32
      %add3A_190 = arith.constant 1 : i32
      %add3A_191 = arith.addi %mul3A_189, %add3A_190 : i32
      %get3A_192 = arith.index_cast %add3A_191 : i32 to index
      %get3A_193 = arith.constant 0 : index
      %get3A_194 = tpu.vector_load %arg12[%get3A_192, %get3A_193] {strides = array<i32>} : memref<64x16xf32, #tpu.memory_space<vmem>>, vector<16xf32>,
      %slice3A_195 = vector.extract_strided_slice %mul3A_176 {offsets = [1], sizes = [1], strides = [1]} : vector<16xf32> to vector<1xf32>
      %squeeze3A_196 = vector.extract %slice3A_195[0] : f32 from vector<1xf32>
      %sub3A_197 = vector.broadcast %squeeze3A_196 : f32 to vector<16xf32>
      %sub3A_198 = arith.subf %get3A_194, %sub3A_197 : vector<16xf32>
      %mul3A_199 = arith.mulf %sub3A_198, %sub3A_198 : vector<16xf32>
      %add3A_200 = arith.addf %add3A_187, %mul3A_199 : vector<16xf32>
      %mul3A_201 = arith.constant 16 : i32
      %mul3A_202 = arith.muli %scan3A_168, %mul3A_201 : i32
      %add3A_203 = arith.constant 2 : i32
      %add3A_204 = arith.addi %mul3A_202, %add3A_203 : i32
      %get3A_205 = arith.index_cast %add3A_204 : i32 to index
      %get3A_206 = arith.constant 0 : index
      %get3A_207 = tpu.vector_load %arg12[%get3A_205, %get3A_206] {strides = array<i32>} : memref<64x16xf32, #tpu.memory_space<vmem>>, vector<16xf32>,
      %slice3A_208 = vector.extract_strided_slice %mul3A_176 {offsets = [2], sizes = [1], strides = [1]} : vector<16xf32> to vector<1xf32>
      %squeeze3A_209 = vector.extract %slice3A_208[0] : f32 from vector<1xf32>
      %sub3A_210 = vector.broadcast %squeeze3A_209 : f32 to vector<16xf32>
      %sub3A_211 = arith.subf %get3A_207, %sub3A_210 : vector<16xf32>
      %mul3A_212 = arith.mulf %sub3A_211, %sub3A_211 : vector<16xf32>
      %add3A_213 = arith.addf %add3A_200, %mul3A_212 : vector<16xf32>
      %mul3A_214 = arith.constant 16 : i32
      %mul3A_215 = arith.muli %scan3A_168, %mul3A_214 : i32
      %add3A_216 = arith.constant 3 : i32
      %add3A_217 = arith.addi %mul3A_215, %add3A_216 : i32
      %get3A_218 = arith.index_cast %add3A_217 : i32 to index
      %get3A_219 = arith.constant 0 : index
      %get3A_220 = tpu.vector_load %arg12[%get3A_218, %get3A_219] {strides = array<i32>} : memref<64x16xf32, #tpu.memory_space<vmem>>, vector<16xf32>,
      %slice3A_221 = vector.extract_strided_slice %mul3A_176 {offsets = [3], sizes = [1], strides = [1]} : vector<16xf32> to vector<1xf32>
      %squeeze3A_222 = vector.extract %slice3A_221[0] : f32 from vector<1xf32>
      %sub3A_223 = vector.broadcast %squeeze3A_222 : f32 to vector<16xf32>
      %sub3A_224 = arith.subf %get3A_220, %sub3A_223 : vector<16xf32>
      %mul3A_225 = arith.mulf %sub3A_224, %sub3A_224 : vector<16xf32>
      %add3A_226 = arith.addf %add3A_213, %mul3A_225 : vector<16xf32>
      %mul3A_227 = arith.constant 16 : i32
      %mul3A_228 = arith.muli %scan3A_168, %mul3A_227 : i32
      %add3A_229 = arith.constant 4 : i32
      %add3A_230 = arith.addi %mul3A_228, %add3A_229 : i32
      %get3A_231 = arith.index_cast %add3A_230 : i32 to index
      %get3A_232 = arith.constant 0 : index
      %get3A_233 = tpu.vector_load %arg12[%get3A_231, %get3A_232] {strides = array<i32>} : memref<64x16xf32, #tpu.memory_space<vmem>>, vector<16xf32>,
      %slice3A_234 = vector.extract_strided_slice %mul3A_176 {offsets = [4], sizes = [1], strides = [1]} : vector<16xf32> to vector<1xf32>
      %squeeze3A_235 = vector.extract %slice3A_234[0] : f32 from vector<1xf32>
      %sub3A_236 = vector.broadcast %squeeze3A_235 : f32 to vector<16xf32>
      %sub3A_237 = arith.subf %get3A_233, %sub3A_236 : vector<16xf32>
      %mul3A_238 = arith.mulf %sub3A_237, %sub3A_237 : vector<16xf32>
      %add3A_239 = arith.addf %add3A_226, %mul3A_238 : vector<16xf32>
      %mul3A_240 = arith.constant 16 : i32
      %mul3A_241 = arith.muli %scan3A_168, %mul3A_240 : i32
      %add3A_242 = arith.constant 5 : i32
      %add3A_243 = arith.addi %mul3A_241, %add3A_242 : i32
      %get3A_244 = arith.index_cast %add3A_243 : i32 to index
      %get3A_245 = arith.constant 0 : index
      %get3A_246 = tpu.vector_load %arg12[%get3A_244, %get3A_245] {strides = array<i32>} : memref<64x16xf32, #tpu.memory_space<vmem>>, vector<16xf32>,
      %slice3A_247 = vector.extract_strided_slice %mul3A_176 {offsets = [5], sizes = [1], strides = [1]} : vector<16xf32> to vector<1xf32>
      %squeeze3A_248 = vector.extract %slice3A_247[0] : f32 from vector<1xf32>
      %sub3A_249 = vector.broadcast %squeeze3A_248 : f32 to vector<16xf32>
      %sub3A_250 = arith.subf %get3A_246, %sub3A_249 : vector<16xf32>
      %mul3A_251 = arith.mulf %sub3A_250, %sub3A_250 : vector<16xf32>
      %add3A_252 = arith.addf %add3A_239, %mul3A_251 : vector<16xf32>
      %mul3A_253 = arith.constant 16 : i32
      %mul3A_254 = arith.muli %scan3A_168, %mul3A_253 : i32
      %add3A_255 = arith.constant 6 : i32
      %add3A_256 = arith.addi %mul3A_254, %add3A_255 : i32
      %get3A_257 = arith.index_cast %add3A_256 : i32 to index
      %get3A_258 = arith.constant 0 : index
      %get3A_259 = tpu.vector_load %arg12[%get3A_257, %get3A_258] {strides = array<i32>} : memref<64x16xf32, #tpu.memory_space<vmem>>, vector<16xf32>,
      %slice3A_260 = vector.extract_strided_slice %mul3A_176 {offsets = [6], sizes = [1], strides = [1]} : vector<16xf32> to vector<1xf32>
      %squeeze3A_261 = vector.extract %slice3A_260[0] : f32 from vector<1xf32>
      %sub3A_262 = vector.broadcast %squeeze3A_261 : f32 to vector<16xf32>
      %sub3A_263 = arith.subf %get3A_259, %sub3A_262 : vector<16xf32>
      %mul3A_264 = arith.mulf %sub3A_263, %sub3A_263 : vector<16xf32>
      %add3A_265 = arith.addf %add3A_252, %mul3A_264 : vector<16xf32>
      %mul3A_266 = arith.constant 16 : i32
      %mul3A_267 = arith.muli %scan3A_168, %mul3A_266 : i32
      %add3A_268 = arith.constant 7 : i32
      %add3A_269 = arith.addi %mul3A_267, %add3A_268 : i32
      %get3A_270 = arith.index_cast %add3A_269 : i32 to index
      %get3A_271 = arith.constant 0 : index
      %get3A_272 = tpu.vector_load %arg12[%get3A_270, %get3A_271] {strides = array<i32>} : memref<64x16xf32, #tpu.memory_space<vmem>>, vector<16xf32>,
      %slice3A_273 = vector.extract_strided_slice %mul3A_176 {offsets = [7], sizes = [1], strides = [1]} : vector<16xf32> to vector<1xf32>
      %squeeze3A_274 = vector.extract %slice3A_273[0] : f32 from vector<1xf32>
      %sub3A_275 = vector.broadcast %squeeze3A_274 : f32 to vector<16xf32>
      %sub3A_276 = arith.subf %get3A_272, %sub3A_275 : vector<16xf32>
      %mul3A_277 = arith.mulf %sub3A_276, %sub3A_276 : vector<16xf32>
      %add3A_278 = arith.addf %add3A_265, %mul3A_277 : vector<16xf32>
      %mul3A_279 = arith.constant 16 : i32
      %mul3A_280 = arith.muli %scan3A_168, %mul3A_279 : i32
      %add3A_281 = arith.constant 8 : i32
      %add3A_282 = arith.addi %mul3A_280, %add3A_281 : i32
      %get3A_283 = arith.index_cast %add3A_282 : i32 to index
      %get3A_284 = arith.constant 0 : index
      %get3A_285 = tpu.vector_load %arg12[%get3A_283, %get3A_284] {strides = array<i32>} : memref<64x16xf32, #tpu.memory_space<vmem>>, vector<16xf32>,
      %slice3A_286 = vector.extract_strided_slice %mul3A_176 {offsets = [8], sizes = [1], strides = [1]} : vector<16xf32> to vector<1xf32>
      %squeeze3A_287 = vector.extract %slice3A_286[0] : f32 from vector<1xf32>
      %sub3A_288 = vector.broadcast %squeeze3A_287 : f32 to vector<16xf32>
      %sub3A_289 = arith.subf %get3A_285, %sub3A_288 : vector<16xf32>
      %mul3A_290 = arith.mulf %sub3A_289, %sub3A_289 : vector<16xf32>
      %add3A_291 = arith.addf %add3A_278, %mul3A_290 : vector<16xf32>
      %mul3A_292 = arith.constant 16 : i32
      %mul3A_293 = arith.muli %scan3A_168, %mul3A_292 : i32
      %add3A_294 = arith.constant 9 : i32
      %add3A_295 = arith.addi %mul3A_293, %add3A_294 : i32
      %get3A_296 = arith.index_cast %add3A_295 : i32 to index
      %get3A_297 = arith.constant 0 : index
      %get3A_298 = tpu.vector_load %arg12[%get3A_296, %get3A_297] {strides = array<i32>} : memref<64x16xf32, #tpu.memory_space<vmem>>, vector<16xf32>,
      %slice3A_299 = vector.extract_strided_slice %mul3A_176 {offsets = [9], sizes = [1], strides = [1]} : vector<16xf32> to vector<1xf32>
      %squeeze3A_300 = vector.extract %slice3A_299[0] : f32 from vector<1xf32>
      %sub3A_301 = vector.broadcast %squeeze3A_300 : f32 to vector<16xf32>
      %sub3A_302 = arith.subf %get3A_298, %sub3A_301 : vector<16xf32>
      %mul3A_303 = arith.mulf %sub3A_302, %sub3A_302 : vector<16xf32>
      %add3A_304 = arith.addf %add3A_291, %mul3A_303 : vector<16xf32>
      %mul3A_305 = arith.constant 16 : i32
      %mul3A_306 = arith.muli %scan3A_168, %mul3A_305 : i32
      %add3A_307 = arith.constant 10 : i32
      %add3A_308 = arith.addi %mul3A_306, %add3A_307 : i32
      %get3A_309 = arith.index_cast %add3A_308 : i32 to index
      %get3A_310 = arith.constant 0 : index
      %get3A_311 = tpu.vector_load %arg12[%get3A_309, %get3A_310] {strides = array<i32>} : memref<64x16xf32, #tpu.memory_space<vmem>>, vector<16xf32>,
      %slice3A_312 = vector.extract_strided_slice %mul3A_176 {offsets = [10], sizes = [1], strides = [1]} : vector<16xf32> to vector<1xf32>
      %squeeze3A_313 = vector.extract %slice3A_312[0] : f32 from vector<1xf32>
      %sub3A_314 = vector.broadcast %squeeze3A_313 : f32 to vector<16xf32>
      %sub3A_315 = arith.subf %get3A_311, %sub3A_314 : vector<16xf32>
      %mul3A_316 = arith.mulf %sub3A_315, %sub3A_315 : vector<16xf32>
      %add3A_317 = arith.addf %add3A_304, %mul3A_316 : vector<16xf32>
      %mul3A_318 = arith.constant 16 : i32
      %mul3A_319 = arith.muli %scan3A_168, %mul3A_318 : i32
      %add3A_320 = arith.constant 11 : i32
      %add3A_321 = arith.addi %mul3A_319, %add3A_320 : i32
      %get3A_322 = arith.index_cast %add3A_321 : i32 to index
      %get3A_323 = arith.constant 0 : index
      %get3A_324 = tpu.vector_load %arg12[%get3A_322, %get3A_323] {strides = array<i32>} : memref<64x16xf32, #tpu.memory_space<vmem>>, vector<16xf32>,
      %slice3A_325 = vector.extract_strided_slice %mul3A_176 {offsets = [11], sizes = [1], strides = [1]} : vector<16xf32> to vector<1xf32>
      %squeeze3A_326 = vector.extract %slice3A_325[0] : f32 from vector<1xf32>
      %sub3A_327 = vector.broadcast %squeeze3A_326 : f32 to vector<16xf32>
      %sub3A_328 = arith.subf %get3A_324, %sub3A_327 : vector<16xf32>
      %mul3A_329 = arith.mulf %sub3A_328, %sub3A_328 : vector<16xf32>
      %add3A_330 = arith.addf %add3A_317, %mul3A_329 : vector<16xf32>
      %mul3A_331 = arith.constant 16 : i32
      %mul3A_332 = arith.muli %scan3A_168, %mul3A_331 : i32
      %add3A_333 = arith.constant 12 : i32
      %add3A_334 = arith.addi %mul3A_332, %add3A_333 : i32
      %get3A_335 = arith.index_cast %add3A_334 : i32 to index
      %get3A_336 = arith.constant 0 : index
      %get3A_337 = tpu.vector_load %arg12[%get3A_335, %get3A_336] {strides = array<i32>} : memref<64x16xf32, #tpu.memory_space<vmem>>, vector<16xf32>,
      %slice3A_338 = vector.extract_strided_slice %mul3A_176 {offsets = [12], sizes = [1], strides = [1]} : vector<16xf32> to vector<1xf32>
      %squeeze3A_339 = vector.extract %slice3A_338[0] : f32 from vector<1xf32>
      %sub3A_340 = vector.broadcast %squeeze3A_339 : f32 to vector<16xf32>
      %sub3A_341 = arith.subf %get3A_337, %sub3A_340 : vector<16xf32>
      %mul3A_342 = arith.mulf %sub3A_341, %sub3A_341 : vector<16xf32>
      %add3A_343 = arith.addf %add3A_330, %mul3A_342 : vector<16xf32>
      %mul3A_344 = arith.constant 16 : i32
      %mul3A_345 = arith.muli %scan3A_168, %mul3A_344 : i32
      %add3A_346 = arith.constant 13 : i32
      %add3A_347 = arith.addi %mul3A_345, %add3A_346 : i32
      %get3A_348 = arith.index_cast %add3A_347 : i32 to index
      %get3A_349 = arith.constant 0 : index
      %get3A_350 = tpu.vector_load %arg12[%get3A_348, %get3A_349] {strides = array<i32>} : memref<64x16xf32, #tpu.memory_space<vmem>>, vector<16xf32>,
      %slice3A_351 = vector.extract_strided_slice %mul3A_176 {offsets = [13], sizes = [1], strides = [1]} : vector<16xf32> to vector<1xf32>
      %squeeze3A_352 = vector.extract %slice3A_351[0] : f32 from vector<1xf32>
      %sub3A_353 = vector.broadcast %squeeze3A_352 : f32 to vector<16xf32>
      %sub3A_354 = arith.subf %get3A_350, %sub3A_353 : vector<16xf32>
      %mul3A_355 = arith.mulf %sub3A_354, %sub3A_354 : vector<16xf32>
      %add3A_356 = arith.addf %add3A_343, %mul3A_355 : vector<16xf32>
      %mul3A_357 = arith.constant 16 : i32
      %mul3A_358 = arith.muli %scan3A_168, %mul3A_357 : i32
      %add3A_359 = arith.constant 14 : i32
      %add3A_360 = arith.addi %mul3A_358, %add3A_359 : i32
      %get3A_361 = arith.index_cast %add3A_360 : i32 to index
      %get3A_362 = arith.constant 0 : index
      %get3A_363 = tpu.vector_load %arg12[%get3A_361, %get3A_362] {strides = array<i32>} : memref<64x16xf32, #tpu.memory_space<vmem>>, vector<16xf32>,
      %slice3A_364 = vector.extract_strided_slice %mul3A_176 {offsets = [14], sizes = [1], strides = [1]} : vector<16xf32> to vector<1xf32>
      %squeeze3A_365 = vector.extract %slice3A_364[0] : f32 from vector<1xf32>
      %sub3A_366 = vector.broadcast %squeeze3A_365 : f32 to vector<16xf32>
      %sub3A_367 = arith.subf %get3A_363, %sub3A_366 : vector<16xf32>
      %mul3A_368 = arith.mulf %sub3A_367, %sub3A_367 : vector<16xf32>
      %add3A_369 = arith.addf %add3A_356, %mul3A_368 : vector<16xf32>
      %mul3A_370 = arith.constant 16 : i32
      %mul3A_371 = arith.muli %scan3A_168, %mul3A_370 : i32
      %add3A_372 = arith.constant 15 : i32
      %add3A_373 = arith.addi %mul3A_371, %add3A_372 : i32
      %get3A_374 = arith.index_cast %add3A_373 : i32 to index
      %get3A_375 = arith.constant 0 : index
      %get3A_376 = tpu.vector_load %arg12[%get3A_374, %get3A_375] {strides = array<i32>} : memref<64x16xf32, #tpu.memory_space<vmem>>, vector<16xf32>,
      %slice3A_377 = vector.extract_strided_slice %mul3A_176 {offsets = [15], sizes = [1], strides = [1]} : vector<16xf32> to vector<1xf32>
      %squeeze3A_378 = vector.extract %slice3A_377[0] : f32 from vector<1xf32>
      %sub3A_379 = vector.broadcast %squeeze3A_378 : f32 to vector<16xf32>
      %sub3A_380 = arith.subf %get3A_376, %sub3A_379 : vector<16xf32>
      %mul3A_381 = arith.mulf %sub3A_380, %sub3A_380 : vector<16xf32>
      %add3A_382 = arith.addf %add3A_369, %mul3A_381 : vector<16xf32>
      scf.yield %add3A_382 : vector<16xf32>
    }
    %scan3A_82 = arith.constant 4 : i32
    %max3A = arith.constant 1.000000e-30 : f32
    %max3A_83 = vector.broadcast %max3A : f32 to vector<16xf32>
    %max3A_84 = arith.maximumf %scan3A_81, %max3A_83 : vector<16xf32>
    %bitcast_convert_type3A = tpu.bitcast %max3A_84 : vector<16xf32> -> vector<16xi32>
    %shift_right_logical3A = arith.constant 1 : i32
    %shift_right_logical3A_85 = vector.broadcast %shift_right_logical3A : i32 to vector<16xi32>
    %shift_right_logical3A_86 = arith.shrui %bitcast_convert_type3A, %shift_right_logical3A_85 : vector<16xi32>
    %sub3A = arith.constant 1597463007 : i32
    %sub3A_87 = vector.broadcast %sub3A : i32 to vector<16xi32>
    %sub3A_88 = arith.subi %sub3A_87, %shift_right_logical3A_86 : vector<16xi32>
    %bitcast_convert_type3A_89 = tpu.bitcast %sub3A_88 : vector<16xi32> -> vector<16xf32>
    %mul3A_90 = arith.constant 5.000000e-01 : f32
    %mul3A_91 = vector.broadcast %mul3A_90 : f32 to vector<16xf32>
    %mul3A_92 = arith.mulf %mul3A_91, %max3A_84 : vector<16xf32>
    %mul3A_93 = arith.mulf %mul3A_92, %bitcast_convert_type3A_89 : vector<16xf32>
    %mul3A_94 = arith.mulf %mul3A_93, %bitcast_convert_type3A_89 : vector<16xf32>
    %sub3A_95 = arith.constant 1.500000e+00 : f32
    %sub3A_96 = vector.broadcast %sub3A_95 : f32 to vector<16xf32>
    %sub3A_97 = arith.subf %sub3A_96, %mul3A_94 : vector<16xf32>
    %mul3A_98 = arith.mulf %bitcast_convert_type3A_89, %sub3A_97 : vector<16xf32>
    %mul3A_99 = arith.constant 5.000000e-01 : f32
    %mul3A_100 = vector.broadcast %mul3A_99 : f32 to vector<16xf32>
    %mul3A_101 = arith.mulf %mul3A_100, %max3A_84 : vector<16xf32>
    %mul3A_102 = arith.mulf %mul3A_101, %mul3A_98 : vector<16xf32>
    %mul3A_103 = arith.mulf %mul3A_102, %mul3A_98 : vector<16xf32>
    %sub3A_104 = arith.constant 1.500000e+00 : f32
    %sub3A_105 = vector.broadcast %sub3A_104 : f32 to vector<16xf32>
    %sub3A_106 = arith.subf %sub3A_105, %mul3A_103 : vector<16xf32>
    %mul3A_107 = arith.mulf %mul3A_98, %sub3A_106 : vector<16xf32>
    %mul3A_108 = arith.constant 5.000000e-01 : f32
    %mul3A_109 = vector.broadcast %mul3A_108 : f32 to vector<16xf32>
    %mul3A_110 = arith.mulf %mul3A_109, %max3A_84 : vector<16xf32>
    %mul3A_111 = arith.mulf %mul3A_110, %mul3A_107 : vector<16xf32>
    %mul3A_112 = arith.mulf %mul3A_111, %mul3A_107 : vector<16xf32>
    %sub3A_113 = arith.constant 1.500000e+00 : f32
    %sub3A_114 = vector.broadcast %sub3A_113 : f32 to vector<16xf32>
    %sub3A_115 = arith.subf %sub3A_114, %mul3A_112 : vector<16xf32>
    %mul3A_116 = arith.mulf %mul3A_107, %sub3A_115 : vector<16xf32>
    %mul3A_117 = arith.mulf %max3A_84, %mul3A_116 : vector<16xf32>
    %sub3A_118 = arith.constant 1.500000e+00 : f32
    %sub3A_119 = vector.broadcast %sub3A_118 : f32 to vector<16xf32>
    %sub3A_120 = arith.subf %sub3A_119, %mul3A_117 : vector<16xf32>
    %max3A_121 = arith.constant 0.000000e+00 : f32
    %max3A_122 = vector.broadcast %max3A_121 : f32 to vector<16xf32>
    %max3A_123 = arith.maximumf %sub3A_120, %max3A_122 : vector<16xf32>
    %mul3A_124 = arith.mulf %max3A_123, %max3A_123 : vector<16xf32>
    %ne3A = vector.broadcast %arg1 : i32 to vector<16xi32>
    %ne3A_125 = arith.cmpi ne, %iota3A, %ne3A : vector<16xi32>
    %and3A_126 = arith.andi %and3A, %ne3A_125 : vector<16xi1>
    %convert_element_type3A_127 = arith.sitofp %arg1 : i32 to f32
    %ge3A_128 = arith.constant 1 : i32
    %ge3A_129 = arith.cmpi sge, %arg1, %ge3A_128 : i32
    %lt3A_130 = arith.cmpf olt, %convert_element_type3A_127, %reduce_sum3A_44 : f32
    %and3A_131 = arith.andi %ge3A_129, %lt3A_130 : i1
    %eq3A_132 = arith.constant 0 : i32
    %eq3A_133 = arith.cmpi eq, %arg0, %eq3A_132 : i32
    %and3A_134 = arith.andi %and3A_131, %eq3A_133 : i1
    %jit3A_135 = arith.constant 1.000000e+00 : f32
    %jit3A_136 = arith.constant 0.000000e+00 : f32
    %select_n3A_137 = arith.select %and3A_134, %jit3A_135, %jit3A_136 : f32
    %jit3A_138 = arith.constant 0.000000e+00 : f32
    %broadcast_in_dim3A_139 = vector.broadcast %jit3A_138 : f32 to vector<16xf32>
    %select_n3A_140 = arith.select %and3A_126, %mul3A_124, %broadcast_in_dim3A_139 : vector<16xi1>, vector<16xf32>
    %mul3A_141 = vector.broadcast %select_n3A_137 : f32 to vector<16xf32>
    %mul3A_142 = arith.mulf %select_n3A_140, %mul3A_141 : vector<16xf32>
    %swap3A_143 = arith.constant 0 : i32
    %swap3A_144 = arith.index_cast %swap3A_143 : i32 to index
    %swap3A_145 = arith.constant 0 : index
    %swap3A_146 = tpu.vector_load %arg14[%swap3A_144, %swap3A_145] {strides = array<i32>} : memref<16x16xf32, #tpu.memory_space<vmem>>, vector<16xf32>,
    tpu.vector_store %arg14[%swap3A_144, %swap3A_145], %parallel_loop3A_67 {strides = array<i32>} : memref<16x16xf32, #tpu.memory_space<vmem>>, vector<16xf32>,
    %swap3A_147 = arith.constant 1 : i32
    %swap3A_148 = arith.index_cast %swap3A_147 : i32 to index
    %swap3A_149 = arith.constant 0 : index
    %swap3A_150 = tpu.vector_load %arg14[%swap3A_148, %swap3A_149] {strides = array<i32>} : memref<16x16xf32, #tpu.memory_space<vmem>>, vector<16xf32>,
    tpu.vector_store %arg14[%swap3A_148, %swap3A_149], %mul3A_142 {strides = array<i32>} : memref<16x16xf32, #tpu.memory_space<vmem>>, vector<16xf32>,
    "tpu.region"() ({
      %run_scoped3A = tpu.sem_alloc : memref<!tpu.dma_semaphore, #tpu.memory_space<semaphore_mem>>
      %dma_start3A_168 = arith.constant 0 : i32
      %dma_start3A_169 = arith.constant 0 : i32
      %dma_start3A_170 = tpu.memref_slice %arg20[%dma_start3A_168, %dma_start3A_169] : memref<16x16xf32, #tpu.memory_space<vmem_shared>> -> memref<16x16xf32, #tpu.memory_space<vmem_shared>>
      tpu.enqueue_indirect_dma source(%arg14 : memref<16x16xf32, #tpu.memory_space<vmem>>) target(%dma_start3A_170 : memref<16x16xf32, #tpu.memory_space<vmem_shared>>) offsets(%arg17 : memref<16xi32, #tpu.memory_space<vmem>>) semaphore(%run_scoped3A : memref<!tpu.dma_semaphore, #tpu.memory_space<semaphore_mem>>) {add = true}
      %dma_wait3A_171 = arith.constant 0 : i32
      %dma_wait3A_172 = arith.constant 0 : i32
      %dma_wait3A_173 = tpu.memref_slice %arg20[%dma_wait3A_171, %dma_wait3A_172] : memref<16x16xf32, #tpu.memory_space<vmem_shared>> -> memref<16x16xf32, #tpu.memory_space<vmem_shared>>
      tpu.wait_indirect_dma semaphore(%run_scoped3A : memref<!tpu.dma_semaphore, #tpu.memory_space<semaphore_mem>>) src(%arg14 : memref<16x16xf32, #tpu.memory_space<vmem>>) dst(%dma_wait3A_173 : memref<16x16xf32, #tpu.memory_space<vmem_shared>>)
      tpu.yield
    }) : () -> ()
    %barrier3A_151 = arith.constant 0 : index
    tpu.barrier barrier_id(%barrier3A_151)
    %eq3A_152 = arith.constant 0 : i32
    %eq3A_153 = arith.cmpi eq, %arg1, %eq3A_152 : i32
    %eq3A_154 = arith.constant 0 : i32
    %eq3A_155 = arith.cmpi eq, %arg0, %eq3A_154 : i32
    %and3A_156 = arith.andi %eq3A_153, %eq3A_155 : i1
    %convert_element_type3A_157 = arith.extui %and3A_156 : i1 to i32
    %cond3A_158 = arith.constant 0 : i32
    %cond3A_159 = arith.cmpi ne, %convert_element_type3A_157, %cond3A_158 : i32
    scf.if %cond3A_159 {
      "tpu.region"() ({
        %run_scoped3A = tpu.sem_alloc : memref<!tpu.dma_semaphore, #tpu.memory_space<semaphore_mem>>
        tpu.enqueue_dma source(%arg20 : memref<16x16xf32, #tpu.memory_space<vmem_shared>>) target(%arg15 : memref<16x16xf32, #tpu.memory_space<vmem>>) target_semaphore(%run_scoped3A : memref<!tpu.dma_semaphore, #tpu.memory_space<semaphore_mem>>)
        tpu.wait_dma2 semaphore(%run_scoped3A : memref<!tpu.dma_semaphore, #tpu.memory_space<semaphore_mem>>) src(%arg20 : memref<16x16xf32, #tpu.memory_space<vmem_shared>>) dst(%arg15 : memref<16x16xf32, #tpu.memory_space<vmem>>)
        tpu.yield
      }) : () -> ()
      %get3A_168 = arith.constant 0 : i32
      %get3A_169 = arith.index_cast %get3A_168 : i32 to index
      %get3A_170 = arith.constant 0 : index
      %get3A_171 = tpu.vector_load %arg15[%get3A_169, %get3A_170] {strides = array<i32>} : memref<16x16xf32, #tpu.memory_space<vmem>>, vector<16xf32>,
      %swap3A_172 = arith.constant 0 : i32
      %swap3A_173 = arith.index_cast %swap3A_172 : i32 to index
      %swap3A_174 = arith.constant 0 : index
      %swap3A_175 = tpu.vector_load %arg18[%swap3A_173, %swap3A_174] {strides = array<i32>} : memref<3x16xf32, #tpu.memory_space<vmem>>, vector<16xf32>,
      tpu.vector_store %arg18[%swap3A_173, %swap3A_174], %get3A_171 {strides = array<i32>} : memref<3x16xf32, #tpu.memory_space<vmem>>, vector<16xf32>,
      %get3A_176 = arith.constant 1 : i32
      %get3A_177 = arith.index_cast %get3A_176 : i32 to index
      %get3A_178 = arith.constant 0 : index
      %get3A_179 = tpu.vector_load %arg15[%get3A_177, %get3A_178] {strides = array<i32>} : memref<16x16xf32, #tpu.memory_space<vmem>>, vector<16xf32>,
      %swap3A_180 = arith.constant 1 : i32
      %swap3A_181 = arith.index_cast %swap3A_180 : i32 to index
      %swap3A_182 = arith.constant 0 : index
      %swap3A_183 = tpu.vector_load %arg18[%swap3A_181, %swap3A_182] {strides = array<i32>} : memref<3x16xf32, #tpu.memory_space<vmem>>, vector<16xf32>,
      tpu.vector_store %arg18[%swap3A_181, %swap3A_182], %get3A_179 {strides = array<i32>} : memref<3x16xf32, #tpu.memory_space<vmem>>, vector<16xf32>,
      %add3A_184 = vector.broadcast %reduce_sum3A_44 : f32 to vector<16xf32>
      %add3A_185 = arith.addf %broadcast_in_dim3A_5, %add3A_184 : vector<16xf32>
      %swap3A_186 = arith.constant 2 : i32
      %swap3A_187 = arith.index_cast %swap3A_186 : i32 to index
      %swap3A_188 = arith.constant 0 : index
      %swap3A_189 = tpu.vector_load %arg18[%swap3A_187, %swap3A_188] {strides = array<i32>} : memref<3x16xf32, #tpu.memory_space<vmem>>, vector<16xf32>,
      tpu.vector_store %arg18[%swap3A_187, %swap3A_188], %add3A_185 {strides = array<i32>} : memref<3x16xf32, #tpu.memory_space<vmem>>, vector<16xf32>,
      "tpu.region"() ({
        %run_scoped3A = tpu.sem_alloc : memref<!tpu.dma_semaphore, #tpu.memory_space<semaphore_mem>>
        %dma_start3A_190 = arith.constant 0 : i32
        %dma_start3A_191 = arith.constant 0 : i32
        %dma_start3A_192 = tpu.memref_slice %arg5[%dma_start3A_190, %dma_start3A_191] : memref<5x16xf32, #tpu.memory_space<hbm>> -> memref<3x16xf32, #tpu.memory_space<hbm>>
        %dma_start3A_193 = arith.constant 0 : i32
        %dma_start3A_194 = arith.constant 0 : i32
        %dma_start3A_195 = tpu.memref_slice %arg5[%dma_start3A_193, %dma_start3A_194] : memref<5x16xf32, #tpu.memory_space<hbm>> -> memref<3x16xf32, #tpu.memory_space<hbm>>
        tpu.enqueue_dma source(%arg18 : memref<3x16xf32, #tpu.memory_space<vmem>>) target(%dma_start3A_195 : memref<3x16xf32, #tpu.memory_space<hbm>>) target_semaphore(%run_scoped3A : memref<!tpu.dma_semaphore, #tpu.memory_space<semaphore_mem>>)
        %dma_wait3A_196 = arith.constant 0 : i32
        %dma_wait3A_197 = arith.constant 0 : i32
        %dma_wait3A_198 = tpu.memref_slice %arg5[%dma_wait3A_196, %dma_wait3A_197] : memref<5x16xf32, #tpu.memory_space<hbm>> -> memref<3x16xf32, #tpu.memory_space<hbm>>
        %dma_wait3A_199 = arith.constant 0 : i32
        %dma_wait3A_200 = arith.constant 0 : i32
        %dma_wait3A_201 = tpu.memref_slice %arg5[%dma_wait3A_199, %dma_wait3A_200] : memref<5x16xf32, #tpu.memory_space<hbm>> -> memref<3x16xf32, #tpu.memory_space<hbm>>
        tpu.wait_dma2 semaphore(%run_scoped3A : memref<!tpu.dma_semaphore, #tpu.memory_space<semaphore_mem>>) src(%arg18 : memref<3x16xf32, #tpu.memory_space<vmem>>) dst(%dma_wait3A_201 : memref<3x16xf32, #tpu.memory_space<hbm>>)
        tpu.yield
      }) : () -> ()
    } else {
    }
    %eq3A_160 = arith.constant 0 : i32
    %eq3A_161 = arith.cmpi eq, %arg1, %eq3A_160 : i32
    %eq3A_162 = arith.constant 1 : i32
    %eq3A_163 = arith.cmpi eq, %arg0, %eq3A_162 : i32
    %and3A_164 = arith.andi %eq3A_161, %eq3A_163 : i1
    %convert_element_type3A_165 = arith.extui %and3A_164 : i1 to i32
    %cond3A_166 = arith.constant 0 : i32
    %cond3A_167 = arith.cmpi ne, %convert_element_type3A_165, %cond3A_166 : i32
    scf.if %cond3A_167 {
      "tpu.region"() ({
        %run_scoped3A = tpu.sem_alloc : memref<!tpu.dma_semaphore, #tpu.memory_space<semaphore_mem>>
        tpu.enqueue_dma source(%arg20 : memref<16x16xf32, #tpu.memory_space<vmem_shared>>) target(%arg15 : memref<16x16xf32, #tpu.memory_space<vmem>>) target_semaphore(%run_scoped3A : memref<!tpu.dma_semaphore, #tpu.memory_space<semaphore_mem>>)
        tpu.wait_dma2 semaphore(%run_scoped3A : memref<!tpu.dma_semaphore, #tpu.memory_space<semaphore_mem>>) src(%arg20 : memref<16x16xf32, #tpu.memory_space<vmem_shared>>) dst(%arg15 : memref<16x16xf32, #tpu.memory_space<vmem>>)
        tpu.yield
      }) : () -> ()
      %get3A_168 = arith.constant 0 : i32
      %get3A_169 = arith.index_cast %get3A_168 : i32 to index
      %get3A_170 = arith.constant 0 : index
      %get3A_171 = tpu.vector_load %arg15[%get3A_169, %get3A_170] {strides = array<i32>} : memref<16x16xf32, #tpu.memory_space<vmem>>, vector<16xf32>,
      %swap3A_172 = arith.constant 0 : i32
      %swap3A_173 = arith.index_cast %swap3A_172 : i32 to index
      %swap3A_174 = arith.constant 0 : index
      %swap3A_175 = tpu.vector_load %arg18[%swap3A_173, %swap3A_174] {strides = array<i32>} : memref<3x16xf32, #tpu.memory_space<vmem>>, vector<16xf32>,
      tpu.vector_store %arg18[%swap3A_173, %swap3A_174], %get3A_171 {strides = array<i32>} : memref<3x16xf32, #tpu.memory_space<vmem>>, vector<16xf32>,
      %get3A_176 = arith.constant 1 : i32
      %get3A_177 = arith.index_cast %get3A_176 : i32 to index
      %get3A_178 = arith.constant 0 : index
      %get3A_179 = tpu.vector_load %arg15[%get3A_177, %get3A_178] {strides = array<i32>} : memref<16x16xf32, #tpu.memory_space<vmem>>, vector<16xf32>,
      %swap3A_180 = arith.constant 1 : i32
      %swap3A_181 = arith.index_cast %swap3A_180 : i32 to index
      %swap3A_182 = arith.constant 0 : index
      %swap3A_183 = tpu.vector_load %arg18[%swap3A_181, %swap3A_182] {strides = array<i32>} : memref<3x16xf32, #tpu.memory_space<vmem>>, vector<16xf32>,
      tpu.vector_store %arg18[%swap3A_181, %swap3A_182], %get3A_179 {strides = array<i32>} : memref<3x16xf32, #tpu.memory_space<vmem>>, vector<16xf32>,
      "tpu.region"() ({
        %run_scoped3A = tpu.sem_alloc : memref<!tpu.dma_semaphore, #tpu.memory_space<semaphore_mem>>
        %dma_start3A_184 = arith.constant 0 : i32
        %dma_start3A_185 = arith.constant 0 : i32
        %dma_start3A_186 = tpu.memref_slice %arg18[%dma_start3A_184, %dma_start3A_185] : memref<3x16xf32, #tpu.memory_space<vmem>> -> memref<2x16xf32, #tpu.memory_space<vmem>>
        %dma_start3A_187 = arith.constant 3 : i32
        %dma_start3A_188 = arith.constant 0 : i32
        %dma_start3A_189 = tpu.memref_slice %arg5[%dma_start3A_187, %dma_start3A_188] : memref<5x16xf32, #tpu.memory_space<hbm>> -> memref<2x16xf32, #tpu.memory_space<hbm>>
        %dma_start3A_190 = arith.constant 3 : i32
        %dma_start3A_191 = arith.constant 0 : i32
        %dma_start3A_192 = tpu.memref_slice %arg5[%dma_start3A_190, %dma_start3A_191] : memref<5x16xf32, #tpu.memory_space<hbm>> -> memref<2x16xf32, #tpu.memory_space<hbm>>
        %dma_start3A_193 = arith.constant 0 : i32
        %dma_start3A_194 = arith.constant 0 : i32
        %dma_start3A_195 = tpu.memref_slice %arg18[%dma_start3A_193, %dma_start3A_194] : memref<3x16xf32, #tpu.memory_space<vmem>> -> memref<2x16xf32, #tpu.memory_space<vmem>>
        tpu.enqueue_dma source(%dma_start3A_195 : memref<2x16xf32, #tpu.memory_space<vmem>>) target(%dma_start3A_192 : memref<2x16xf32, #tpu.memory_space<hbm>>) target_semaphore(%run_scoped3A : memref<!tpu.dma_semaphore, #tpu.memory_space<semaphore_mem>>)
        %dma_wait3A_196 = arith.constant 0 : i32
        %dma_wait3A_197 = arith.constant 0 : i32
        %dma_wait3A_198 = tpu.memref_slice %arg18[%dma_wait3A_196, %dma_wait3A_197] : memref<3x16xf32, #tpu.memory_space<vmem>> -> memref<2x16xf32, #tpu.memory_space<vmem>>
        %dma_wait3A_199 = arith.constant 3 : i32
        %dma_wait3A_200 = arith.constant 0 : i32
        %dma_wait3A_201 = tpu.memref_slice %arg5[%dma_wait3A_199, %dma_wait3A_200] : memref<5x16xf32, #tpu.memory_space<hbm>> -> memref<2x16xf32, #tpu.memory_space<hbm>>
        %dma_wait3A_202 = arith.constant 3 : i32
        %dma_wait3A_203 = arith.constant 0 : i32
        %dma_wait3A_204 = tpu.memref_slice %arg5[%dma_wait3A_202, %dma_wait3A_203] : memref<5x16xf32, #tpu.memory_space<hbm>> -> memref<2x16xf32, #tpu.memory_space<hbm>>
        %dma_wait3A_205 = arith.constant 0 : i32
        %dma_wait3A_206 = arith.constant 0 : i32
        %dma_wait3A_207 = tpu.memref_slice %arg18[%dma_wait3A_205, %dma_wait3A_206] : memref<3x16xf32, #tpu.memory_space<vmem>> -> memref<2x16xf32, #tpu.memory_space<vmem>>
        tpu.wait_dma2 semaphore(%run_scoped3A : memref<!tpu.dma_semaphore, #tpu.memory_space<semaphore_mem>>) src(%dma_wait3A_207 : memref<2x16xf32, #tpu.memory_space<vmem>>) dst(%dma_wait3A_204 : memref<2x16xf32, #tpu.memory_space<hbm>>)
        tpu.yield
      }) : () -> ()
    } else {
    }
    return
  }
}

</mosaic_0001>

<sc_bundles>
// kernel: kernel.3.cloned.1.call-start
scs
__scs_entry_jumppad:
0x0: {  	(pc) =	sbr.rel $0x88, $3  }
0x1: {  	(tag) =	ssettag $0x0;
	lr =	simm.s32 $0x1  }
0x2: {  	[smem:$0x3F9E] =	sst lr;
	_ =	strace $0xD0000000  }
0x3: {  	_ = 	snop  }
0x4: {  	_ = 	snop  }
0x5: {  	_ = 	snop  }
0x6: {  	_ = 	snop  }
0x7: {  	_ = 	snop  }
__scs_overlays_trampoline_lowered:
0x8: {  	[smem:$0x3FAD] =	sst s0  }
0x9: {  	[smem:$0x3FAE] =	sst s1  }
0xa: {  	[smem:$0x3FAF] =	sst s2  }
0xb: {  	[smem:$0x3FB0] =	sst s3  }
0xc: {  	[smem:$0x3FB1] =	sst s4  }
0xd: {  	[smem:$0x3FB2] =	sst s5  }
0xe: {  	[smem:$0x3FB3] =	sst s6  }
0xf: {  	[smem:$0x3FB4] =	sst s7  }
0x10: {  	[smem:$0x3FB5] =	sst s8  }
0x11: {  	[smem:$0x3FB6] =	sst s9;
	s0 =	simm.s32 @!p0 $0x0  }
0x12: {  	s1 =	sld [smem:$0x3F9C];
	s0 =	simm.s32 @p0 $0x1  }
0x13: {  	[smem:$0x3FB7] =	sst s0;
	s0 =	simm.s32 @!p1 $0x0  }
0x14: {  	s2 =	sld [smem:$0x3F9B];
	s0 =	simm.s32 @p1 $0x1  }
0x15: {  	[smem:$0x3FB8] =	sst s0;
	s0 =	simm.s32 @!p2 $0x0  }
0x16: {  	s3 =	sld [smem:$0x3FDB];
	s0 =	simm.s32 @p2 $0x1  }
0x17: {  	s4 =	simm.s32 $0x1BF5;
	[smem:$0x3FBA] =	sst s0  }
0x18: {  	s0 =	sld [smem:$0x3F9D];
	_ =	swait.ge [sflag:s4], $0x0  }
0x19: {  	s7 =	sld [smem:$0x3F9E]  }
0x1a: {  	s8 =	sadd.s32 $0xFFFFE003, lr  }
0x1b: {  	s9 =	sadd.s32 $0xFFFFFEF7, lr;
	s5 =	simm.s32 $0xFFFFFFFF;
	p2 =	slt.u32 s8, $0xFFFFF086  }
0x1c: {  	p1 =	slt.u32 s9, $0xF7A;
	s5 =	simm.s32 @!p2 $0x0  }
0x1d: {  	s5 =	simm.s32 @p1 $0x1;
	p0 =	seq.s32 s7, s2  }
0x1e: {  	s7 =	smul.u32 @!p0 $0xF7A, s2;
	p2 =	seq.s32 @!p0 s5, $0x0  }
0x1f: {  	s9 =	smul.u32 $0xF7A, s1;
	s8 =	simm.s32 @!p0 $0x1BF5;
	p2 =	por !p2, p0  }
0x20: {  	[sflag:s8] =	ssyncset.s32 @!p0 $0xFFFFF086;
	s6 =	sadd.s32 @!p0 s3, s7;
	s7 =	simm.s32 @!p0 $0x108  }
0x21: {  	s3 =	sadd.s32 s3, s9;
	s6 =	sadd.s32 @!p0 $0x88, s6;
	s7 =	simm.s32 @p2 $0x1082  }
0x22: {  	[simem:s7], [sflag:s8] =	dma.local @!p0 [hbm:s6], $0xF7A  }
0x23: {  	s9 =	sor.u32 $0xD0000000, s2;
	s6 =	simm.s32 $0x108;
	_ =	swait.ge @!p0 [sflag:s8], $0x0  }
0x24: {  	s3 =	sadd.s32 $0x88, s3;
	s6 =	simm.s32 @!p1 $0x1082;
	[sflag:s4] =	ssyncset.s32 $0xFFFFF086  }
0x25: {  	[simem:s6], [sflag:s4] =	dma.local [hbm:s3], $0xF7A  }
0x26: {  	[smem:$0x3F9E] =	sst s1;
	(tag) =	ssettag s2;
	_ =	strace s9  }
0x27: {  	s1 =	sld [smem:$0x3FAE]  }
0x28: {  	s2 =	sld [smem:$0x3FAF]  }
0x29: {  	s4 =	sld [smem:$0x3FB1]  }
0x2a: {  	p0 =	seq.s32 s5, $0x0;
	s5 =	sld [smem:$0x3FB2]  }
0x2b: {  	s6 =	sld [smem:$0x3FB3]  }
0x2c: {  	s7 =	sld [smem:$0x3FB4]  }
0x2d: {  	s3 =	simm.s32 $0x108;
	s8 =	sld [smem:$0x3FB5]  }
0x2e: {  	s3 =	simm.s32 @!p0 $0x1082;
	s9 =	sld [smem:$0x3FB6]  }
0x2f: {  	lr =	sadd.s32 s0, s3;
	s0 =	sld [smem:$0x3FAD]  }
0x30: {  	s3 =	sld [smem:$0x3FB0]  }
0x31: {  	[smem:$0x3FB9] =	sst s10  }
0x32: {  	s10 =	sld [smem:$0x3FB7];
	_ =	sdelay $0x3  }
0x33: {  	p0 =	seq.s32 s10, $0x1;
	s10 =	sld [smem:$0x3FB9];
	_ =	sdelay $0x3  }
0x34: {  	[smem:$0x3FB9] =	sst s10  }
0x35: {  	s10 =	sld [smem:$0x3FB8];
	_ =	sdelay $0x3  }
0x36: {  	p1 =	seq.s32 s10, $0x1;
	s10 =	sld [smem:$0x3FB9];
	_ =	sdelay $0x3  }
0x37: {  	[smem:$0x3FB9] =	sst s10  }
0x38: {  	s10 =	sld [smem:$0x3FBA]  }
0x39: {  	_ = 	snop;
	(pc) =	sbr.ind lr, $3  }
0x3a: {  	_ = 	snop  }
0x3b: {  	_ = 	snop  }
0x3c: {  	p2 =	seq.s32 s10, $0x1;
	s10 =	sld [smem:$0x3FB9]  }
0x3d: {  	_ =	shalt  }
0x3e: {  	_ =	shalt  }
0x3f: {  	_ =	shalt  }
0x40: {  	_ =	shalt  }
0x41: {  	_ =	shalt  }
0x42: {  	_ =	shalt  }
0x43: {  	_ =	shalt  }
0x44: {  	_ =	shalt  }
0x45: {  	_ =	shalt  }
0x46: {  	_ =	shalt  }
0x47: {  	_ =	shalt  }
0x48: {  	_ =	shalt  }
0x49: {  	_ =	shalt  }
0x4a: {  	_ =	shalt  }
0x4b: {  	_ =	shalt  }
0x4c: {  	_ =	shalt  }
0x4d: {  	_ =	shalt  }
0x4e: {  	_ =	shalt  }
0x4f: {  	_ =	shalt  }
0x50: {  	_ =	shalt  }
0x51: {  	_ =	shalt  }
0x52: {  	_ =	shalt  }
0x53: {  	_ =	shalt  }
0x54: {  	_ =	shalt  }
0x55: {  	_ =	shalt  }
0x56: {  	_ =	shalt  }
0x57: {  	_ =	shalt  }
0x58: {  	_ =	shalt  }
0x59: {  	_ =	shalt  }
0x5a: {  	_ =	shalt  }
0x5b: {  	_ =	shalt  }
0x5c: {  	_ =	shalt  }
0x5d: {  	_ =	shalt  }
0x5e: {  	_ =	shalt  }
0x5f: {  	_ =	shalt  }
0x60: {  	_ =	shalt  }
0x61: {  	_ =	shalt  }
0x62: {  	_ =	shalt  }
0x63: {  	_ =	shalt  }
0x64: {  	_ =	shalt  }
0x65: {  	_ =	shalt  }
0x66: {  	_ =	shalt  }
0x67: {  	_ =	shalt  }
0x68: {  	_ =	shalt  }
0x69: {  	_ =	shalt  }
0x6a: {  	_ =	shalt  }
0x6b: {  	_ =	shalt  }
0x6c: {  	_ =	shalt  }
0x6d: {  	_ =	shalt  }
0x6e: {  	_ =	shalt  }
0x6f: {  	_ =	shalt  }
0x70: {  	_ =	shalt  }
0x71: {  	_ =	shalt  }
0x72: {  	_ =	shalt  }
0x73: {  	_ =	shalt  }
0x74: {  	_ =	shalt  }
0x75: {  	_ =	shalt  }
0x76: {  	_ =	shalt  }
0x77: {  	_ =	shalt  }
0x78: {  	_ =	shalt  }
0x79: {  	_ =	shalt  }
0x7a: {  	_ =	shalt  }
0x7b: {  	_ =	shalt  }
0x7c: {  	_ =	shalt  }
0x7d: {  	_ =	shalt  }
0x7e: {  	_ =	shalt  }
0x7f: {  	_ =	shalt  }
0x80: {  	_ =	shalt  }
0x81: {  	_ =	shalt  }
0x82: {  	_ =	shalt  }
0x83: {  	_ =	shalt  }
0x84: {  	_ =	shalt  }
0x85: {  	_ =	shalt  }
0x86: {  	_ =	shalt  }
0x87: {  	_ =	shalt  }
.Lfunc_end0:
.L_simem_size_0:
called_computation_lowered:
.L_overlay_start_0:
0x88: {  	s2 =	sld [smem:$0x3FD9]  }
0x89: {  	s3 =	sld [smem:$0x3FFE];
	_ =	sdelay $0x1  }
0x8a: {  	s1 =	srdreg.scid  }
0x8b: {  	s0 =	sand.u32 $0x1, s1  }
0x8c: {  	s17 =	sshll.u32 s0, $0xA;
	s2 =	sadd.s32 s3, s2  }
0x8d: {  	s2 =	sadd.s32 s2, s17  }
0x8e: {  	[smem:$0x3FC5] =	sst s2  }
0x8f: {  	_ = 	snop  }
0x90: {  	s2 =	sld [smem:$0x3FC8]  }
0x91: {  	s18 =	sld [smem:$0x3FD0];
	(tm) =	ssettm $0x1  }
0x92: {  	s4 =	sld [smem:$0x3FFB];
	_ =	sdelay $0x3  }
0x93: {  	_ =	strace s4  }
0x94: {  	s4 =	sld [smem:$0x3FFC];
	_ =	sdelay $0x3  }
0x95: {  	_ =	strace s4  }
0x96: {  	s4 =	sld [smem:$0x3FFD];
	_ =	sdelay $0x3  }
0x97: {  	_ =	strace s4  }
0x98: {  	_ =	strace $0x8FFFFFFF  }
0x99: {  	s19 =	sld [smem:$0x3FDB];
	_ =	sdelay $0x1  }
0x9a: {  	s5 =	simm.s32 $_scs_section_size  }
0x9b: {  	s6 =	simm.s32 $_size__tile_overlayer_lowered;
	s7 =	simm.s32 $_tile_overlayer_lowered  }
0x9c: {  	s22 =	simm.s32 $0x1BFF;
	s21 =	sshll.u32 s7, $0x1;
	s4 =	sadd.s32 s5, s19  }
0x9d: {  	s8 =	simm.s32 $0x0;
	s20 =	sshll.u32 s6, $0x1;
	s6 =	sadd.s32 s21, s4  }
0x9e: {  	[timem:s8], [sflag:s22] =	dma.local [hbm:s6], s20  }
0x9f: {  	_ =	swait.ge [sflag:s22], s20  }
0xa0: {  	s5 =	ssub.s32 $0x0, s20;
	[sflag:s22] =	ssyncset.done $0x0  }
0xa1: {  	[sflag:s22] =	ssyncadd.s32 s5;
	_ =	sdelay $0x1  }
0xa2: {  	s23 =	simm.s32 $0x1B8B  }
0xa3: {  	_ =	swait.ge [sflag:s23], $0x1  }
0xa4: {  	[sflag:s23] =	ssyncset.done $0x0  }
0xa5: {  	s25 =	simm.s32 $0x1B8E;
	s24 =	sld [smem:$0x3FFE];
	[sflag:s23] =	ssyncadd.s32 $0xFFFFFFFF  }
0xa6: {  	s26 =	simm.s32 $execute0_lowered;
	[smem:$0x3FD2] =	sst s25  }
0xa7: {  	s6 =	sshll.u32 s26, $0x1;
	_ =	strace $0x80000046;
	[dreg:$0x1] =	wrdreg $0xFFFFFFFF  }
0xa8: {  	s28 =	simm.s32 $_size_execute0_lowered;
	s4 =	sadd.s32 s4, s6;
	[dreg:$0x0] =	wrdreg $0x0  }
0xa9: {  	s6 =	sshll.u32 s28, $0x1;
	[dreg:$0x2] =	wrdreg s4  }
0xaa: {  	[dreg:$0x3] =	wrdreg s6  }
0xab: {  	[dreg:$0x4] =	wrdreg $0xC0  }
0xac: {  	_ =	task [dreg:s8], $0x5FFFF  }
0xad: {  	[dreg:$0x1] =	wrdreg $0xFFFFFFFF  }
0xae: {  	[dreg:$0x0] =	wrdreg $0x60  }
0xaf: {  	[dreg:$0x2] =	wrdreg s24  }
0xb0: {  	[dreg:$0x3] =	wrdreg s2  }
0xb1: {  	[dreg:$0x4] =	wrdreg s18  }
0xb2: {  	[dreg:$0x5] =	wrdreg $0x96A00  }
0xb3: {  	[dreg:$0x6] =	wrdreg $0x96F00  }
0xb4: {  	[dreg:$0x7] =	wrdreg $0x9  }
0xb5: {  	_ =	task.clear_ibuf [dreg:s8], $0x8FFFF;
	_ =	strace $0x90000046  }
0xb6: {  	s29 =	simm.s32 $0x9;
	_ =	strace $0x8000004D  }
0xb7: {  	_ =	swait.ge [sflag:s29], $0x1  }
0xb8: {  	[sflag:s29] =	ssyncadd.s32 $0xFFFFFFFF  }
0xb9: {  	_ =	strace $0x9000004D  }
0xba: {  	_ =	sfence  }
0xbb: {  	s30 =	sld [smem:$0x0];
	_ =	sdelay $0x2  }
0xbc: {  	s31 =	sshll.u32 s1, $0xD;
	s1 =	sshrl.u32 s1, $0x2  }
0xbd: {  	s3 =	sand.u32 $0x4000, s31;
	s1 =	sadd.s32 s1, s30  }
0xbe: {  	s0 =	sor.u32 s3, s0;
	s1 =	sshll.u32 s1, $0x11  }
0xbf: {  	s0 =	sor.u32 s1, s0  }
0xc0: {  	s0 =	sadd.s32 $0x8F2B, s0  }
0xc1: {  	[sflag:s0] =	ssyncadd.remote.s32 $0x1  }
0xc2: {  	_ =	sfence.sel $0xFFFF  }
0xc3: {  	[dreg:$0x0] =	wrdreg $0xFFFFFFFF;
	(pc) =	sbr.abs _section_cstart, $3  }
0xc4: {  	[dreg:$0x1] =	wrdreg $0xFFFFFFFF  }
0xc5: {  	_ =	task.clear_ibuf [dreg:s8], $0x2FFFF;
	_ =	strace $0x9FFFFFFF  }
0xc6: {  	(tm) =	ssettm $0x7FFFFFFF  }
0xc7: {  	_ =	shalt  }
tec
execute0_lowered:
.L_overlay_start_1:
0x0: {  	(tag) =	ssettag $0x1  }
0x1: {  	s0 =	rddreg [dreg:$0x0]  }
0x2: {  	s2 =	rddreg [dreg:$0x1]  }
0x3: {  	s12 =	rddreg [dreg:$0x2]  }
0x4: {  	s1 =	rddreg [dreg:$0x3];
	s6 =	stileid.u32;
	v1 =	vlaneseq.u32;
	vm0 =	vcmask $0x3F04;
	v2 =	vimm.f32 $1.500000000e+01  }
0x5: {  	s3 =	rddreg [dreg:$0x4];
	s4 =	srdreg.scid;
	vm2 =	vcmask $0x300;
	v4 =	vimm.s32 $0x52741630;
	v6 =	vimm.s32 $0x63052741;
	s13 =	simm.s32 $0x2  }
0x6: {  	s14 =	simm.s32 $0x8200;
	v8 =	vimm.s32 $0x74163052;
	s15 =	simm.s32 $0x1;
	s16 =	simm.s32 $0x8A00;
	v3 =	vsel vm2, $0x0, v2;
	vm2 =	vcmask $0x704  }
0x7: {  	s20 =	simm.s32 $0x8B00;
	s21 =	simm.s32 $0x9400;
	s22 =	simm.f32 $1.000000000e+00;
	v0 =	vmov s6;
	v3 =	vsel vm2, $0x3F800000, v3;
	vm2 =	vcmask $0xB08  }
0x8: {  	s7 =	sand.u32 $0x1, s4;
	s4 =	simm.s32 $0x0;
	s8 =	sshll.u32 s6, $0x9;
	v2 =	vimm.f32 $0.0e+00;
	v3 =	vsel vm2, $0x40000000, v3;
	vm2 =	vcmask $0xF0C  }
0x9: {  	s9 =	sshll.u32 s6, $0xC;
	s26 =	sshll.u32 s6, $0x6;
	v4 =	vunpack.c.l.s4.s8 v4;
	p1 =	seq.s32 s6, $0x0;
	v5 =	vsel vm2, $0x40400000, v3;
	vm2 =	vcmask $0x1310  }
0xa: {  	p0 =	sne.s32 s6, $0x0;
	s29 =	scvt.s32.f32 s6;
	v6 =	vunpack.c.l.s4.s8 v6;
	s31 =	sadd.s32 $0x6, s12;
	v5 =	vsel vm2, $0x40800000, v5;
	vm2 =	vcmask $0x1714  }
0xb: {  	v8 =	vunpack.c.l.s4.s8 v8;
	s5 =	sshll.u32 s7, $0x8;
	[smem:$0x7FF] =	sst s4;
	s10 =	ssub.s32 $0x2, s7;
	v5 =	vsel vm2, $0x40A00000, v5;
	vm2 =	vcmask $0x1B18  }
0xc: {  	v10 =	vmul.u32 $0x40, v1;
	s9 =	sadd.s32 s9, s0;
	s2 =	sadd.s32 s2, s26;
	p2 =	seq.s32 s7, $0x0;
	v5 =	vsel vm2, $0x40C00000, v5;
	vm2 =	vcmask $0x1F1C  }
0xd: {  	vm1 =	vne.s32 v0, v1;
	s28 =	sadd.s32 $0x8B00, s26;
	p4 =	seq.s32 s7, $0x1;
	s30 =	sor.u32 s7, s6;
	v7 =	vsel vm2, $0x40E00000, v5;
	vm2 =	vcmask $0x2320  }
0xe: {  	s26 =	simm.s32 $0x0;
	s8 =	sor.u32 s5, s8;
	vm1 =	vmand vm1, vm0;
	_ =	strace $0x80000047;
	v7 =	vsel vm2, $0x41000000, v7;
	vm2 =	vcmask $0x2724  }
0xf: {  	s11 =	sshrl.u32 s10, $0x1;
	s9 =	sadd.s32 $0xC00, s9;
	[dreg:$0x7] =	wrdreg s2;
	v4 =	vunpack.c.0.s8.s32 v4;
	v7 =	vsel vm2, $0x41100000, v7;
	vm2 =	vcmask $0x2B28  }
0x10: {  	p2 =	por !p0, !p2;
	[dreg:$0x9] =	wrdreg s29;
	v6 =	vunpack.c.0.s8.s32 v6;
	s8 =	smul.u32 $0x3, s8;
	v7 =	vsel vm2, $0x41200000, v7;
	vm2 =	vcmask $0x2F2C  }
0x11: {  	p1 =	por !p1, !p4;
	[dreg:$0xa] =	wrdreg s31;
	v8 =	vunpack.c.0.s8.s32 v8;
	s11 =	ssub.s32 s10, s11;
	v9 =	vsel vm2, $0x41300000, v7;
	vm2 =	vcmask $0x3330  }
0x12: {  	[dreg:$0x6] =	wrdreg s9;
	v3 =	vmul.u32 $0x3, v1;
	p3 =	por !p2, !p2;
	s8 =	sshrl.u32 s8, $0x3;
	v9 =	vsel vm2, $0x41400000, v9;
	vm2 =	vcmask $0x3734  }
0x13: {  	v11 =	vmov s28;
	p1 =	por !p1, !p1;
	p2 =	sne.s32 s30, $0x0;
	s0 =	sadd.s32 s0, s8;
	v9 =	vsel vm2, $0x41500000, v9;
	vm2 =	vcmask $0x3B38  }
0x14: {  	s11 =	smax.u32 s11, $0x1;
	s22 =	simm.s32 @!p3 $0x0;
	[dreg:$0x8] =	wrdreg s0;
	v5 =	vadd.s32 $0x1, v3;
	v7 =	vadd.s32 $0x2, v3;
	v9 =	vsel vm2, $0x41600000, v9  }
.LBB2_1:
0x15: {  	_ =	strace $0x80000048  }
0x16: {  	s0 =	rddreg [dreg:$0x6]  }
0x17: {  	[tilespmem:s4], [sflag:$0x1] =	stream.linear.gather [hbm4b:s0+s4], $0x8000, $0x200038;
	[tilespmem:$0x9700] =	vst v63  }
0x18: {  	s2 =	simm.s32 $0x8000;
	s30 =	rddreg [dreg:$0x7]  }
0x19: {  	[tilespmem:s2], [sflag:$0x2] =	stream.linear.gather [hbm4b:s30+s4], $0x200, $0x200038;
	[tilespmem:$0x9700] =	vst v63  }
0x1a: {  	_ =	swait.ge [sflag:s13], $0x200  }
0x1b: {  	[sflag:s13] =	ssyncset.done $0x0  }
0x1c: {  	s31 =	rddreg [dreg:$0x8];
	[sflag:s13] =	ssyncadd.s32 $0xFFFFFE00  }
0x1d: {  	[tilespmem:s14], [sflag:$0x2] =	stream.linear.gather [hbm4b:s31+s4], $0x300, $0x200038;
	[tilespmem:$0x9700] =	vst v63  }
0x1e: {  	_ =	swait.ge [sflag:s13], $0x300  }
0x1f: {  	[sflag:s13] =	ssyncset.done $0x0  }
0x20: {  	[sflag:s13] =	ssyncadd.s32 $0xFFFFFD00  }
0x21: {  	s0 =	simm.s32 $0x40;
	s2 =	simm.s32 $0x0;
	_ =	strace $0x90000048  }
.LBB2_2:
0x22: {  	p3 =	sne.s32 s0, $0x13C0;
	[tilespmem:s2+$0x8600] =	vst v2;
	s2 =	smov.u32 s0;
	s0 =	sadd.s32 $0x40, s0  }
.Ltmp0:
0x23: {  	(pc) =	sbr.rel @p3 .LBB2_2-.Ltmp0, $2  }
0x24: {  	_ =	sdelay $0x2  }
0x25: {  	s2 =	sshra.s32 s2, $0x2  }
0x26: {  	[tilespmem:s2+$0x8600] =	vst v2;
	s2 =	simm.s32 $0x0;
	s0 =	simm.s32 $0x0  }
.LBB2_4:
0x27: {  	p3 =	sne.s32 s0, $0x3C0  }
.Ltmp1:
0x28: {  	_ = 	snop;
	(pc) =	sbr.rel @p3 .LBB2_4-.Ltmp1, $3  }
0x29: {  	_ =	sdelay $0x1  }
0x2a: {  	s6 =	sshra.s32 s0, $0x2  }
0x2b: {  	s0 =	sadd.s32 $0x40, s0;
	[tilespmem:s6+$0x9410] =	vst v2  }
0x2c: {  	s0 =	simm.s32 $0x9610;
	v12 =	vor.u32 s2, v1  }
0x2d: {  	s2 =	simm.s32 $0x10;
	[tilespmem:s0+$0x0] =	vst v12  }
.LBB2_6:
0x2e: {  	p3 =	sne.s32 s2, $0x40  }
.Ltmp2:
0x2f: {  	_ = 	snop;
	(pc) =	sbr.rel @p3 .LBB2_6-.Ltmp2, $3  }
0x30: {  	_ =	sdelay $0x1  }
0x31: {  	v12 =	vor.u32 s2, v1;
	s2 =	sadd.s32 $0x10, s2;
	s0 =	sadd.s32 $0x10, s0  }
0x32: {  	[tilespmem:s0+$0x0] =	vst v12  }
0x33: {  	[tilespmem:$0x9660] =	vst v1;
	s0 =	simm.s32 @!p0 $0x8600  }
0x34: {  	[spmem:s1] =	stream.linear.scatter @!p0 [tilespmem:s0], [sflag:$0x2], $0x500, $0x38;
	[tilespmem:$0x9700] =	vst v63  }
0x35: {  	s0 =	simm.s32 @!p0 $0x2  }
0x36: {  	s2 =	simm.s32 $0x0;
	_ =	swait.ge @!p0 [sflag:s0], $0x500  }
0x37: {  	v12 =	vadd.s32 s2, v3;
	[sflag:s0] =	ssyncset.done @!p0 $0x0  }
0x38: {  	s6 =	simm.s32 @!p0 $0x9410;
	v13 =	vadd.s32 s2, v5;
	v12 =	vand.u32 $0x7F8, v12;
	[sflag:s0] =	ssyncadd.s32 @!p0 $0xFFFFFB00  }
0x39: {  	v13 =	vand.u32 $0x7F8, v13;
	v12 =	vor.u32 v4, v12;
	[spmem:s3] =	stream.linear.scatter @!p0 [tilespmem:s6], [sflag:$0x2], $0x100, $0x38;
	[tilespmem:$0x9700] =	vst v63  }
0x3a: {  	v14 =	vadd.s32 s2, v7;
	v13 =	vor.u32 v6, v13;
	_ =	swait.ge @!p0 [sflag:s0], $0x100  }
0x3b: {  	v14 =	vand.u32 $0x7F8, v14;
	[sflag:s0] =	ssyncset.done @!p0 $0x0  }
0x3c: {  	v14 =	vor.u32 v8, v14;
	[sflag:s0] =	ssyncadd.s32 @!p0 $0xFFFFFF00  }
0x3d: {  	_ =	strace $0x80000049  }
0x3e: {  	v12 =	vld.idx.msk [tilespmem:v12+s14+$0x0], $0xffff  }
0x3f: {  	v13 =	vld.idx.msk [tilespmem:v13+s14+$0x0], $0xffff  }
0x40: {  	s23 =	simm.s32 $0x30  }
0x41: {  	v15 =	vadd.s32 s23, v3;
	v14 =	vld.idx.msk [tilespmem:v14+s14+$0x0], $0xffff  }
0x42: {  	v16 =	vadd.s32 s23, v5;
	v15 =	vand.u32 $0x7F8, v15  }
0x43: {  	v16 =	vand.u32 $0x7F8, v16;
	v15 =	vor.u32 v4, v15  }
0x44: {  	v16 =	vor.u32 v6, v16;
	v12 =	vmul.f32 v12, v12;
	v13 =	vmul.f32 v13, v13  }
0x45: {  	v17 =	vadd.s32 s23, v7  }
0x46: {  	v17 =	vand.u32 $0x7F8, v17;
	v14 =	vmul.f32 v14, v14;
	v12 =	vadd.f32 v13, v12  }
0x47: {  	v13 =	vor.u32 v8, v17  }
0x48: {  	v12 =	vadd.f32 v14, v12;
	v14 =	vld.idx.msk [tilespmem:v15+s14+$0x0], $0xffff  }
0x49: {  	v15 =	vld.idx.msk [tilespmem:v16+s14+$0x0], $0xffff  }
0x4a: {  	s24 =	simm.s32 $0x60;
	v12 =	vmax.f32 v12, $1.000000000e-30  }
0x4b: {  	v18 =	vadd.s32 s24, v7;
	v16 =	vshrl.u32 v12, $0x1;
	v17 =	vmul.f32 $5.000000000e-01, v12  }
0x4c: {  	v19 =	vadd.s32 s24, v3;
	v21 =	vadd.s32 s24, v5;
	v13 =	vld.idx.msk [tilespmem:v13+s14+$0x0], $0xffff;
	v16 =	vsub.s32 $0x5F3759DF, v16  }
0x4d: {  	v19 =	vand.u32 $0x7F8, v19;
	v21 =	vand.u32 $0x7F8, v21;
	v20 =	vmul.f32 v16, v17  }
0x4e: {  	v19 =	vor.u32 v4, v19;
	v14 =	vmul.f32 v14, v14;
	v15 =	vmul.f32 v15, v15  }
0x4f: {  	v18 =	vand.u32 $0x7F8, v18;
	v21 =	vor.u32 v6, v21;
	v20 =	vmul.f32 v16, v20  }
0x50: {  	v14 =	vadd.f32 v15, v14;
	v15 =	vor.u32 v8, v18  }
0x51: {  	v13 =	vmul.f32 v13, v13;
	v20 =	vsub.f32 $1.500000000e+00, v20;
	_ =	sdelay $0x1  }
0x52: {  	v13 =	vadd.f32 v13, v14;
	v14 =	vld.idx.msk [tilespmem:v19+s14+$0x0], $0xffff;
	v16 =	vmul.f32 v16, v20  }
0x53: {  	s25 =	simm.s32 $0x90;
	v19 =	vld.idx.msk [tilespmem:v21+s14+$0x0], $0xffff  }
0x54: {  	v22 =	vadd.s32 s25, v7;
	v13 =	vmax.f32 v13, $1.000000000e-30;
	v15 =	vld.idx.msk [tilespmem:v15+s14+$0x0], $0xffff;
	v18 =	vmul.f32 v16, v17  }
0x55: {  	v23 =	vadd.s32 s25, v3;
	v20 =	vshrl.u32 v13, $0x1;
	v21 =	vmul.f32 $5.000000000e-01, v13  }
0x56: {  	v25 =	vadd.s32 s25, v5;
	v20 =	vsub.s32 $0x5F3759DF, v20;
	v18 =	vmul.f32 v18, v16  }
0x57: {  	v22 =	vand.u32 $0x7F8, v22;
	v23 =	vand.u32 $0x7F8, v23;
	v24 =	vmul.f32 v20, v21  }
0x58: {  	v14 =	vmul.f32 v14, v14;
	v19 =	vmul.f32 v19, v19;
	v18 =	vsub.f32 $1.500000000e+00, v18  }
0x59: {  	v25 =	vand.u32 $0x7F8, v25;
	v24 =	vmul.f32 v20, v24;
	v15 =	vmul.f32 v15, v15  }
0x5a: {  	v14 =	vadd.f32 v19, v14;
	v19 =	vor.u32 v8, v22;
	v16 =	vmul.f32 v18, v16  }
0x5b: {  	v18 =	vor.u32 v4, v23;
	v23 =	vor.u32 v6, v25  }
0x5c: {  	v24 =	vsub.f32 $1.500000000e+00, v24;
	v14 =	vadd.f32 v15, v14;
	v17 =	vmul.f32 v16, v17;
	_ =	sdelay $0x1  }
0x5d: {  	s28 =	simm.s32 $0xC0;
	v20 =	vmul.f32 v20, v24;
	v22 =	vmax.f32 v14, $1.000000000e-30;
	v15 =	vmul.f32 v17, v16  }
0x5e: {  	v24 =	vadd.s32 s28, v3;
	v25 =	vshrl.u32 v22, $0x1;
	v19 =	vld.idx.msk [tilespmem:v19+s14+$0x0], $0xffff  }
0x5f: {  	v26 =	vmul.f32 $5.000000000e-01, v22;
	v14 =	vmul.f32 v20, v21;
	v18 =	vld.idx.msk [tilespmem:v18+s14+$0x0], $0xffff;
	v15 =	vsub.f32 $1.500000000e+00, v15  }
0x60: {  	v24 =	vand.u32 $0x7F8, v24;
	v17 =	vadd.s32 s28, v7;
	v25 =	vsub.s32 $0x5F3759DF, v25;
	v23 =	vld.idx.msk [tilespmem:v23+s14+$0x0], $0xffff  }
0x61: {  	v17 =	vand.u32 $0x7F8, v17;
	v14 =	vmul.f32 v14, v20;
	v15 =	vmul.f32 v15, v16  }
0x62: {  	v27 =	vmul.f32 v25, v26;
	v17 =	vor.u32 v8, v17;
	v16 =	vadd.s32 s28, v5  }
0x63: {  	v14 =	vsub.f32 $1.500000000e+00, v14;
	v19 =	vmul.f32 v19, v19;
	v12 =	vmul.f32 v15, v12  }
0x64: {  	v15 =	vand.u32 $0x7F8, v16;
	v16 =	vmul.f32 v18, v18;
	v18 =	vmul.f32 v25, v27  }
0x65: {  	v24 =	vor.u32 v4, v24;
	v23 =	vmul.f32 v23, v23;
	v14 =	vmul.f32 v14, v20  }
0x66: {  	s29 =	simm.s32 $0xF0;
	v15 =	vor.u32 v6, v15;
	v12 =	vsub.f32 $0.0e+00, v12;
	v18 =	vsub.f32 $1.500000000e+00, v18  }
0x67: {  	v16 =	vadd.f32 v23, v16;
	v20 =	vmul.f32 v14, v21;
	v21 =	vadd.s32 s29, v7  }
0x68: {  	v21 =	vand.u32 $0x7F8, v21;
	v12 =	vmul.f32 $1.442695020e+00, v12  }
0x69: {  	v17 =	vld.idx.msk [tilespmem:v17+s14+$0x0], $0xffff;
	v18 =	vmul.f32 v25, v18;
	v16 =	vadd.f32 v19, v16;
	v19 =	vmul.f32 v20, v14  }
0x6a: {  	v20 =	vadd.s32 s29, v5;
	v21 =	vor.u32 v8, v21;
	(erf) = vpow2.f32 v12  }
0x6b: {  	v23 =	vld.idx.msk [tilespmem:v24+s14+$0x0], $0xffff;
	v16 =	vmax.f32 v16, $1.000000000e-30;
	v24 =	vmul.f32 v18, v26;
	v19 =	vsub.f32 $1.500000000e+00, v19  }
0x6c: {  	v12 =	vadd.s32 s29, v3;
	v15 =	vld.idx.msk [tilespmem:v15+s14+$0x0], $0xffff;
	v25 =	vshrl.u32 v16, $0x1;
	v27 =	vmul.f32 $5.000000000e-01, v16  }
0x6d: {  	v25 =	vsub.s32 $0x5F3759DF, v25;
	v24 =	vmul.f32 v24, v18;
	v14 =	vmul.f32 v19, v14  }
0x6e: {  	v17 =	vmul.f32 v17, v17;
	v19 =	vand.u32 $0x7F8, v20;
	v20 =	vmul.f32 v25, v27  }
0x6f: {  	v12 =	vand.u32 $0x7F8, v12;
	v21 =	vld.idx.msk [tilespmem:v21+s14+$0x0], $0xffff;
	v24 =	vsub.f32 $1.500000000e+00, v24;
	v13 =	vmul.f32 v14, v13  }
0x70: {  	v19 =	vor.u32 v6, v19;
	v14 =	vmul.f32 v23, v23;
	v20 =	vmul.f32 v25, v20  }
0x71: {  	s30 =	simm.s32 $0x120;
	v15 =	vmul.f32 v15, v15;
	v18 =	vmul.f32 v24, v18;
	v13 =	vsub.f32 $0.0e+00, v13  }
0x72: {  	v12 =	vor.u32 v4, v12;
	v24 =	vadd.s32 s30, v7;
	v20 =	vsub.f32 $1.500000000e+00, v20  }
0x73: {  	v14 =	vadd.f32 v15, v14;
	v15 =	vmul.f32 v18, v26;
	v13 =	vmul.f32 $1.442695020e+00, v13  }
0x74: {  	v24 =	vand.u32 $0x7F8, v24;
	v21 =	vmul.f32 v21, v21;
	v23 =	vpop (erf);
	v20 =	vmul.f32 v25, v20  }
0x75: {  	v14 =	vadd.f32 v17, v14;
	v23 =	vadd.f32 $1.000000000e+00, v23;
	v15 =	vmul.f32 v15, v18  }
0x76: {  	v19 =	vld.idx.msk [tilespmem:v19+s14+$0x0], $0xffff;
	v24 =	vor.u32 v8, v24;
	(erf) = vpow2.f32 v13;
	v25 =	vmul.f32 v20, v27  }
0x77: {  	(erf) = vrcp.f32 v23;
	v23 =	vld.idx.msk [tilespmem:v12+s14+$0x0], $0xffff;
	v12 =	vmax.f32 v14, $1.000000000e-30;
	v15 =	vsub.f32 $1.500000000e+00, v15  }
0x78: {  	v17 =	vadd.s32 s30, v5;
	v26 =	vshrl.u32 v12, $0x1;
	v14 =	vmul.f32 $5.000000000e-01, v12  }
0x79: {  	v25 =	vmul.f32 v25, v20;
	v26 =	vsub.s32 $0x5F3759DF, v26;
	v15 =	vmul.f32 v15, v18  }
0x7a: {  	v13 =	vadd.s32 s30, v3;
	v17 =	vand.u32 $0x7F8, v17;
	v18 =	vmul.f32 v26, v14  }
0x7b: {  	v19 =	vmul.f32 v19, v19;
	v25 =	vsub.f32 $1.500000000e+00, v25;
	v15 =	vmul.f32 v15, v22  }
0x7c: {  	v13 =	vand.u32 $0x7F8, v13;
	v22 =	vmul.f32 v23, v23;
	v18 =	vmul.f32 v26, v18  }
0x7d: {  	v13 =	vor.u32 v4, v13;
	v20 =	vmul.f32 v25, v20;
	v15 =	vsub.f32 $0.0e+00, v15  }
0x7e: {  	v17 =	vor.u32 v6, v17;
	v24 =	vld.idx.msk [tilespmem:v24+s14+$0x0], $0xffff;
	v18 =	vsub.f32 $1.500000000e+00, v18;
	v19 =	vadd.f32 v19, v22  }
0x7f: {  	v23 =	vpop (erf);
	v22 =	vmul.f32 v20, v27;
	v15 =	vmul.f32 $1.442695020e+00, v15  }
0x80: {  	s31 =	simm.s32 $0x150;
	v26 =	vmul.f32 v26, v18;
	v18 =	vadd.f32 $1.000000000e+00, v23;
	v19 =	vadd.f32 v21, v19  }
0x81: {  	v25 =	vadd.s32 s31, v7;
	v21 =	vmul.f32 v22, v20;
	(erf) = vpow2.f32 v15  }
0x82: {  	v27 =	vld.idx.msk [tilespmem:v13+s14+$0x0], $0xffff;
	(erf) = vrcp.f32 v18;
	v13 =	vmax.f32 v19, $1.000000000e-30;
	v19 =	vmul.f32 v26, v14  }
0x83: {  	v28 =	vld.idx.msk [tilespmem:v17+s14+$0x0], $0xffff;
	v17 =	vand.u32 $0x7F8, v25;
	v24 =	vmul.f32 v24, v24;
	v21 =	vsub.f32 $1.500000000e+00, v21  }
0x84: {  	v18 =	vshrl.u32 v13, $0x1;
	v15 =	vmul.f32 $5.000000000e-01, v13;
	v19 =	vmul.f32 v19, v26  }
0x85: {  	v22 =	vadd.s32 s31, v3;
	v18 =	vsub.s32 $0x5F3759DF, v18;
	v20 =	vmul.f32 v21, v20  }
0x86: {  	v23 =	vadd.s32 s31, v5;
	v25 =	vmul.f32 v18, v15;
	v19 =	vsub.f32 $1.500000000e+00, v19  }
0x87: {  	v21 =	vand.u32 $0x7F8, v22;
	v22 =	vand.u32 $0x7F8, v23;
	v29 =	vmul.f32 v20, v16  }
0x88: {  	v23 =	vmul.f32 v27, v27;
	v20 =	vor.u32 v4, v21;
	v27 =	vmul.f32 v18, v25  }
0x89: {  	s0 =	simm.s32 $0x8500;
	v30 =	vpop (erf);
	v25 =	vmul.f32 v28, v28;
	v16 =	vmul.f32 v19, v26;
	v21 =	vsub.f32 $0.0e+00, v29  }
0x8a: {  	s2 =	simm.s32 $0x180;
	v17 =	vor.u32 v8, v17;
	[tilespmem:s0+$0x0] =	vst v30;
	v22 =	vor.u32 v6, v22;
	v26 =	vsub.f32 $1.500000000e+00, v27;
	v19 =	vpop (erf)  }
.LBB2_8:
0x8b: {  	p3 =	sne.s32 s2, $0x2D0;
	v23 =	vadd.f32 v25, v23;
	v25 =	vmul.f32 v16, v14;
	v21 =	vmul.f32 $1.442695020e+00, v21;
	v14 =	vpop (erf);
	s0 =	sadd.s32 $0x10, s0  }
0x8c: {  	v27 =	vadd.s32 s2, v7;
	v26 =	vmul.f32 v18, v26;
	v18 =	vadd.f32 $1.000000000e+00, v19;
	[tilespmem:s0+$0x0] =	vst v14;
	v14 =	vmovc v15  }
0x8d: {  	v15 =	vadd.f32 v24, v23;
	v19 =	vmul.f32 v25, v16;
	(erf) = vpow2.f32 v21  }
0x8e: {  	v21 =	vadd.s32 s2, v3;
	v23 =	vadd.s32 s2, v5;
	v24 =	vld.idx.msk [tilespmem:v20+s14+$0x0], $0xffff;
	(erf) = vrcp.f32 v18  }
0x8f: {  	v25 =	vmul.f32 v26, v14;
	v22 =	vld.idx.msk [tilespmem:v22+s14+$0x0], $0xffff;
	v20 =	vmax.f32 v15, $1.000000000e-30;
	v19 =	vsub.f32 $1.500000000e+00, v19  }
0x90: {  	v27 =	vand.u32 $0x7F8, v27;
	v28 =	vld.idx.msk [tilespmem:v17+s14+$0x0], $0xffff;
	v17 =	vshrl.u32 v20, $0x1;
	v15 =	vmul.f32 $5.000000000e-01, v20  }
0x91: {  	v25 =	vmul.f32 v25, v26;
	v18 =	vsub.s32 $0x5F3759DF, v17;
	v16 =	vmul.f32 v19, v16  }
.Ltmp3:
0x92: {  	v29 =	vand.u32 $0x7F8, v23;
	v19 =	vand.u32 $0x7F8, v21;
	v21 =	vmul.f32 v18, v15;
	(pc) =	sbr.rel @p3 .LBB2_8-.Ltmp3, $4  }
0x93: {  	v17 =	vor.u32 v8, v27;
	v27 =	vsub.f32 $1.500000000e+00, v25;
	v30 =	vmul.f32 v16, v12;
	v12 =	vmovc v13;
	v13 =	vmovc v20  }
0x94: {  	v20 =	vor.u32 v4, v19;
	v23 =	vmul.f32 v24, v24;
	v31 =	vmul.f32 v18, v21  }
0x95: {  	v25 =	vmul.f32 v22, v22;
	v16 =	vmul.f32 v27, v26;
	v21 =	vsub.f32 $0.0e+00, v30  }
0x96: {  	s2 =	sadd.s32 $0x30, s2;
	v22 =	vor.u32 v6, v29;
	v24 =	vmul.f32 v28, v28;
	v26 =	vsub.f32 $1.500000000e+00, v31;
	v19 =	vpop (erf)  }
0x97: {  	_ =	sdelay $0x3  }
0x98: {  	v20 =	vld.idx.msk [tilespmem:v20+s14+$0x0], $0xffff  }
0x99: {  	v22 =	vld.idx.msk [tilespmem:v22+s14+$0x0], $0xffff;
	_ =	sdelay $0x1  }
0x9a: {  	v17 =	vld.idx.msk [tilespmem:v17+s14+$0x0], $0xffff;
	_ =	sdelay $0x1  }
0x9b: {  	v23 =	vadd.f32 v25, v23  }
0x9c: {  	v20 =	vmul.f32 v20, v20;
	v22 =	vmul.f32 v22, v22  }
0x9d: {  	v18 =	vmul.f32 v18, v26;
	v23 =	vadd.f32 v24, v23  }
0x9e: {  	v17 =	vmul.f32 v17, v17;
	v20 =	vadd.f32 v22, v20  }
0x9f: {  	v22 =	vmax.f32 v23, $1.000000000e-30;
	v23 =	vmul.f32 v18, v15  }
0xa0: {  	v61 =	vshrl.u32 v22, $0x1;
	v62 =	vmul.f32 $5.000000000e-01, v22;
	v17 =	vadd.f32 v17, v20  }
0xa1: {  	v20 =	vsub.s32 $0x5F3759DF, v61;
	v23 =	vmul.f32 v23, v18  }
0xa2: {  	v14 =	vmul.f32 v16, v14;
	v24 =	vmul.f32 v20, v62;
	v17 =	vmax.f32 v17, $1.000000000e-30  }
0xa3: {  	v23 =	vsub.f32 $1.500000000e+00, v23;
	v63 =	vshrl.u32 v17, $0x1;
	v27 =	vmul.f32 $5.000000000e-01, v17  }
0xa4: {  	v14 =	vmul.f32 v14, v16;
	v24 =	vmul.f32 v20, v24;
	v26 =	vsub.s32 $0x5F3759DF, v63  }
0xa5: {  	v18 =	vmul.f32 v23, v18;
	v23 =	vmul.f32 v26, v27  }
0xa6: {  	v21 =	vmul.f32 $1.442695020e+00, v21;
	v24 =	vsub.f32 $1.500000000e+00, v24  }
0xa7: {  	v14 =	vsub.f32 $1.500000000e+00, v14;
	v15 =	vmul.f32 v18, v15;
	v23 =	vmul.f32 v26, v23  }
0xa8: {  	(erf) = vpow2.f32 v21;
	v20 =	vmul.f32 v20, v24  }
0xa9: {  	v14 =	vmul.f32 v14, v16;
	v15 =	vmul.f32 v15, v18;
	v21 =	vsub.f32 $1.500000000e+00, v23  }
0xaa: {  	v16 =	vmul.f32 v20, v62  }
0xab: {  	v12 =	vmul.f32 v14, v12;
	v14 =	vsub.f32 $1.500000000e+00, v15;
	v21 =	vmul.f32 v26, v21  }
0xac: {  	v15 =	vmul.f32 v16, v20  }
0xad: {  	v14 =	vmul.f32 v14, v18;
	v16 =	vmul.f32 v21, v27  }
0xae: {  	v12 =	vsub.f32 $0.0e+00, v12  }
0xaf: {  	v18 =	vadd.f32 $1.000000000e+00, v19;
	v15 =	vsub.f32 $1.500000000e+00, v15;
	v16 =	vmul.f32 v16, v21  }
0xb0: {  	v12 =	vmul.f32 $1.442695020e+00, v12;
	v19 =	vpop (erf);
	v13 =	vmul.f32 v14, v13  }
0xb1: {  	(erf) = vrcp.f32 v18;
	v15 =	vmul.f32 v15, v20;
	v14 =	vpop (erf);
	v16 =	vsub.f32 $1.500000000e+00, v16  }
0xb2: {  	(erf) = vpow2.f32 v12;
	v12 =	vsub.f32 $0.0e+00, v13;
	v14 =	vadd.f32 $1.000000000e+00, v14  }
0xb3: {  	v13 =	vmul.f32 v15, v62;
	v16 =	vmul.f32 v16, v21  }
0xb4: {  	v12 =	vmul.f32 $1.442695020e+00, v12;
	(erf) = vrcp.f32 v14  }
0xb5: {  	v13 =	vmul.f32 v13, v15;
	v14 =	vmul.f32 v16, v27  }
0xb6: {  	(erf) = vpow2.f32 v12  }
0xb7: {  	v12 =	vsub.f32 $1.500000000e+00, v13;
	v13 =	vmul.f32 v14, v16;
	_ =	sdelay $0x1  }
0xb8: {  	v12 =	vmul.f32 v12, v15;
	v13 =	vsub.f32 $1.500000000e+00, v13;
	_ =	sdelay $0x1  }
0xb9: {  	v12 =	vmul.f32 v12, v22;
	v13 =	vmul.f32 v13, v16  }
0xba: {  	v14 =	vpop (erf)  }
0xbb: {  	v15 =	vpop (erf);
	v12 =	vsub.f32 $0.0e+00, v12;
	v13 =	vmul.f32 v13, v17  }
0xbc: {  	v15 =	vadd.f32 $1.000000000e+00, v15;
	v16 =	vpop (erf)  }
0xbd: {  	v17 =	vpop (erf);
	v12 =	vmul.f32 $1.442695020e+00, v12;
	v13 =	vsub.f32 $0.0e+00, v13  }
0xbe: {  	(erf) = vrcp.f32 v15;
	v15 =	vadd.f32 $1.000000000e+00, v17  }
0xbf: {  	(erf) = vpow2.f32 v12;
	v12 =	vmul.f32 $1.442695020e+00, v13  }
0xc0: {  	(erf) = vrcp.f32 v15  }
0xc1: {  	(erf) = vpow2.f32 v12;
	_ =	sdelay $0x5  }
0xc2: {  	v12 =	vpop (erf)  }
0xc3: {  	v13 =	vpop (erf)  }
0xc4: {  	v15 =	vpop (erf)  }
0xc5: {  	v13 =	vadd.f32 $1.000000000e+00, v13;
	v17 =	vpop (erf)  }
0xc6: {  	v17 =	vadd.f32 $1.000000000e+00, v17  }
0xc7: {  	(erf) = vrcp.f32 v13  }
0xc8: {  	(erf) = vrcp.f32 v17;
	_ =	sdelay $0x2  }
0xc9: {  	s0 =	sadd.s32 $0x10, s0  }
0xca: {  	[tilespmem:s0+$0x0] =	vst v19;
	s0 =	sadd.s32 $0x10, s0  }
0xcb: {  	[tilespmem:s0+$0x0] =	vst v14;
	s0 =	sadd.s32 $0x10, s0  }
0xcc: {  	[tilespmem:s0+$0x0] =	vst v16;
	s0 =	sadd.s32 $0x10, s0  }
0xcd: {  	[tilespmem:s0+$0x0] =	vst v12;
	s0 =	sadd.s32 $0x10, s0  }
0xce: {  	[tilespmem:s0+$0x0] =	vst v15;
	s0 =	sadd.s32 $0x10, s0;
	v12 =	vpop (erf)  }
0xcf: {  	[tilespmem:s0+$0x0] =	vst v12;
	s0 =	sadd.s32 $0x10, s0;
	v12 =	vpop (erf)  }
0xd0: {  	[tilespmem:s0+$0x0] =	vst v12  }
0xd1: {  	_ =	strace $0x90000049  }
0xd2: {  	_ =	swait.ge [sflag:s15], $0x8000  }
0xd3: {  	[sflag:s15] =	ssyncset.done $0x0  }
0xd4: {  	[sflag:s15] =	ssyncadd.s32 $0xFFFF8000  }
0xd5: {  	s17 =	simm.s32 $0x0;
	_ =	strace $0x8000004A  }
0xd6: {  	v15 =	vld [tilespmem:s17+$0x8000];
	_ =	sdelay $0x4  }
0xd7: {  	v12 =	vshll.u32 v15, $0x8  }
0xd8: {  	v18 =	vshra.s32 v12, $0x2  }
0xd9: {  	(v2sf) =	vpush v18, $0x0;
	_ =	sdelay $0x9  }
0xda: {  	s30 =	simm.s32 $0x200  }
0xdb: {  	v12 =	vld [tilespmem:s30+$0xFFFFFE00];
	_ =	sdelay $0x3  }
0xdc: {  	s18 =	spop (v2sf)  }
0xdd: {  	[tilespmem:s18+$0x8600] =	vst.add.f32.msk $0xffff, v12  }
0xde: {  	v12 =	vld [tilespmem:s30+$0xFFFFFE10];
	_ =	sdelay $0x4  }
0xdf: {  	[tilespmem:s18+$0x8610] =	vst.add.f32.msk $0xffff, v12  }
0xe0: {  	v12 =	vld [tilespmem:s30+$0xFFFFFE20]  }
0xe1: {  	(v2sf) =	vpush v18, $0x1;
	_ =	sdelay $0x3  }
0xe2: {  	[tilespmem:s18+$0x8620] =	vst.add.f32.msk $0xffff, v12  }
0xe3: {  	v12 =	vld [tilespmem:s30+$0xFFFFFE30];
	_ =	sdelay $0x4  }
0xe4: {  	[tilespmem:s18+$0x8630] =	vst.add.f32.msk $0xffff, v12  }
0xe5: {  	v12 =	vld [tilespmem:s30+$0xFFFFFE40];
	_ =	sdelay $0x3  }
0xe6: {  	s19 =	spop (v2sf)  }
0xe7: {  	[tilespmem:s19+$0x8600] =	vst.add.f32.msk $0xffff, v12  }
0xe8: {  	v12 =	vld [tilespmem:s30+$0xFFFFFE50];
	_ =	sdelay $0x4  }
0xe9: {  	[tilespmem:s19+$0x8610] =	vst.add.f32.msk $0xffff, v12  }
0xea: {  	v12 =	vld [tilespmem:s30+$0xFFFFFE60]  }
0xeb: {  	(v2sf) =	vpush v18, $0x2;
	_ =	sdelay $0x3  }
0xec: {  	[tilespmem:s19+$0x8620] =	vst.add.f32.msk $0xffff, v12  }
0xed: {  	v12 =	vld [tilespmem:s30+$0xFFFFFE70];
	_ =	sdelay $0x4  }
0xee: {  	[tilespmem:s19+$0x8630] =	vst.add.f32.msk $0xffff, v12  }
0xef: {  	v12 =	vld [tilespmem:s30+$0xFFFFFE80];
	_ =	sdelay $0x3  }
0xf0: {  	s23 =	spop (v2sf)  }
0xf1: {  	[tilespmem:s23+$0x8600] =	vst.add.f32.msk $0xffff, v12  }
0xf2: {  	v12 =	vld [tilespmem:s30+$0xFFFFFE90];
	_ =	sdelay $0x4  }
0xf3: {  	[tilespmem:s23+$0x8610] =	vst.add.f32.msk $0xffff, v12  }
0xf4: {  	v12 =	vld [tilespmem:s30+$0xFFFFFEA0]  }
0xf5: {  	(v2sf) =	vpush v18, $0x3;
	_ =	sdelay $0x3  }
0xf6: {  	[tilespmem:s23+$0x8620] =	vst.add.f32.msk $0xffff, v12  }
0xf7: {  	v12 =	vld [tilespmem:s30+$0xFFFFFEB0];
	_ =	sdelay $0x4  }
0xf8: {  	[tilespmem:s23+$0x8630] =	vst.add.f32.msk $0xffff, v12  }
0xf9: {  	v12 =	vld [tilespmem:s30+$0xFFFFFEC0];
	_ =	sdelay $0x3  }
0xfa: {  	s24 =	spop (v2sf)  }
0xfb: {  	[tilespmem:s24+$0x8600] =	vst.add.f32.msk $0xffff, v12  }
0xfc: {  	v12 =	vld [tilespmem:s30+$0xFFFFFED0];
	_ =	sdelay $0x4  }
0xfd: {  	[tilespmem:s24+$0x8610] =	vst.add.f32.msk $0xffff, v12  }
0xfe: {  	v12 =	vld [tilespmem:s30+$0xFFFFFEE0]  }
0xff: {  	(v2sf) =	vpush v18, $0x4;
	_ =	sdelay $0x3  }
0x100: {  	[tilespmem:s24+$0x8620] =	vst.add.f32.msk $0xffff, v12  }
0x101: {  	v12 =	vld [tilespmem:s30+$0xFFFFFEF0];
	_ =	sdelay $0x4  }
0x102: {  	[tilespmem:s24+$0x8630] =	vst.add.f32.msk $0xffff, v12  }
0x103: {  	v12 =	vld [tilespmem:s30+$0xFFFFFF00];
	_ =	sdelay $0x3  }
0x104: {  	s25 =	spop (v2sf)  }
0x105: {  	[tilespmem:s25+$0x8600] =	vst.add.f32.msk $0xffff, v12  }
0x106: {  	v12 =	vld [tilespmem:s30+$0xFFFFFF10];
	_ =	sdelay $0x4  }
0x107: {  	[tilespmem:s25+$0x8610] =	vst.add.f32.msk $0xffff, v12  }
0x108: {  	v12 =	vld [tilespmem:s30+$0xFFFFFF20]  }
0x109: {  	(v2sf) =	vpush v18, $0x5;
	_ =	sdelay $0x1  }
0x10a: {  	s2 =	simm.s32 $0x10  }
0x10b: {  	v13 =	vld [tilespmem:s2+$0x8000]  }
0x10c: {  	[tilespmem:s25+$0x8620] =	vst.add.f32.msk $0xffff, v12  }
0x10d: {  	v12 =	vld [tilespmem:s30+$0xFFFFFF30];
	_ =	sdelay $0x2  }
0x10e: {  	v14 =	vshll.u32 v13, $0x8  }
0x10f: {  	v16 =	vshra.s32 v14, $0x2  }
0x110: {  	(v2sf) =	vpush v16, $0x0;
	[tilespmem:s25+$0x8630] =	vst.add.f32.msk $0xffff, v12  }
0x111: {  	v12 =	vld [tilespmem:s30+$0xFFFFFF40];
	_ =	sdelay $0x3  }
0x112: {  	s2 =	spop (v2sf)  }
0x113: {  	[tilespmem:s2+$0x8600] =	vst.add.f32.msk $0xffff, v12  }
0x114: {  	v12 =	vld [tilespmem:s30+$0xFFFFFF50];
	_ =	sdelay $0x2  }
0x115: {  	s28 =	simm.s32 $0x600  }
0x116: {  	v14 =	vld [tilespmem:s28+$0xFFFFFE00]  }
0x117: {  	[tilespmem:s2+$0x8610] =	vst.add.f32.msk $0xffff, v12  }
0x118: {  	v12 =	vld [tilespmem:s30+$0xFFFFFF60]  }
0x119: {  	(v2sf) =	vpush v18, $0x6  }
0x11a: {  	s6 =	spop (v2sf)  }
0x11b: {  	[tilespmem:s6+$0x8600] =	vst.add.f32.msk $0xffff, v14  }
0x11c: {  	v14 =	vld [tilespmem:s28+$0xFFFFFE10]  }
0x11d: {  	[tilespmem:s2+$0x8620] =	vst.add.f32.msk $0xffff, v12  }
0x11e: {  	v12 =	vld [tilespmem:s30+$0xFFFFFF70];
	_ =	sdelay $0x2  }
0x11f: {  	[tilespmem:s6+$0x8610] =	vst.add.f32.msk $0xffff, v14  }
0x120: {  	v14 =	vld [tilespmem:s28+$0xFFFFFE20]  }
0x121: {  	(v2sf) =	vpush v16, $0x1;
	[tilespmem:s2+$0x8630] =	vst.add.f32.msk $0xffff, v12  }
0x122: {  	v12 =	vld [tilespmem:s30+$0xFFFFFF80];
	_ =	sdelay $0x2  }
0x123: {  	[tilespmem:s6+$0x8620] =	vst.add.f32.msk $0xffff, v14  }
0x124: {  	v14 =	vld [tilespmem:s28+$0xFFFFFE30];
	s7 =	spop (v2sf)  }
0x125: {  	[tilespmem:s7+$0x8600] =	vst.add.f32.msk $0xffff, v12  }
0x126: {  	v12 =	vld [tilespmem:s30+$0xFFFFFF90];
	_ =	sdelay $0x2  }
0x127: {  	[tilespmem:s6+$0x8630] =	vst.add.f32.msk $0xffff, v14  }
0x128: {  	v14 =	vld [tilespmem:s28+$0xFFFFFE40]  }
0x129: {  	[tilespmem:s7+$0x8610] =	vst.add.f32.msk $0xffff, v12  }
0x12a: {  	v12 =	vld [tilespmem:s30+$0xFFFFFFA0]  }
0x12b: {  	(v2sf) =	vpush v18, $0x7  }
0x12c: {  	s8 =	spop (v2sf)  }
0x12d: {  	[tilespmem:s8+$0x8600] =	vst.add.f32.msk $0xffff, v14  }
0x12e: {  	v14 =	vld [tilespmem:s28+$0xFFFFFE50]  }
0x12f: {  	[tilespmem:s7+$0x8620] =	vst.add.f32.msk $0xffff, v12  }
0x130: {  	v12 =	vld [tilespmem:s30+$0xFFFFFFB0];
	_ =	sdelay $0x2  }
0x131: {  	[tilespmem:s8+$0x8610] =	vst.add.f32.msk $0xffff, v14  }
0x132: {  	v14 =	vld [tilespmem:s28+$0xFFFFFE60]  }
0x133: {  	(v2sf) =	vpush v16, $0x2;
	[tilespmem:s7+$0x8630] =	vst.add.f32.msk $0xffff, v12  }
0x134: {  	v12 =	vld [tilespmem:s30+$0xFFFFFFC0];
	_ =	sdelay $0x2  }
0x135: {  	[tilespmem:s8+$0x8620] =	vst.add.f32.msk $0xffff, v14  }
0x136: {  	s9 =	spop (v2sf);
	v14 =	vld [tilespmem:s28+$0xFFFFFE70]  }
0x137: {  	[tilespmem:s9+$0x8600] =	vst.add.f32.msk $0xffff, v12  }
0x138: {  	v12 =	vld [tilespmem:s30+$0xFFFFFFD0];
	_ =	sdelay $0x2  }
0x139: {  	[tilespmem:s8+$0x8630] =	vst.add.f32.msk $0xffff, v14  }
0x13a: {  	v14 =	vld [tilespmem:s28+$0xFFFFFE80]  }
0x13b: {  	[tilespmem:s9+$0x8610] =	vst.add.f32.msk $0xffff, v12  }
0x13c: {  	v12 =	vld [tilespmem:s30+$0xFFFFFFE0]  }
0x13d: {  	(v2sf) =	vpush v18, $0x8  }
0x13e: {  	s10 =	spop (v2sf)  }
0x13f: {  	[tilespmem:s10+$0x8600] =	vst.add.f32.msk $0xffff, v14  }
0x140: {  	v14 =	vld [tilespmem:s28+$0xFFFFFE90]  }
0x141: {  	[tilespmem:s9+$0x8620] =	vst.add.f32.msk $0xffff, v12  }
0x142: {  	v12 =	vld [tilespmem:s30+$0xFFFFFFF0];
	_ =	sdelay $0x2  }
0x143: {  	[tilespmem:s10+$0x8610] =	vst.add.f32.msk $0xffff, v14  }
0x144: {  	v14 =	vld [tilespmem:s28+$0xFFFFFEA0]  }
0x145: {  	(v2sf) =	vpush v16, $0x3;
	[tilespmem:s9+$0x8630] =	vst.add.f32.msk $0xffff, v12  }
0x146: {  	v12 =	vld [tilespmem:s30+$0x0];
	_ =	sdelay $0x2  }
0x147: {  	[tilespmem:s10+$0x8620] =	vst.add.f32.msk $0xffff, v14  }
0x148: {  	s12 =	spop (v2sf);
	v14 =	vld [tilespmem:s28+$0xFFFFFEB0]  }
0x149: {  	[tilespmem:s12+$0x8600] =	vst.add.f32.msk $0xffff, v12  }
0x14a: {  	v12 =	vld [tilespmem:s30+$0x10];
	_ =	sdelay $0x2  }
0x14b: {  	[tilespmem:s10+$0x8630] =	vst.add.f32.msk $0xffff, v14  }
0x14c: {  	v14 =	vld [tilespmem:s28+$0xFFFFFEC0]  }
0x14d: {  	[tilespmem:s12+$0x8610] =	vst.add.f32.msk $0xffff, v12  }
0x14e: {  	v12 =	vld [tilespmem:s30+$0x20]  }
0x14f: {  	(v2sf) =	vpush v18, $0x9  }
0x150: {  	s17 =	spop (v2sf)  }
0x151: {  	[tilespmem:s17+$0x8600] =	vst.add.f32.msk $0xffff, v14  }
0x152: {  	v14 =	vld [tilespmem:s28+$0xFFFFFED0]  }
0x153: {  	[tilespmem:s12+$0x8620] =	vst.add.f32.msk $0xffff, v12  }
0x154: {  	v12 =	vld [tilespmem:s30+$0x30];
	_ =	sdelay $0x2  }
0x155: {  	[tilespmem:s17+$0x8610] =	vst.add.f32.msk $0xffff, v14  }
0x156: {  	v14 =	vld [tilespmem:s28+$0xFFFFFEE0]  }
0x157: {  	(v2sf) =	vpush v16, $0x4;
	[tilespmem:s12+$0x8630] =	vst.add.f32.msk $0xffff, v12  }
0x158: {  	v12 =	vld [tilespmem:s30+$0x40];
	_ =	sdelay $0x2  }
0x159: {  	[tilespmem:s17+$0x8620] =	vst.add.f32.msk $0xffff, v14  }
0x15a: {  	s18 =	spop (v2sf);
	v14 =	vld [tilespmem:s28+$0xFFFFFEF0]  }
0x15b: {  	[tilespmem:s18+$0x8600] =	vst.add.f32.msk $0xffff, v12  }
0x15c: {  	v12 =	vld [tilespmem:s30+$0x50];
	_ =	sdelay $0x2  }
0x15d: {  	[tilespmem:s17+$0x8630] =	vst.add.f32.msk $0xffff, v14  }
0x15e: {  	v14 =	vld [tilespmem:s28+$0xFFFFFF00]  }
0x15f: {  	[tilespmem:s18+$0x8610] =	vst.add.f32.msk $0xffff, v12  }
0x160: {  	v12 =	vld [tilespmem:s30+$0x60]  }
0x161: {  	(v2sf) =	vpush v18, $0xA  }
0x162: {  	s19 =	spop (v2sf)  }
0x163: {  	[tilespmem:s19+$0x8600] =	vst.add.f32.msk $0xffff, v14  }
0x164: {  	v14 =	vld [tilespmem:s28+$0xFFFFFF10]  }
0x165: {  	[tilespmem:s18+$0x8620] =	vst.add.f32.msk $0xffff, v12  }
0x166: {  	v12 =	vld [tilespmem:s30+$0x70];
	_ =	sdelay $0x2  }
0x167: {  	[tilespmem:s19+$0x8610] =	vst.add.f32.msk $0xffff, v14  }
0x168: {  	v14 =	vld [tilespmem:s28+$0xFFFFFF20]  }
0x169: {  	(v2sf) =	vpush v16, $0x5;
	[tilespmem:s18+$0x8630] =	vst.add.f32.msk $0xffff, v12  }
0x16a: {  	v17 =	vld [tilespmem:s30+$0x80]  }
0x16b: {  	s23 =	simm.s32 $0x20  }
0x16c: {  	v12 =	vld [tilespmem:s23+$0x8000]  }
0x16d: {  	[tilespmem:s19+$0x8620] =	vst.add.f32.msk $0xffff, v14  }
0x16e: {  	s24 =	spop (v2sf);
	v14 =	vld [tilespmem:s28+$0xFFFFFF30]  }
0x16f: {  	[tilespmem:s24+$0x8600] =	vst.add.f32.msk $0xffff, v17  }
0x170: {  	v19 =	vld [tilespmem:s30+$0x90]  }
0x171: {  	v17 =	vshll.u32 v12, $0x8  }
0x172: {  	v17 =	vshra.s32 v17, $0x2  }
0x173: {  	[tilespmem:s19+$0x8630] =	vst.add.f32.msk $0xffff, v14;
	(v2sf) =	vpush v17, $0x0  }
0x174: {  	v14 =	vld [tilespmem:s28+$0xFFFFFF40]  }
0x175: {  	[tilespmem:s24+$0x8610] =	vst.add.f32.msk $0xffff, v19  }
0x176: {  	v19 =	vld [tilespmem:s30+$0xA0]  }
0x177: {  	(v2sf) =	vpush v18, $0xB  }
0x178: {  	s25 =	spop (v2sf)  }
0x179: {  	[tilespmem:s25+$0x8600] =	vst.add.f32.msk $0xffff, v14  }
0x17a: {  	v20 =	vld [tilespmem:s28+$0xFFFFFF50]  }
0x17b: {  	[tilespmem:s24+$0x8620] =	vst.add.f32.msk $0xffff, v19  }
0x17c: {  	s29 =	simm.s32 $0xA00;
	v19 =	vld [tilespmem:s30+$0xB0]  }
0x17d: {  	v21 =	vld [tilespmem:s29+$0xFFFFFE00];
	s6 =	simm.s32 $0x30  }
0x17e: {  	v14 =	vld [tilespmem:s6+$0x8000]  }
0x17f: {  	[tilespmem:s25+$0x8610] =	vst.add.f32.msk $0xffff, v20  }
0x180: {  	v20 =	vld [tilespmem:s28+$0xFFFFFF60]  }
0x181: {  	(v2sf) =	vpush v16, $0x6;
	[tilespmem:s24+$0x8630] =	vst.add.f32.msk $0xffff, v19  }
0x182: {  	s6 =	spop (v2sf);
	v19 =	vld [tilespmem:s30+$0xC0]  }
0x183: {  	[tilespmem:s6+$0x8600] =	vst.add.f32.msk $0xffff, v21  }
0x184: {  	v21 =	vld [tilespmem:s29+$0xFFFFFE10]  }
0x185: {  	[tilespmem:s25+$0x8620] =	vst.add.f32.msk $0xffff, v20  }
0x186: {  	v20 =	vld [tilespmem:s28+$0xFFFFFF70];
	s7 =	spop (v2sf)  }
0x187: {  	[tilespmem:s7+$0x8600] =	vst.add.f32.msk $0xffff, v19  }
0x188: {  	v19 =	vld [tilespmem:s30+$0xD0]  }
0x189: {  	[tilespmem:s6+$0x8610] =	vst.add.f32.msk $0xffff, v21  }
0x18a: {  	v21 =	vld [tilespmem:s29+$0xFFFFFE20]  }
0x18b: {  	[tilespmem:s25+$0x8630] =	vst.add.f32.msk $0xffff, v20;
	(v2sf) =	vpush v17, $0x1  }
0x18c: {  	v20 =	vld [tilespmem:s28+$0xFFFFFF80]  }
0x18d: {  	[tilespmem:s7+$0x8610] =	vst.add.f32.msk $0xffff, v19  }
0x18e: {  	v19 =	vld [tilespmem:s30+$0xE0]  }
0x18f: {  	(v2sf) =	vpush v18, $0xC;
	[tilespmem:s6+$0x8620] =	vst.add.f32.msk $0xffff, v21  }
0x190: {  	s8 =	spop (v2sf);
	v21 =	vld [tilespmem:s29+$0xFFFFFE30]  }
0x191: {  	[tilespmem:s8+$0x8600] =	vst.add.f32.msk $0xffff, v20  }
0x192: {  	v20 =	vld [tilespmem:s28+$0xFFFFFF90]  }
0x193: {  	[tilespmem:s7+$0x8620] =	vst.add.f32.msk $0xffff, v19  }
0x194: {  	v19 =	vld [tilespmem:s30+$0xF0]  }
0x195: {  	[tilespmem:s6+$0x8630] =	vst.add.f32.msk $0xffff, v21  }
0x196: {  	v21 =	vld [tilespmem:s29+$0xFFFFFE40]  }
0x197: {  	[tilespmem:s8+$0x8610] =	vst.add.f32.msk $0xffff, v20  }
0x198: {  	v20 =	vld [tilespmem:s28+$0xFFFFFFA0]  }
0x199: {  	(v2sf) =	vpush v16, $0x7;
	[tilespmem:s7+$0x8630] =	vst.add.f32.msk $0xffff, v19  }
0x19a: {  	s9 =	spop (v2sf);
	v19 =	vld [tilespmem:s30+$0x100]  }
0x19b: {  	[tilespmem:s9+$0x8600] =	vst.add.f32.msk $0xffff, v21  }
0x19c: {  	v21 =	vld [tilespmem:s29+$0xFFFFFE50]  }
0x19d: {  	[tilespmem:s8+$0x8620] =	vst.add.f32.msk $0xffff, v20  }
0x19e: {  	v20 =	vld [tilespmem:s28+$0xFFFFFFB0];
	s10 =	spop (v2sf)  }
0x19f: {  	[tilespmem:s10+$0x8600] =	vst.add.f32.msk $0xffff, v19  }
0x1a0: {  	v19 =	vld [tilespmem:s30+$0x110]  }
0x1a1: {  	[tilespmem:s9+$0x8610] =	vst.add.f32.msk $0xffff, v21  }
0x1a2: {  	v21 =	vld [tilespmem:s29+$0xFFFFFE60]  }
0x1a3: {  	(v2sf) =	vpush v17, $0x2;
	[tilespmem:s8+$0x8630] =	vst.add.f32.msk $0xffff, v20  }
0x1a4: {  	v20 =	vld [tilespmem:s28+$0xFFFFFFC0]  }
0x1a5: {  	[tilespmem:s10+$0x8610] =	vst.add.f32.msk $0xffff, v19  }
0x1a6: {  	v19 =	vld [tilespmem:s30+$0x120]  }
0x1a7: {  	(v2sf) =	vpush v18, $0xD;
	[tilespmem:s9+$0x8620] =	vst.add.f32.msk $0xffff, v21  }
0x1a8: {  	s12 =	spop (v2sf);
	v21 =	vld [tilespmem:s29+$0xFFFFFE70]  }
0x1a9: {  	[tilespmem:s12+$0x8600] =	vst.add.f32.msk $0xffff, v20  }
0x1aa: {  	v20 =	vld [tilespmem:s28+$0xFFFFFFD0]  }
0x1ab: {  	[tilespmem:s10+$0x8620] =	vst.add.f32.msk $0xffff, v19  }
0x1ac: {  	v19 =	vld [tilespmem:s30+$0x130]  }
0x1ad: {  	[tilespmem:s9+$0x8630] =	vst.add.f32.msk $0xffff, v21  }
0x1ae: {  	v21 =	vld [tilespmem:s29+$0xFFFFFE80]  }
0x1af: {  	[tilespmem:s12+$0x8610] =	vst.add.f32.msk $0xffff, v20  }
0x1b0: {  	v20 =	vld [tilespmem:s28+$0xFFFFFFE0]  }
0x1b1: {  	(v2sf) =	vpush v16, $0x8;
	[tilespmem:s10+$0x8630] =	vst.add.f32.msk $0xffff, v19  }
0x1b2: {  	s17 =	spop (v2sf);
	v19 =	vld [tilespmem:s30+$0x140]  }
0x1b3: {  	[tilespmem:s17+$0x8600] =	vst.add.f32.msk $0xffff, v21  }
0x1b4: {  	v21 =	vld [tilespmem:s29+$0xFFFFFE90]  }
0x1b5: {  	[tilespmem:s12+$0x8620] =	vst.add.f32.msk $0xffff, v20  }
0x1b6: {  	s18 =	spop (v2sf);
	v20 =	vld [tilespmem:s28+$0xFFFFFFF0]  }
0x1b7: {  	[tilespmem:s18+$0x8600] =	vst.add.f32.msk $0xffff, v19  }
0x1b8: {  	v19 =	vld [tilespmem:s30+$0x150]  }
0x1b9: {  	[tilespmem:s17+$0x8610] =	vst.add.f32.msk $0xffff, v21  }
0x1ba: {  	v21 =	vld [tilespmem:s29+$0xFFFFFEA0]  }
0x1bb: {  	(v2sf) =	vpush v17, $0x3;
	[tilespmem:s12+$0x8630] =	vst.add.f32.msk $0xffff, v20  }
0x1bc: {  	v20 =	vld [tilespmem:s28+$0x0]  }
0x1bd: {  	[tilespmem:s18+$0x8610] =	vst.add.f32.msk $0xffff, v19  }
0x1be: {  	v19 =	vld [tilespmem:s30+$0x160]  }
0x1bf: {  	(v2sf) =	vpush v18, $0xE;
	[tilespmem:s17+$0x8620] =	vst.add.f32.msk $0xffff, v21  }
0x1c0: {  	s19 =	spop (v2sf);
	v21 =	vld [tilespmem:s29+$0xFFFFFEB0]  }
0x1c1: {  	[tilespmem:s19+$0x8600] =	vst.add.f32.msk $0xffff, v20  }
0x1c2: {  	v20 =	vld [tilespmem:s28+$0x10]  }
0x1c3: {  	[tilespmem:s18+$0x8620] =	vst.add.f32.msk $0xffff, v19  }
0x1c4: {  	v19 =	vld [tilespmem:s30+$0x170]  }
0x1c5: {  	[tilespmem:s17+$0x8630] =	vst.add.f32.msk $0xffff, v21  }
0x1c6: {  	v21 =	vld [tilespmem:s29+$0xFFFFFEC0]  }
0x1c7: {  	[tilespmem:s19+$0x8610] =	vst.add.f32.msk $0xffff, v20  }
0x1c8: {  	v20 =	vld [tilespmem:s28+$0x20]  }
0x1c9: {  	(v2sf) =	vpush v16, $0x9;
	[tilespmem:s18+$0x8630] =	vst.add.f32.msk $0xffff, v19  }
0x1ca: {  	s23 =	spop (v2sf);
	v19 =	vld [tilespmem:s30+$0x180]  }
0x1cb: {  	[tilespmem:s23+$0x8600] =	vst.add.f32.msk $0xffff, v21  }
0x1cc: {  	v21 =	vld [tilespmem:s29+$0xFFFFFED0]  }
0x1cd: {  	[tilespmem:s19+$0x8620] =	vst.add.f32.msk $0xffff, v20  }
0x1ce: {  	s24 =	spop (v2sf);
	v20 =	vld [tilespmem:s28+$0x30]  }
0x1cf: {  	[tilespmem:s24+$0x8600] =	vst.add.f32.msk $0xffff, v19  }
0x1d0: {  	v19 =	vld [tilespmem:s30+$0x190]  }
0x1d1: {  	[tilespmem:s23+$0x8610] =	vst.add.f32.msk $0xffff, v21  }
0x1d2: {  	(v2sf) =	vpush v17, $0x4;
	v21 =	vld [tilespmem:s29+$0xFFFFFEE0]  }
0x1d3: {  	[tilespmem:s19+$0x8630] =	vst.add.f32.msk $0xffff, v20  }
0x1d4: {  	v20 =	vld [tilespmem:s28+$0x40]  }
0x1d5: {  	[tilespmem:s24+$0x8610] =	vst.add.f32.msk $0xffff, v19  }
0x1d6: {  	v19 =	vld [tilespmem:s30+$0x1A0]  }
0x1d7: {  	(v2sf) =	vpush v18, $0xF;
	[tilespmem:s23+$0x8620] =	vst.add.f32.msk $0xffff, v21  }
0x1d8: {  	v22 =	vbroadcast v15, $0x1;
	s25 =	spop (v2sf);
	v21 =	vbroadcast v15, $0x0;
	v18 =	vld [tilespmem:s29+$0xFFFFFEF0]  }
0x1d9: {  	[tilespmem:s25+$0x8600] =	vst.add.f32.msk $0xffff, v20  }
0x1da: {  	vm3 =	veq.s32 v22, v1;
	v20 =	vld [tilespmem:s28+$0x50];
	vm2 =	veq.s32 v21, v1;
	v21 =	vbroadcast v15, $0x2  }
0x1db: {  	v23 =	vsel vm3, $0x3F800000, v2;
	v22 =	vsel vm2, $0x3F800000, v2;
	[tilespmem:s24+$0x8620] =	vst.add.f32.msk $0xffff, v19  }
0x1dc: {  	vm2 =	veq.s32 v21, v1;
	v21 =	vbroadcast v15, $0x3;
	v19 =	vadd.f32 v23, v22;
	v22 =	vld [tilespmem:s30+$0x1B0]  }
0x1dd: {  	[tilespmem:s23+$0x8630] =	vst.add.f32.msk $0xffff, v18;
	v18 =	vsel vm2, $0x3F800000, v2  }
0x1de: {  	vm2 =	veq.s32 v21, v1;
	v23 =	vld [tilespmem:s29+$0xFFFFFF00];
	v18 =	vadd.f32 v19, v18;
	v19 =	vbroadcast v15, $0x4  }
0x1df: {  	[tilespmem:s25+$0x8610] =	vst.add.f32.msk $0xffff, v20;
	v20 =	vsel vm2, $0x3F800000, v2  }
0x1e0: {  	v21 =	vld [tilespmem:s28+$0x60];
	v18 =	vadd.f32 v18, v20;
	vm2 =	veq.s32 v19, v1;
	v19 =	vbroadcast v15, $0x5  }
0x1e1: {  	s12 =	spop (v2sf);
	(v2sf) =	vpush v16, $0xA;
	v20 =	vsel vm2, $0x3F800000, v2;
	[tilespmem:s24+$0x8630] =	vst.add.f32.msk $0xffff, v22  }
0x1e2: {  	v18 =	vadd.f32 v18, v20;
	vm2 =	veq.s32 v19, v1;
	v19 =	vbroadcast v15, $0x6;
	v20 =	vld [tilespmem:s30+$0x1C0]  }
0x1e3: {  	[tilespmem:s12+$0x8600] =	vst.add.f32.msk $0xffff, v23;
	v22 =	vsel vm2, $0x3F800000, v2  }
0x1e4: {  	v23 =	vld [tilespmem:s29+$0xFFFFFF10];
	v18 =	vadd.f32 v18, v22;
	vm2 =	veq.s32 v19, v1;
	v19 =	vbroadcast v15, $0x7  }
0x1e5: {  	[tilespmem:s25+$0x8620] =	vst.add.f32.msk $0xffff, v21;
	v21 =	vsel vm2, $0x3F800000, v2  }
0x1e6: {  	s31 =	spop (v2sf);
	v22 =	vld [tilespmem:s28+$0x70];
	v18 =	vadd.f32 v18, v21;
	vm2 =	veq.s32 v19, v1;
	v19 =	vbroadcast v15, $0x8  }
0x1e7: {  	v21 =	vsel vm2, $0x3F800000, v2;
	[tilespmem:s31+$0x8600] =	vst.add.f32.msk $0xffff, v20  }
0x1e8: {  	v18 =	vadd.f32 v18, v21;
	vm2 =	veq.s32 v19, v1;
	v19 =	vbroadcast v15, $0x9;
	v20 =	vld [tilespmem:s30+$0x1D0]  }
0x1e9: {  	[tilespmem:s12+$0x8610] =	vst.add.f32.msk $0xffff, v23;
	v21 =	vsel vm2, $0x3F800000, v2  }
0x1ea: {  	v23 =	vld [tilespmem:s29+$0xFFFFFF20];
	v18 =	vadd.f32 v18, v21;
	vm2 =	veq.s32 v19, v1;
	v19 =	vbroadcast v15, $0xA  }
0x1eb: {  	(v2sf) =	vpush v17, $0x5;
	[tilespmem:s25+$0x8630] =	vst.add.f32.msk $0xffff, v22;
	v22 =	vsel vm2, $0x3F800000, v2  }
0x1ec: {  	v21 =	vld [tilespmem:s28+$0x80];
	v18 =	vadd.f32 v18, v22;
	vm2 =	veq.s32 v19, v1;
	v22 =	vbroadcast v15, $0xB  }
0x1ed: {  	v19 =	vsel vm2, $0x3F800000, v2;
	[tilespmem:s31+$0x8610] =	vst.add.f32.msk $0xffff, v20  }
0x1ee: {  	s2 =	simm.s32 $0x100;
	v19 =	vadd.f32 v18, v19;
	vm2 =	veq.s32 v22, v1;
	v20 =	vbroadcast v15, $0xC;
	v22 =	vld [tilespmem:s30+$0x1E0]  }
.LBB2_10:
0x1ef: {  	p3 =	sne.s32 s2, $0x7C0;
	[tilespmem:s12+$0x8620] =	vst.add.f32.msk $0xffff, v23;
	v18 =	vsel vm2, $0x3F800000, v2  }
0x1f0: {  	v23 =	vld [tilespmem:s29+$0xFFFFFF30];
	s0 =	spop (v2sf);
	v18 =	vadd.f32 v19, v18;
	vm2 =	veq.s32 v20, v1;
	v19 =	vbroadcast v15, $0xD  }
0x1f1: {  	[tilespmem:s0+$0x8600] =	vst.add.f32.msk $0xffff, v21;
	v20 =	vsel vm2, $0x3F800000, v2  }
0x1f2: {  	v21 =	vld [tilespmem:s28+$0x90];
	v20 =	vadd.f32 v18, v20;
	vm2 =	veq.s32 v19, v1;
	v19 =	vbroadcast v15, $0xE  }
0x1f3: {  	v18 =	vshll.u32 v14, $0x8;
	v24 =	vsel vm2, $0x3F800000, v2;
	[tilespmem:s31+$0x8620] =	vst.add.f32.msk $0xffff, v22;
	v22 =	vbroadcast v15, $0xF;
	v15 =	vmovc v13;
	v13 =	vmovc v12  }
0x1f4: {  	v18 =	vshra.s32 v18, $0x2;
	v12 =	vmovc v14;
	v20 =	vadd.f32 v20, v24;
	vm2 =	veq.s32 v19, v1;
	v19 =	vld [tilespmem:s30+$0x1F0];
	s30 =	smov.u32 s28;
	s28 =	smov.u32 s29  }
0x1f5: {  	(v2sf) =	vpush v18, $0x0;
	[tilespmem:s12+$0x8630] =	vst.add.f32.msk $0xffff, v23;
	v14 =	vsel vm2, $0x3F800000, v2  }
0x1f6: {  	vm2 =	veq.s32 v22, v1;
	v23 =	vld [tilespmem:s29+$0xFFFFFF40];
	v14 =	vadd.f32 v20, v14  }
0x1f7: {  	v20 =	vsel vm2, $0x3F800000, v2;
	[tilespmem:s0+$0x8610] =	vst.add.f32.msk $0xffff, v21  }
0x1f8: {  	v21 =	vld [tilespmem:s30+$0xA0];
	v14 =	vadd.f32 v14, v20  }
0x1f9: {  	(v2sf) =	vpush v16, $0xB;
	[tilespmem:s31+$0x8630] =	vst.add.f32.msk $0xffff, v19  }
0x1fa: {  	s6 =	spop (v2sf);
	[tilespmem:s16+$0x0] =	vst.add.f32.msk $0xffff, v14  }
0x1fb: {  	[tilespmem:s6+$0x8600] =	vst.add.f32.msk $0xffff, v23  }
0x1fc: {  	v19 =	vld [tilespmem:s29+$0xFFFFFF50]  }
0x1fd: {  	[tilespmem:s0+$0x8620] =	vst.add.f32.msk $0xffff, v21  }
0x1fe: {  	s29 =	sadd.s32 $0x400, s29;
	v20 =	vld [tilespmem:s30+$0xB0]  }
0x1ff: {  	s7 =	sshra.s32 s2, $0x2;
	v21 =	vld [tilespmem:s29+$0xFFFFFE00]  }
0x200: {  	v14 =	vld [tilespmem:s7+$0x8000]  }
0x201: {  	[tilespmem:s6+$0x8610] =	vst.add.f32.msk $0xffff, v19  }
0x202: {  	v19 =	vld [tilespmem:s28+$0xFFFFFF60]  }
0x203: {  	(v2sf) =	vpush v17, $0x6;
	[tilespmem:s0+$0x8630] =	vst.add.f32.msk $0xffff, v20  }
0x204: {  	s0 =	spop (v2sf);
	v20 =	vld [tilespmem:s30+$0xC0]  }
0x205: {  	[tilespmem:s0+$0x8600] =	vst.add.f32.msk $0xffff, v21  }
0x206: {  	v21 =	vld [tilespmem:s29+$0xFFFFFE10]  }
0x207: {  	[tilespmem:s6+$0x8620] =	vst.add.f32.msk $0xffff, v19  }
0x208: {  	v19 =	vld [tilespmem:s28+$0xFFFFFF70];
	s7 =	spop (v2sf)  }
0x209: {  	[tilespmem:s7+$0x8600] =	vst.add.f32.msk $0xffff, v20  }
0x20a: {  	v20 =	vld [tilespmem:s30+$0xD0]  }
0x20b: {  	[tilespmem:s0+$0x8610] =	vst.add.f32.msk $0xffff, v21  }
0x20c: {  	v21 =	vld [tilespmem:s29+$0xFFFFFE20]  }
0x20d: {  	(v2sf) =	vpush v18, $0x1;
	[tilespmem:s6+$0x8630] =	vst.add.f32.msk $0xffff, v19  }
0x20e: {  	v19 =	vld [tilespmem:s28+$0xFFFFFF80]  }
0x20f: {  	[tilespmem:s7+$0x8610] =	vst.add.f32.msk $0xffff, v20  }
0x210: {  	v20 =	vld [tilespmem:s30+$0xE0]  }
0x211: {  	[tilespmem:s0+$0x8620] =	vst.add.f32.msk $0xffff, v21;
	(v2sf) =	vpush v16, $0xC  }
0x212: {  	v21 =	vld [tilespmem:s29+$0xFFFFFE30];
	s6 =	spop (v2sf)  }
0x213: {  	[tilespmem:s6+$0x8600] =	vst.add.f32.msk $0xffff, v19  }
0x214: {  	v19 =	vld [tilespmem:s28+$0xFFFFFF90]  }
0x215: {  	[tilespmem:s7+$0x8620] =	vst.add.f32.msk $0xffff, v20  }
0x216: {  	v20 =	vld [tilespmem:s30+$0xF0]  }
0x217: {  	[tilespmem:s0+$0x8630] =	vst.add.f32.msk $0xffff, v21  }
0x218: {  	v21 =	vld [tilespmem:s29+$0xFFFFFE40]  }
0x219: {  	[tilespmem:s6+$0x8610] =	vst.add.f32.msk $0xffff, v19  }
0x21a: {  	v19 =	vld [tilespmem:s28+$0xFFFFFFA0]  }
0x21b: {  	(v2sf) =	vpush v17, $0x7;
	[tilespmem:s7+$0x8630] =	vst.add.f32.msk $0xffff, v20  }
0x21c: {  	s0 =	spop (v2sf);
	v20 =	vld [tilespmem:s30+$0x100]  }
0x21d: {  	[tilespmem:s0+$0x8600] =	vst.add.f32.msk $0xffff, v21  }
0x21e: {  	v21 =	vld [tilespmem:s29+$0xFFFFFE50]  }
0x21f: {  	[tilespmem:s6+$0x8620] =	vst.add.f32.msk $0xffff, v19  }
0x220: {  	v19 =	vld [tilespmem:s28+$0xFFFFFFB0];
	s7 =	spop (v2sf)  }
0x221: {  	[tilespmem:s7+$0x8600] =	vst.add.f32.msk $0xffff, v20  }
0x222: {  	v20 =	vld [tilespmem:s30+$0x110]  }
0x223: {  	[tilespmem:s0+$0x8610] =	vst.add.f32.msk $0xffff, v21  }
0x224: {  	v21 =	vld [tilespmem:s29+$0xFFFFFE60]  }
0x225: {  	(v2sf) =	vpush v18, $0x2;
	[tilespmem:s6+$0x8630] =	vst.add.f32.msk $0xffff, v19  }
0x226: {  	v19 =	vld [tilespmem:s28+$0xFFFFFFC0]  }
0x227: {  	[tilespmem:s7+$0x8610] =	vst.add.f32.msk $0xffff, v20  }
0x228: {  	v20 =	vld [tilespmem:s30+$0x120]  }
0x229: {  	[tilespmem:s0+$0x8620] =	vst.add.f32.msk $0xffff, v21;
	(v2sf) =	vpush v16, $0xD  }
0x22a: {  	v21 =	vld [tilespmem:s29+$0xFFFFFE70];
	s6 =	spop (v2sf)  }
0x22b: {  	[tilespmem:s6+$0x8600] =	vst.add.f32.msk $0xffff, v19  }
0x22c: {  	v19 =	vld [tilespmem:s28+$0xFFFFFFD0]  }
0x22d: {  	[tilespmem:s7+$0x8620] =	vst.add.f32.msk $0xffff, v20  }
0x22e: {  	v20 =	vld [tilespmem:s30+$0x130]  }
0x22f: {  	[tilespmem:s0+$0x8630] =	vst.add.f32.msk $0xffff, v21  }
0x230: {  	v21 =	vld [tilespmem:s29+$0xFFFFFE80]  }
0x231: {  	[tilespmem:s6+$0x8610] =	vst.add.f32.msk $0xffff, v19  }
0x232: {  	v19 =	vld [tilespmem:s28+$0xFFFFFFE0]  }
0x233: {  	(v2sf) =	vpush v17, $0x8;
	[tilespmem:s7+$0x8630] =	vst.add.f32.msk $0xffff, v20  }
0x234: {  	s0 =	spop (v2sf);
	v20 =	vld [tilespmem:s30+$0x140]  }
0x235: {  	[tilespmem:s0+$0x8600] =	vst.add.f32.msk $0xffff, v21  }
0x236: {  	v21 =	vld [tilespmem:s29+$0xFFFFFE90]  }
0x237: {  	[tilespmem:s6+$0x8620] =	vst.add.f32.msk $0xffff, v19  }
0x238: {  	v19 =	vld [tilespmem:s28+$0xFFFFFFF0];
	s7 =	spop (v2sf)  }
0x239: {  	[tilespmem:s7+$0x8600] =	vst.add.f32.msk $0xffff, v20  }
0x23a: {  	v20 =	vld [tilespmem:s30+$0x150]  }
0x23b: {  	[tilespmem:s0+$0x8610] =	vst.add.f32.msk $0xffff, v21  }
0x23c: {  	v21 =	vld [tilespmem:s29+$0xFFFFFEA0]  }
0x23d: {  	(v2sf) =	vpush v18, $0x3;
	[tilespmem:s6+$0x8630] =	vst.add.f32.msk $0xffff, v19  }
0x23e: {  	v19 =	vld [tilespmem:s28+$0x0]  }
0x23f: {  	[tilespmem:s7+$0x8610] =	vst.add.f32.msk $0xffff, v20  }
0x240: {  	v20 =	vld [tilespmem:s30+$0x160]  }
0x241: {  	[tilespmem:s0+$0x8620] =	vst.add.f32.msk $0xffff, v21;
	(v2sf) =	vpush v16, $0xE  }
0x242: {  	v21 =	vld [tilespmem:s29+$0xFFFFFEB0];
	s8 =	spop (v2sf)  }
0x243: {  	[tilespmem:s8+$0x8600] =	vst.add.f32.msk $0xffff, v19  }
0x244: {  	v19 =	vld [tilespmem:s28+$0x10]  }
0x245: {  	[tilespmem:s7+$0x8620] =	vst.add.f32.msk $0xffff, v20  }
0x246: {  	v20 =	vld [tilespmem:s30+$0x170]  }
0x247: {  	[tilespmem:s0+$0x8630] =	vst.add.f32.msk $0xffff, v21  }
0x248: {  	v21 =	vld [tilespmem:s29+$0xFFFFFEC0]  }
0x249: {  	[tilespmem:s8+$0x8610] =	vst.add.f32.msk $0xffff, v19  }
0x24a: {  	v19 =	vld [tilespmem:s28+$0x20]  }
0x24b: {  	(v2sf) =	vpush v17, $0x9;
	[tilespmem:s7+$0x8630] =	vst.add.f32.msk $0xffff, v20  }
0x24c: {  	s7 =	spop (v2sf);
	v20 =	vld [tilespmem:s30+$0x180]  }
0x24d: {  	[tilespmem:s7+$0x8600] =	vst.add.f32.msk $0xffff, v21  }
0x24e: {  	v21 =	vld [tilespmem:s29+$0xFFFFFED0]  }
0x24f: {  	[tilespmem:s8+$0x8620] =	vst.add.f32.msk $0xffff, v19  }
0x250: {  	v19 =	vld [tilespmem:s28+$0x30];
	s6 =	spop (v2sf)  }
0x251: {  	[tilespmem:s6+$0x8600] =	vst.add.f32.msk $0xffff, v20  }
0x252: {  	v20 =	vld [tilespmem:s30+$0x190]  }
0x253: {  	[tilespmem:s7+$0x8610] =	vst.add.f32.msk $0xffff, v21  }
0x254: {  	v21 =	vld [tilespmem:s29+$0xFFFFFEE0]  }
0x255: {  	(v2sf) =	vpush v18, $0x4;
	[tilespmem:s8+$0x8630] =	vst.add.f32.msk $0xffff, v19  }
0x256: {  	v19 =	vld [tilespmem:s28+$0x40]  }
0x257: {  	[tilespmem:s6+$0x8610] =	vst.add.f32.msk $0xffff, v20  }
0x258: {  	v20 =	vld [tilespmem:s30+$0x1A0]  }
0x259: {  	[tilespmem:s7+$0x8620] =	vst.add.f32.msk $0xffff, v21;
	(v2sf) =	vpush v16, $0xF;
	v16 =	vmov v17;
	v17 =	vmov v18  }
0x25a: {  	v22 =	vbroadcast v15, $0x1;
	v21 =	vbroadcast v15, $0x0;
	v18 =	vld [tilespmem:s29+$0xFFFFFEF0];
	s0 =	spop (v2sf)  }
0x25b: {  	[tilespmem:s0+$0x8600] =	vst.add.f32.msk $0xffff, v19  }
0x25c: {  	vm3 =	veq.s32 v22, v1;
	vm2 =	veq.s32 v21, v1;
	v21 =	vbroadcast v15, $0x2;
	v19 =	vld [tilespmem:s28+$0x50]  }
0x25d: {  	v23 =	vsel vm3, $0x3F800000, v2;
	v22 =	vsel vm2, $0x3F800000, v2;
	[tilespmem:s6+$0x8620] =	vst.add.f32.msk $0xffff, v20  }
0x25e: {  	v20 =	vadd.f32 v23, v22;
	vm2 =	veq.s32 v21, v1;
	v21 =	vbroadcast v15, $0x3;
	v22 =	vld [tilespmem:s30+$0x1B0]  }
0x25f: {  	[tilespmem:s7+$0x8630] =	vst.add.f32.msk $0xffff, v18;
	v18 =	vsel vm2, $0x3F800000, v2  }
0x260: {  	vm2 =	veq.s32 v21, v1;
	v23 =	vld [tilespmem:s29+$0xFFFFFF00];
	v18 =	vadd.f32 v20, v18;
	v20 =	vbroadcast v15, $0x4  }
0x261: {  	[tilespmem:s0+$0x8610] =	vst.add.f32.msk $0xffff, v19;
	v19 =	vsel vm2, $0x3F800000, v2  }
0x262: {  	v21 =	vld [tilespmem:s28+$0x60];
	v18 =	vadd.f32 v18, v19;
	vm2 =	veq.s32 v20, v1;
	v19 =	vbroadcast v15, $0x5  }
0x263: {  	(v2sf) =	vpush v16, $0xA;
	v20 =	vsel vm2, $0x3F800000, v2;
	[tilespmem:s6+$0x8630] =	vst.add.f32.msk $0xffff, v22  }
0x264: {  	s12 =	spop (v2sf);
	v18 =	vadd.f32 v18, v20;
	vm2 =	veq.s32 v19, v1;
	v19 =	vbroadcast v15, $0x6;
	v20 =	vld [tilespmem:s30+$0x1C0]  }
0x265: {  	[tilespmem:s12+$0x8600] =	vst.add.f32.msk $0xffff, v23;
	v22 =	vsel vm2, $0x3F800000, v2  }
0x266: {  	v23 =	vld [tilespmem:s29+$0xFFFFFF10];
	v18 =	vadd.f32 v18, v22;
	vm2 =	veq.s32 v19, v1;
	v19 =	vbroadcast v15, $0x7  }
0x267: {  	[tilespmem:s0+$0x8620] =	vst.add.f32.msk $0xffff, v21;
	v21 =	vsel vm2, $0x3F800000, v2  }
0x268: {  	v22 =	vld [tilespmem:s28+$0x70];
	v18 =	vadd.f32 v18, v21;
	vm2 =	veq.s32 v19, v1;
	v19 =	vbroadcast v15, $0x8;
	s31 =	spop (v2sf)  }
0x269: {  	v21 =	vsel vm2, $0x3F800000, v2;
	[tilespmem:s31+$0x8600] =	vst.add.f32.msk $0xffff, v20  }
0x26a: {  	v18 =	vadd.f32 v18, v21;
	vm2 =	veq.s32 v19, v1;
	v19 =	vbroadcast v15, $0x9;
	v20 =	vld [tilespmem:s30+$0x1D0]  }
0x26b: {  	[tilespmem:s12+$0x8610] =	vst.add.f32.msk $0xffff, v23;
	v21 =	vsel vm2, $0x3F800000, v2  }
.Ltmp4:
0x26c: {  	v23 =	vld [tilespmem:s29+$0xFFFFFF20];
	v18 =	vadd.f32 v18, v21;
	vm2 =	veq.s32 v19, v1;
	v19 =	vbroadcast v15, $0xA;
	(pc) =	sbr.rel @p3 .LBB2_10-.Ltmp4, $4  }
0x26d: {  	(v2sf) =	vpush v17, $0x5;
	[tilespmem:s0+$0x8630] =	vst.add.f32.msk $0xffff, v22;
	v22 =	vsel vm2, $0x3F800000, v2  }
0x26e: {  	v21 =	vld [tilespmem:s28+$0x80];
	v18 =	vadd.f32 v18, v22;
	vm2 =	veq.s32 v19, v1;
	v22 =	vbroadcast v15, $0xB  }
0x26f: {  	v19 =	vsel vm2, $0x3F800000, v2;
	[tilespmem:s31+$0x8610] =	vst.add.f32.msk $0xffff, v20  }
0x270: {  	s2 =	sadd.s32 $0x40, s2;
	v20 =	vbroadcast v15, $0xC;
	v19 =	vadd.f32 v18, v19;
	vm2 =	veq.s32 v22, v1;
	v22 =	vld [tilespmem:s30+$0x1E0]  }
0x271: {  	v18 =	vshll.u32 v14, $0x8  }
0x272: {  	v18 =	vshra.s32 v18, $0x2  }
0x273: {  	(v2sf) =	vpush v18, $0x0;
	_ =	sdelay $0x9  }
0x274: {  	s2 =	sadd.s32 $0x400, s29  }
0x275: {  	v24 =	vld [tilespmem:s2+$0xFFFFFE00];
	_ =	sdelay $0x1  }
0x276: {  	s25 =	spop (v2sf)  }
0x277: {  	s7 =	spop (v2sf)  }
0x278: {  	s0 =	spop (v2sf)  }
0x279: {  	[tilespmem:s0+$0x8600] =	vst.add.f32.msk $0xffff, v24  }
0x27a: {  	v24 =	vld [tilespmem:s2+$0xFFFFFE10];
	_ =	sdelay $0x4  }
0x27b: {  	(v2sf) =	vpush v16, $0xB;
	[tilespmem:s0+$0x8610] =	vst.add.f32.msk $0xffff, v24  }
0x27c: {  	(v2sf) =	vpush v17, $0x6;
	v24 =	vld [tilespmem:s2+$0xFFFFFE20]  }
0x27d: {  	(v2sf) =	vpush v18, $0x1;
	_ =	sdelay $0x3  }
0x27e: {  	[tilespmem:s0+$0x8620] =	vst.add.f32.msk $0xffff, v24  }
0x27f: {  	v24 =	vld [tilespmem:s2+$0xFFFFFE30];
	_ =	sdelay $0x4  }
0x280: {  	[tilespmem:s0+$0x8630] =	vst.add.f32.msk $0xffff, v24  }
0x281: {  	v24 =	vld [tilespmem:s2+$0xFFFFFE40];
	_ =	sdelay $0x1  }
0x282: {  	s23 =	spop (v2sf)  }
0x283: {  	s6 =	spop (v2sf)  }
0x284: {  	s24 =	spop (v2sf)  }
0x285: {  	[tilespmem:s24+$0x8600] =	vst.add.f32.msk $0xffff, v24  }
0x286: {  	v24 =	vld [tilespmem:s2+$0xFFFFFE50];
	_ =	sdelay $0x4  }
0x287: {  	(v2sf) =	vpush v16, $0xC;
	[tilespmem:s24+$0x8610] =	vst.add.f32.msk $0xffff, v24  }
0x288: {  	(v2sf) =	vpush v17, $0x7;
	v24 =	vld [tilespmem:s2+$0xFFFFFE60]  }
0x289: {  	(v2sf) =	vpush v18, $0x2;
	_ =	sdelay $0x3  }
0x28a: {  	[tilespmem:s24+$0x8620] =	vst.add.f32.msk $0xffff, v24  }
0x28b: {  	v24 =	vld [tilespmem:s2+$0xFFFFFE70];
	_ =	sdelay $0x4  }
0x28c: {  	[tilespmem:s24+$0x8630] =	vst.add.f32.msk $0xffff, v24  }
0x28d: {  	v24 =	vld [tilespmem:s2+$0xFFFFFE80];
	_ =	sdelay $0x1  }
0x28e: {  	s19 =	spop (v2sf)  }
0x28f: {  	s24 =	spop (v2sf)  }
0x290: {  	s8 =	spop (v2sf)  }
0x291: {  	[tilespmem:s8+$0x8600] =	vst.add.f32.msk $0xffff, v24  }
0x292: {  	v24 =	vld [tilespmem:s2+$0xFFFFFE90];
	_ =	sdelay $0x4  }
0x293: {  	(v2sf) =	vpush v16, $0xD;
	[tilespmem:s8+$0x8610] =	vst.add.f32.msk $0xffff, v24  }
0x294: {  	(v2sf) =	vpush v17, $0x8;
	v24 =	vld [tilespmem:s2+$0xFFFFFEA0]  }
0x295: {  	(v2sf) =	vpush v18, $0x3;
	_ =	sdelay $0x3  }
0x296: {  	[tilespmem:s8+$0x8620] =	vst.add.f32.msk $0xffff, v24  }
0x297: {  	v24 =	vld [tilespmem:s2+$0xFFFFFEB0];
	_ =	sdelay $0x4  }
0x298: {  	[tilespmem:s8+$0x8630] =	vst.add.f32.msk $0xffff, v24  }
0x299: {  	v24 =	vld [tilespmem:s2+$0xFFFFFEC0];
	_ =	sdelay $0x1  }
0x29a: {  	s17 =	spop (v2sf)  }
0x29b: {  	s18 =	spop (v2sf)  }
0x29c: {  	s9 =	spop (v2sf)  }
0x29d: {  	[tilespmem:s9+$0x8600] =	vst.add.f32.msk $0xffff, v24  }
0x29e: {  	v24 =	vld [tilespmem:s2+$0xFFFFFED0];
	_ =	sdelay $0x4  }
0x29f: {  	(v2sf) =	vpush v16, $0xE;
	[tilespmem:s9+$0x8610] =	vst.add.f32.msk $0xffff, v24  }
0x2a0: {  	(v2sf) =	vpush v17, $0x9;
	v24 =	vld [tilespmem:s2+$0xFFFFFEE0]  }
0x2a1: {  	(v2sf) =	vpush v18, $0x4;
	_ =	sdelay $0x3  }
0x2a2: {  	[tilespmem:s9+$0x8620] =	vst.add.f32.msk $0xffff, v24  }
0x2a3: {  	v24 =	vld [tilespmem:s2+$0xFFFFFEF0];
	_ =	sdelay $0x4  }
0x2a4: {  	[tilespmem:s9+$0x8630] =	vst.add.f32.msk $0xffff, v24  }
0x2a5: {  	v24 =	vld [tilespmem:s2+$0xFFFFFF00]  }
0x2a6: {  	[tilespmem:s12+$0x8620] =	vst.add.f32.msk $0xffff, v23  }
0x2a7: {  	v23 =	vld [tilespmem:s29+$0xFFFFFF30];
	s0 =	spop (v2sf)  }
0x2a8: {  	s9 =	spop (v2sf)  }
0x2a9: {  	s8 =	spop (v2sf)  }
0x2aa: {  	[tilespmem:s8+$0x8600] =	vst.add.f32.msk $0xffff, v24  }
0x2ab: {  	v24 =	vld [tilespmem:s2+$0xFFFFFF10]  }
0x2ac: {  	[tilespmem:s12+$0x8630] =	vst.add.f32.msk $0xffff, v23  }
0x2ad: {  	v23 =	vld [tilespmem:s29+$0xFFFFFF40];
	_ =	sdelay $0x2  }
0x2ae: {  	(v2sf) =	vpush v16, $0xF;
	[tilespmem:s8+$0x8610] =	vst.add.f32.msk $0xffff, v24  }
0x2af: {  	(v2sf) =	vpush v17, $0xA;
	v16 =	vld [tilespmem:s2+$0xFFFFFF20]  }
0x2b0: {  	[tilespmem:s7+$0x8600] =	vst.add.f32.msk $0xffff, v23;
	(v2sf) =	vpush v18, $0x5  }
0x2b1: {  	v23 =	vld [tilespmem:s29+$0xFFFFFF50];
	_ =	sdelay $0x2  }
0x2b2: {  	[tilespmem:s8+$0x8620] =	vst.add.f32.msk $0xffff, v16  }
0x2b3: {  	v16 =	vld [tilespmem:s2+$0xFFFFFF30]  }
0x2b4: {  	[tilespmem:s7+$0x8610] =	vst.add.f32.msk $0xffff, v23  }
0x2b5: {  	v23 =	vld [tilespmem:s29+$0xFFFFFF60];
	_ =	sdelay $0x2  }
0x2b6: {  	[tilespmem:s8+$0x8630] =	vst.add.f32.msk $0xffff, v16  }
0x2b7: {  	v16 =	vld [tilespmem:s2+$0xFFFFFF40]  }
0x2b8: {  	[tilespmem:s7+$0x8620] =	vst.add.f32.msk $0xffff, v23  }
0x2b9: {  	v23 =	vld [tilespmem:s29+$0xFFFFFF70];
	s12 =	spop (v2sf)  }
0x2ba: {  	s8 =	spop (v2sf)  }
0x2bb: {  	s10 =	spop (v2sf)  }
0x2bc: {  	[tilespmem:s10+$0x8600] =	vst.add.f32.msk $0xffff, v16  }
0x2bd: {  	v16 =	vld [tilespmem:s2+$0xFFFFFF50]  }
0x2be: {  	[tilespmem:s7+$0x8630] =	vst.add.f32.msk $0xffff, v23  }
0x2bf: {  	v23 =	vld [tilespmem:s29+$0xFFFFFF80];
	_ =	sdelay $0x2  }
0x2c0: {  	[tilespmem:s10+$0x8610] =	vst.add.f32.msk $0xffff, v16  }
0x2c1: {  	(v2sf) =	vpush v17, $0xB;
	v16 =	vld [tilespmem:s2+$0xFFFFFF60]  }
0x2c2: {  	[tilespmem:s6+$0x8600] =	vst.add.f32.msk $0xffff, v23;
	(v2sf) =	vpush v18, $0x6  }
0x2c3: {  	v23 =	vld [tilespmem:s29+$0xFFFFFF90];
	_ =	sdelay $0x2  }
0x2c4: {  	[tilespmem:s10+$0x8620] =	vst.add.f32.msk $0xffff, v16  }
0x2c5: {  	v16 =	vld [tilespmem:s2+$0xFFFFFF70]  }
0x2c6: {  	[tilespmem:s6+$0x8610] =	vst.add.f32.msk $0xffff, v23  }
0x2c7: {  	v23 =	vld [tilespmem:s29+$0xFFFFFFA0];
	_ =	sdelay $0x2  }
0x2c8: {  	[tilespmem:s10+$0x8630] =	vst.add.f32.msk $0xffff, v16  }
0x2c9: {  	v16 =	vld [tilespmem:s2+$0xFFFFFF80]  }
0x2ca: {  	[tilespmem:s6+$0x8620] =	vst.add.f32.msk $0xffff, v23  }
0x2cb: {  	v23 =	vld [tilespmem:s29+$0xFFFFFFB0]  }
0x2cc: {  	s7 =	spop (v2sf)  }
0x2cd: {  	s10 =	spop (v2sf)  }
0x2ce: {  	[tilespmem:s10+$0x8600] =	vst.add.f32.msk $0xffff, v16  }
0x2cf: {  	v16 =	vld [tilespmem:s2+$0xFFFFFF90]  }
0x2d0: {  	[tilespmem:s6+$0x8630] =	vst.add.f32.msk $0xffff, v23  }
0x2d1: {  	v23 =	vld [tilespmem:s29+$0xFFFFFFC0];
	_ =	sdelay $0x2  }
0x2d2: {  	[tilespmem:s10+$0x8610] =	vst.add.f32.msk $0xffff, v16  }
0x2d3: {  	(v2sf) =	vpush v17, $0xC;
	v16 =	vld [tilespmem:s2+$0xFFFFFFA0]  }
0x2d4: {  	[tilespmem:s24+$0x8600] =	vst.add.f32.msk $0xffff, v23;
	(v2sf) =	vpush v18, $0x7  }
0x2d5: {  	v23 =	vld [tilespmem:s29+$0xFFFFFFD0];
	_ =	sdelay $0x2  }
0x2d6: {  	[tilespmem:s10+$0x8620] =	vst.add.f32.msk $0xffff, v16  }
0x2d7: {  	v16 =	vld [tilespmem:s2+$0xFFFFFFB0]  }
0x2d8: {  	[tilespmem:s24+$0x8610] =	vst.add.f32.msk $0xffff, v23  }
0x2d9: {  	v23 =	vld [tilespmem:s29+$0xFFFFFFE0];
	_ =	sdelay $0x2  }
0x2da: {  	[tilespmem:s10+$0x8630] =	vst.add.f32.msk $0xffff, v16  }
0x2db: {  	v16 =	vld [tilespmem:s2+$0xFFFFFFC0]  }
0x2dc: {  	[tilespmem:s24+$0x8620] =	vst.add.f32.msk $0xffff, v23  }
0x2dd: {  	v23 =	vld [tilespmem:s29+$0xFFFFFFF0]  }
0x2de: {  	s6 =	spop (v2sf)  }
0x2df: {  	s10 =	spop (v2sf)  }
0x2e0: {  	[tilespmem:s10+$0x8600] =	vst.add.f32.msk $0xffff, v16  }
0x2e1: {  	v16 =	vld [tilespmem:s2+$0xFFFFFFD0]  }
0x2e2: {  	[tilespmem:s24+$0x8630] =	vst.add.f32.msk $0xffff, v23  }
0x2e3: {  	v23 =	vld [tilespmem:s29+$0x0];
	_ =	sdelay $0x2  }
0x2e4: {  	[tilespmem:s10+$0x8610] =	vst.add.f32.msk $0xffff, v16  }
0x2e5: {  	(v2sf) =	vpush v17, $0xD;
	v16 =	vld [tilespmem:s2+$0xFFFFFFE0]  }
0x2e6: {  	[tilespmem:s18+$0x8600] =	vst.add.f32.msk $0xffff, v23;
	(v2sf) =	vpush v18, $0x8  }
0x2e7: {  	v23 =	vld [tilespmem:s29+$0x10];
	_ =	sdelay $0x2  }
0x2e8: {  	[tilespmem:s10+$0x8620] =	vst.add.f32.msk $0xffff, v16  }
0x2e9: {  	v16 =	vld [tilespmem:s2+$0xFFFFFFF0]  }
0x2ea: {  	[tilespmem:s18+$0x8610] =	vst.add.f32.msk $0xffff, v23  }
0x2eb: {  	v23 =	vld [tilespmem:s29+$0x20];
	_ =	sdelay $0x2  }
0x2ec: {  	[tilespmem:s10+$0x8630] =	vst.add.f32.msk $0xffff, v16  }
0x2ed: {  	v16 =	vld [tilespmem:s2+$0x0]  }
0x2ee: {  	[tilespmem:s18+$0x8620] =	vst.add.f32.msk $0xffff, v23  }
0x2ef: {  	v23 =	vld [tilespmem:s29+$0x30]  }
0x2f0: {  	s24 =	spop (v2sf)  }
0x2f1: {  	s10 =	spop (v2sf)  }
0x2f2: {  	[tilespmem:s10+$0x8600] =	vst.add.f32.msk $0xffff, v16  }
0x2f3: {  	v16 =	vld [tilespmem:s2+$0x10]  }
0x2f4: {  	[tilespmem:s18+$0x8630] =	vst.add.f32.msk $0xffff, v23  }
0x2f5: {  	v23 =	vld [tilespmem:s29+$0x40];
	_ =	sdelay $0x1  }
0x2f6: {  	[tilespmem:s25+$0x8600] =	vst.add.f32.msk $0xffff, v21  }
0x2f7: {  	[tilespmem:s10+$0x8610] =	vst.add.f32.msk $0xffff, v16  }
0x2f8: {  	(v2sf) =	vpush v17, $0xE;
	v16 =	vld [tilespmem:s2+$0x20]  }
0x2f9: {  	[tilespmem:s9+$0x8600] =	vst.add.f32.msk $0xffff, v23;
	(v2sf) =	vpush v18, $0x9  }
0x2fa: {  	v23 =	vld [tilespmem:s29+$0x50]  }
0x2fb: {  	v21 =	vld [tilespmem:s28+$0x90]  }
0x2fc: {  	[tilespmem:s31+$0x8620] =	vst.add.f32.msk $0xffff, v22  }
0x2fd: {  	[tilespmem:s10+$0x8620] =	vst.add.f32.msk $0xffff, v16  }
0x2fe: {  	v16 =	vld [tilespmem:s2+$0x30]  }
0x2ff: {  	[tilespmem:s9+$0x8610] =	vst.add.f32.msk $0xffff, v23  }
0x300: {  	v23 =	vld [tilespmem:s29+$0x60]  }
0x301: {  	[tilespmem:s25+$0x8610] =	vst.add.f32.msk $0xffff, v21  }
0x302: {  	v21 =	vld [tilespmem:s28+$0xA0]  }
0x303: {  	[tilespmem:s10+$0x8630] =	vst.add.f32.msk $0xffff, v16  }
0x304: {  	v16 =	vld [tilespmem:s2+$0x40]  }
0x305: {  	[tilespmem:s9+$0x8620] =	vst.add.f32.msk $0xffff, v23  }
0x306: {  	v23 =	vld [tilespmem:s29+$0x70]  }
0x307: {  	[tilespmem:s25+$0x8620] =	vst.add.f32.msk $0xffff, v21;
	s18 =	spop (v2sf)  }
0x308: {  	v21 =	vld [tilespmem:s28+$0xB0];
	s10 =	spop (v2sf)  }
0x309: {  	[tilespmem:s10+$0x8600] =	vst.add.f32.msk $0xffff, v16  }
0x30a: {  	v16 =	vld [tilespmem:s2+$0x50]  }
0x30b: {  	[tilespmem:s9+$0x8630] =	vst.add.f32.msk $0xffff, v23  }
0x30c: {  	v23 =	vld [tilespmem:s29+$0x80]  }
0x30d: {  	[tilespmem:s25+$0x8630] =	vst.add.f32.msk $0xffff, v21  }
0x30e: {  	v21 =	vld [tilespmem:s28+$0xC0]  }
0x30f: {  	[tilespmem:s10+$0x8610] =	vst.add.f32.msk $0xffff, v16  }
0x310: {  	(v2sf) =	vpush v17, $0xF;
	v16 =	vld [tilespmem:s2+$0x60]  }
0x311: {  	[tilespmem:s8+$0x8600] =	vst.add.f32.msk $0xffff, v23;
	(v2sf) =	vpush v18, $0xA  }
0x312: {  	v56 =	vld [tilespmem:s29+$0x90]  }
0x313: {  	[tilespmem:s23+$0x8600] =	vst.add.f32.msk $0xffff, v21  }
0x314: {  	v21 =	vld [tilespmem:s28+$0xD0]  }
0x315: {  	[tilespmem:s10+$0x8620] =	vst.add.f32.msk $0xffff, v16  }
0x316: {  	v17 =	vld [tilespmem:s2+$0x70]  }
0x317: {  	[tilespmem:s8+$0x8610] =	vst.add.f32.msk $0xffff, v56  }
0x318: {  	v22 =	vld [tilespmem:s29+$0xA0]  }
0x319: {  	[tilespmem:s23+$0x8610] =	vst.add.f32.msk $0xffff, v21  }
0x31a: {  	v21 =	vld [tilespmem:s28+$0xE0]  }
0x31b: {  	[tilespmem:s10+$0x8630] =	vst.add.f32.msk $0xffff, v17  }
0x31c: {  	v17 =	vld [tilespmem:s2+$0x80]  }
0x31d: {  	[tilespmem:s8+$0x8620] =	vst.add.f32.msk $0xffff, v22  }
0x31e: {  	v22 =	vld [tilespmem:s29+$0xB0]  }
0x31f: {  	v16 =	vld [tilespmem:s30+$0x1F0];
	s30 =	spop (v2sf)  }
0x320: {  	[tilespmem:s23+$0x8620] =	vst.add.f32.msk $0xffff, v21;
	s10 =	spop (v2sf)  }
0x321: {  	[tilespmem:s10+$0x8600] =	vst.add.f32.msk $0xffff, v17  }
0x322: {  	v17 =	vld [tilespmem:s2+$0x90]  }
0x323: {  	v21 =	vld [tilespmem:s28+$0xF0]  }
0x324: {  	[tilespmem:s8+$0x8630] =	vst.add.f32.msk $0xffff, v22  }
0x325: {  	v22 =	vld [tilespmem:s29+$0xC0];
	_ =	sdelay $0x1  }
0x326: {  	[tilespmem:s10+$0x8610] =	vst.add.f32.msk $0xffff, v17  }
0x327: {  	v17 =	vld [tilespmem:s2+$0xA0]  }
0x328: {  	[tilespmem:s23+$0x8630] =	vst.add.f32.msk $0xffff, v21;
	(v2sf) =	vpush v18, $0xB  }
0x329: {  	[tilespmem:s7+$0x8600] =	vst.add.f32.msk $0xffff, v22  }
0x32a: {  	v22 =	vld [tilespmem:s29+$0xD0]  }
0x32b: {  	v21 =	vld [tilespmem:s28+$0x100]  }
0x32c: {  	[tilespmem:s10+$0x8620] =	vst.add.f32.msk $0xffff, v17  }
0x32d: {  	v17 =	vld [tilespmem:s2+$0xB0];
	_ =	sdelay $0x1  }
0x32e: {  	[tilespmem:s7+$0x8610] =	vst.add.f32.msk $0xffff, v22  }
0x32f: {  	v22 =	vld [tilespmem:s29+$0xE0]  }
0x330: {  	[tilespmem:s19+$0x8600] =	vst.add.f32.msk $0xffff, v21  }
0x331: {  	[tilespmem:s10+$0x8630] =	vst.add.f32.msk $0xffff, v17  }
0x332: {  	v17 =	vld [tilespmem:s2+$0xC0]  }
0x333: {  	v21 =	vld [tilespmem:s28+$0x110]  }
0x334: {  	[tilespmem:s7+$0x8620] =	vst.add.f32.msk $0xffff, v22  }
0x335: {  	v22 =	vld [tilespmem:s29+$0xF0]  }
0x336: {  	s25 =	spop (v2sf)  }
0x337: {  	[tilespmem:s25+$0x8600] =	vst.add.f32.msk $0xffff, v17  }
0x338: {  	v17 =	vld [tilespmem:s2+$0xD0]  }
0x339: {  	[tilespmem:s19+$0x8610] =	vst.add.f32.msk $0xffff, v21  }
0x33a: {  	[tilespmem:s7+$0x8630] =	vst.add.f32.msk $0xffff, v22  }
0x33b: {  	v22 =	vld [tilespmem:s29+$0x100]  }
0x33c: {  	v21 =	vld [tilespmem:s28+$0x120]  }
0x33d: {  	[tilespmem:s25+$0x8610] =	vst.add.f32.msk $0xffff, v17  }
0x33e: {  	v17 =	vld [tilespmem:s2+$0xE0]  }
0x33f: {  	(v2sf) =	vpush v18, $0xC  }
0x340: {  	[tilespmem:s6+$0x8600] =	vst.add.f32.msk $0xffff, v22  }
0x341: {  	v22 =	vld [tilespmem:s29+$0x110]  }
0x342: {  	[tilespmem:s19+$0x8620] =	vst.add.f32.msk $0xffff, v21  }
0x343: {  	[tilespmem:s25+$0x8620] =	vst.add.f32.msk $0xffff, v17  }
0x344: {  	v17 =	vld [tilespmem:s2+$0xF0]  }
0x345: {  	v21 =	vld [tilespmem:s28+$0x130]  }
0x346: {  	[tilespmem:s6+$0x8610] =	vst.add.f32.msk $0xffff, v22  }
0x347: {  	v22 =	vld [tilespmem:s29+$0x120];
	_ =	sdelay $0x1  }
0x348: {  	[tilespmem:s25+$0x8630] =	vst.add.f32.msk $0xffff, v17  }
0x349: {  	v17 =	vld [tilespmem:s2+$0x100]  }
0x34a: {  	[tilespmem:s19+$0x8630] =	vst.add.f32.msk $0xffff, v21  }
0x34b: {  	[tilespmem:s6+$0x8620] =	vst.add.f32.msk $0xffff, v22  }
0x34c: {  	v22 =	vld [tilespmem:s29+$0x130]  }
0x34d: {  	v21 =	vld [tilespmem:s28+$0x140];
	s8 =	spop (v2sf)  }
0x34e: {  	[tilespmem:s8+$0x8600] =	vst.add.f32.msk $0xffff, v17  }
0x34f: {  	v17 =	vld [tilespmem:s2+$0x110];
	_ =	sdelay $0x1  }
0x350: {  	[tilespmem:s6+$0x8630] =	vst.add.f32.msk $0xffff, v22  }
0x351: {  	v22 =	vld [tilespmem:s29+$0x140]  }
0x352: {  	[tilespmem:s17+$0x8600] =	vst.add.f32.msk $0xffff, v21  }
0x353: {  	[tilespmem:s8+$0x8610] =	vst.add.f32.msk $0xffff, v17  }
0x354: {  	v17 =	vld [tilespmem:s2+$0x120]  }
0x355: {  	v21 =	vld [tilespmem:s28+$0x150];
	(v2sf) =	vpush v18, $0xD  }
0x356: {  	[tilespmem:s24+$0x8600] =	vst.add.f32.msk $0xffff, v22  }
0x357: {  	v62 =	vld [tilespmem:s29+$0x150];
	_ =	sdelay $0x1  }
0x358: {  	[tilespmem:s8+$0x8620] =	vst.add.f32.msk $0xffff, v17  }
0x359: {  	v17 =	vld [tilespmem:s2+$0x130]  }
0x35a: {  	[tilespmem:s17+$0x8610] =	vst.add.f32.msk $0xffff, v21  }
0x35b: {  	[tilespmem:s24+$0x8610] =	vst.add.f32.msk $0xffff, v62  }
0x35c: {  	v35 =	vld [tilespmem:s29+$0x160]  }
0x35d: {  	v57 =	vbroadcast v13, $0x0;
	v58 =	vbroadcast v13, $0x1;
	v29 =	vld [tilespmem:s28+$0x160]  }
0x35e: {  	v32 =	vbroadcast v15, $0xD;
	v37 =	vbroadcast v15, $0xE;
	[tilespmem:s8+$0x8630] =	vst.add.f32.msk $0xffff, v17  }
0x35f: {  	v39 =	vbroadcast v13, $0x7;
	v15 =	vbroadcast v15, $0xF;
	v59 =	vld [tilespmem:s2+$0x140]  }
0x360: {  	v42 =	vbroadcast v13, $0x8;
	v44 =	vbroadcast v13, $0x9  }
0x361: {  	v47 =	vbroadcast v12, $0x0;
	v48 =	vbroadcast v12, $0x1;
	[tilespmem:s24+$0x8620] =	vst.add.f32.msk $0xffff, v35  }
0x362: {  	v63 =	vsel vm2, $0x3F800000, v2;
	v50 =	vbroadcast v13, $0xA;
	v52 =	vbroadcast v12, $0x2;
	v24 =	vld [tilespmem:s29+$0x170]  }
0x363: {  	v54 =	vbroadcast v12, $0x3;
	v55 =	vbroadcast v13, $0xB;
	v19 =	vadd.f32 v19, v63;
	[tilespmem:s17+$0x8620] =	vst.add.f32.msk $0xffff, v29;
	s9 =	spop (v2sf)  }
0x364: {  	vm3 =	veq.s32 v57, v1;
	vm4 =	veq.s32 v58, v1;
	v17 =	vbroadcast v13, $0x2;
	[tilespmem:s9+$0x8600] =	vst.add.f32.msk $0xffff, v59  }
0x365: {  	v58 =	vbroadcast v12, $0x4;
	v60 =	vsel vm3, $0x3F800000, v2;
	v25 =	vsel vm4, $0x3F800000, v2;
	v31 =	vld [tilespmem:s2+$0x150]  }
0x366: {  	v61 =	vadd.f32 v25, v60;
	v38 =	vld [tilespmem:s28+$0x170];
	vm3 =	veq.s32 v17, v1;
	v17 =	vbroadcast v13, $0x3  }
0x367: {  	v35 =	vbroadcast v13, $0xE;
	[tilespmem:s24+$0x8630] =	vst.add.f32.msk $0xffff, v24;
	(v2sf) =	vpush v18, $0xE;
	v28 =	vsel vm3, $0x3F800000, v2  }
0x368: {  	v51 =	vld [tilespmem:s29+$0x180];
	vm3 =	veq.s32 v20, v1;
	vm2 =	veq.s32 v17, v1;
	v17 =	vbroadcast v13, $0x4  }
0x369: {  	v21 =	vadd.f32 v61, v28;
	v33 =	vsel vm3, $0x3F800000, v2;
	vm3 =	veq.s32 v32, v1  }
0x36a: {  	v30 =	vsel vm2, $0x3F800000, v2;
	vm2 =	veq.s32 v17, v1;
	v17 =	vbroadcast v13, $0x5;
	[tilespmem:s9+$0x8610] =	vst.add.f32.msk $0xffff, v31  }
0x36b: {  	v61 =	vbroadcast v13, $0xC;
	v28 =	vbroadcast v12, $0x5;
	v20 =	vadd.f32 v21, v30;
	v41 =	vld [tilespmem:s2+$0x160]  }
0x36c: {  	[tilespmem:s17+$0x8630] =	vst.add.f32.msk $0xffff, v38;
	v34 =	vsel vm2, $0x3F800000, v2;
	vm2 =	veq.s32 v17, v1;
	v17 =	vbroadcast v13, $0x6  }
0x36d: {  	[tilespmem:s18+$0x8600] =	vst.add.f32.msk $0xffff, v51;
	v19 =	vadd.f32 v19, v33;
	v20 =	vadd.f32 v20, v34;
	v36 =	vsel vm2, $0x3F800000, v2  }
0x36e: {  	v62 =	vld [tilespmem:s29+$0x190];
	vm2 =	veq.s32 v17, v1;
	v17 =	vsel vm3, $0x3F800000, v2;
	vm3 =	veq.s32 v39, v1  }
0x36f: {  	v20 =	vadd.f32 v20, v36;
	v43 =	vsel vm3, $0x3F800000, v2;
	vm3 =	veq.s32 v15, v1;
	v15 =	vld [tilespmem:s28+$0x180]  }
0x370: {  	v33 =	vbroadcast v12, $0x6;
	v40 =	vsel vm2, $0x3F800000, v2;
	vm2 =	veq.s32 v37, v1;
	[tilespmem:s9+$0x8620] =	vst.add.f32.msk $0xffff, v41  }
0x371: {  	v17 =	vadd.f32 v19, v17;
	v20 =	vadd.f32 v20, v40;
	v19 =	vsel vm2, $0x3F800000, v2;
	v49 =	vld [tilespmem:s2+$0x170]  }
0x372: {  	vm2 =	veq.s32 v42, v1;
	v45 =	vsel vm3, $0x3F800000, v2;
	vm3 =	veq.s32 v48, v1  }
0x373: {  	[tilespmem:s18+$0x8610] =	vst.add.f32.msk $0xffff, v62;
	v31 =	vbroadcast v13, $0xD;
	v13 =	vbroadcast v13, $0xF;
	v17 =	vadd.f32 v17, v19  }
0x374: {  	v36 =	vld [tilespmem:s29+$0x1A0];
	v19 =	vsel vm2, $0x3F800000, v2;
	vm2 =	veq.s32 v44, v1;
	v22 =	vsel vm3, $0x3F800000, v2  }
0x375: {  	vm3 =	veq.s32 v52, v1;
	v20 =	vadd.f32 v20, v43;
	v46 =	vsel vm2, $0x3F800000, v2;
	[tilespmem:s0+$0x8600] =	vst.add.f32.msk $0xffff, v15  }
0x376: {  	vm2 =	veq.s32 v47, v1;
	v57 =	vsel vm3, $0x3F800000, v2;
	vm3 =	veq.s32 v55, v1;
	[tilespmem:s9+$0x8630] =	vst.add.f32.msk $0xffff, v49  }
0x377: {  	v17 =	vadd.f32 v17, v45;
	v19 =	vadd.f32 v20, v19;
	v15 =	vsel vm2, $0x3F800000, v2;
	v59 =	vld [tilespmem:s2+$0x180]  }
0x378: {  	v63 =	vsel vm3, $0x3F800000, v2;
	vm2 =	veq.s32 v50, v1;
	v15 =	vadd.f32 v22, v15  }
0x379: {  	v53 =	vld [tilespmem:s28+$0x190];
	v56 =	vsel vm2, $0x3F800000, v2;
	vm2 =	veq.s32 v54, v1;
	v19 =	vadd.f32 v19, v46  }
0x37a: {  	[tilespmem:s31+$0x8630] =	vst.add.f32.msk $0xffff, v16;
	v60 =	vsel vm2, $0x3F800000, v2;
	vm2 =	veq.s32 v58, v1;
	v15 =	vadd.f32 v15, v57  }
0x37b: {  	s10 =	spop (v2sf);
	[tilespmem:s18+$0x8620] =	vst.add.f32.msk $0xffff, v36;
	v29 =	vsel vm2, $0x3F800000, v2;
	vm2 =	veq.s32 v61, v1;
	v19 =	vadd.f32 v19, v56  }
0x37c: {  	v32 =	vsel vm2, $0x3F800000, v2;
	vm2 =	veq.s32 v28, v1;
	v15 =	vadd.f32 v15, v60;
	[tilespmem:s10+$0x8600] =	vst.add.f32.msk $0xffff, v59  }
0x37d: {  	v34 =	vsel vm2, $0x3F800000, v2;
	vm2 =	veq.s32 v31, v1;
	v19 =	vadd.f32 v19, v63;
	v25 =	vld [tilespmem:s2+$0x190]  }
0x37e: {  	[tilespmem:s0+$0x8610] =	vst.add.f32.msk $0xffff, v53;
	v22 =	vsel vm2, $0x3F800000, v2;
	vm2 =	veq.s32 v33, v1;
	v15 =	vadd.f32 v15, v29  }
0x37f: {  	v30 =	vld [tilespmem:s28+$0x1A0];
	v38 =	vsel vm2, $0x3F800000, v2;
	vm2 =	veq.s32 v13, v1;
	v13 =	vbroadcast v12, $0x8  }
0x380: {  	v37 =	vbroadcast v12, $0x7;
	[tilespmem:s16+$0x0] =	vst.add.f32.msk $0xffff, v17;
	v19 =	vadd.f32 v19, v32  }
0x381: {  	v41 =	vsel vm2, $0x3F800000, v2;
	v15 =	vadd.f32 v15, v34;
	vm2 =	veq.s32 v13, v1;
	v13 =	vld [tilespmem:s29+$0x1B0]  }
0x382: {  	vm3 =	veq.s32 v35, v1;
	v45 =	vbroadcast v14, $0x1;
	v19 =	vadd.f32 v19, v22;
	[tilespmem:s10+$0x8610] =	vst.add.f32.msk $0xffff, v25  }
0x383: {  	v40 =	vsel vm3, $0x3F800000, v2;
	vm3 =	veq.s32 v37, v1;
	v15 =	vadd.f32 v15, v38;
	v43 =	vld [tilespmem:s2+$0x1A0]  }
0x384: {  	(v2sf) =	vpush v18, $0xF;
	v42 =	vsel vm3, $0x3F800000, v2;
	[tilespmem:s0+$0x8620] =	vst.add.f32.msk $0xffff, v30;
	v19 =	vadd.f32 v19, v40  }
0x385: {  	v44 =	vbroadcast v14, $0x0;
	vm3 =	veq.s32 v45, v1;
	v39 =	vld [tilespmem:s28+$0x1B0];
	v15 =	vadd.f32 v15, v42  }
0x386: {  	v18 =	vsel vm2, $0x3F800000, v2;
	v16 =	vadd.f32 v19, v41;
	v19 =	vbroadcast v12, $0x9;
	[tilespmem:s18+$0x8630] =	vst.add.f32.msk $0xffff, v13  }
0x387: {  	vm2 =	veq.s32 v44, v1;
	v15 =	vadd.f32 v15, v18;
	v18 =	vbroadcast v14, $0x2;
	v17 =	vld [tilespmem:s29+$0x1C0]  }
0x388: {  	v46 =	vsel vm2, $0x3F800000, v2;
	vm2 =	veq.s32 v19, v1;
	v19 =	vsel vm3, $0x3F800000, v2;
	[tilespmem:s10+$0x8620] =	vst.add.f32.msk $0xffff, v43  }
0x389: {  	v19 =	vadd.f32 v19, v46;
	vm3 =	veq.s32 v18, v1;
	v18 =	vbroadcast v14, $0x3;
	v47 =	vld [tilespmem:s2+$0x1B0]  }
0x38a: {  	v13 =	vbroadcast v12, $0xA;
	v48 =	vsel vm2, $0x3F800000, v2;
	[tilespmem:s0+$0x8630] =	vst.add.f32.msk $0xffff, v39;
	v49 =	vsel vm3, $0x3F800000, v2  }
0x38b: {  	v50 =	vld [tilespmem:s28+$0x1C0];
	v19 =	vadd.f32 v19, v49;
	vm2 =	veq.s32 v18, v1;
	v18 =	vbroadcast v14, $0x4  }
0x38c: {  	v15 =	vadd.f32 v15, v48;
	vm3 =	veq.s32 v13, v1;
	v13 =	vsel vm2, $0x3F800000, v2;
	[tilespmem:s30+$0x8600] =	vst.add.f32.msk $0xffff, v17  }
0x38d: {  	v13 =	vadd.f32 v19, v13;
	vm2 =	veq.s32 v18, v1;
	v18 =	vbroadcast v14, $0x5;
	v55 =	vld [tilespmem:s29+$0x1D0]  }
0x38e: {  	v51 =	vsel vm3, $0x3F800000, v2;
	v19 =	vbroadcast v12, $0xB;
	v52 =	vsel vm2, $0x3F800000, v2;
	[tilespmem:s10+$0x8630] =	vst.add.f32.msk $0xffff, v47  }
0x38f: {  	v13 =	vadd.f32 v13, v52;
	vm2 =	veq.s32 v18, v1;
	v18 =	vbroadcast v14, $0x6;
	v20 =	vld [tilespmem:s2+$0x1C0]  }
0x390: {  	v15 =	vadd.f32 v15, v51;
	vm3 =	veq.s32 v19, v1;
	[tilespmem:s12+$0x8600] =	vst.add.f32.msk $0xffff, v50;
	v19 =	vsel vm2, $0x3F800000, v2  }
0x391: {  	v53 =	vld [tilespmem:s28+$0x1D0];
	v13 =	vadd.f32 v13, v19;
	vm2 =	veq.s32 v18, v1;
	v18 =	vbroadcast v14, $0x7  }
0x392: {  	v17 =	vbroadcast v12, $0xC;
	v19 =	vsel vm3, $0x3F800000, v2;
	v54 =	vsel vm2, $0x3F800000, v2;
	[tilespmem:s30+$0x8610] =	vst.add.f32.msk $0xffff, v55  }
0x393: {  	s17 =	spop (v2sf);
	v13 =	vadd.f32 v13, v54;
	vm2 =	veq.s32 v18, v1;
	v18 =	vbroadcast v14, $0x8;
	v59 =	vld [tilespmem:s29+$0x1E0]  }
0x394: {  	vm3 =	veq.s32 v17, v1;
	v15 =	vadd.f32 v15, v19;
	v17 =	vsel vm2, $0x3F800000, v2;
	[tilespmem:s17+$0x8600] =	vst.add.f32.msk $0xffff, v20  }
0x395: {  	v13 =	vadd.f32 v13, v17;
	vm2 =	veq.s32 v18, v1;
	v17 =	vbroadcast v14, $0x9;
	v18 =	vld [tilespmem:s2+$0x1D0]  }
0x396: {  	v19 =	vbroadcast v12, $0xD;
	v56 =	vsel vm3, $0x3F800000, v2;
	v57 =	vsel vm2, $0x3F800000, v2  }
0x397: {  	[tilespmem:s12+$0x8610] =	vst.add.f32.msk $0xffff, v53;
	v13 =	vadd.f32 v13, v57;
	vm2 =	veq.s32 v17, v1;
	v17 =	vbroadcast v14, $0xA  }
0x398: {  	v15 =	vadd.f32 v15, v56;
	vm3 =	veq.s32 v19, v1;
	v58 =	vld [tilespmem:s28+$0x1E0];
	v19 =	vsel vm2, $0x3F800000, v2  }
0x399: {  	[tilespmem:s30+$0x8620] =	vst.add.f32.msk $0xffff, v59;
	v13 =	vadd.f32 v13, v19;
	vm2 =	veq.s32 v17, v1;
	v17 =	vbroadcast v14, $0xB  }
0x39a: {  	v60 =	vsel vm3, $0x3F800000, v2;
	v19 =	vbroadcast v12, $0xE;
	v61 =	vsel vm2, $0x3F800000, v2;
	[tilespmem:s17+$0x8610] =	vst.add.f32.msk $0xffff, v18  }
0x39b: {  	v13 =	vadd.f32 v13, v61;
	vm2 =	veq.s32 v17, v1;
	v17 =	vbroadcast v14, $0xC;
	v18 =	vld [tilespmem:s2+$0x1E0]  }
0x39c: {  	v15 =	vadd.f32 v15, v60;
	v63 =	vld [tilespmem:s29+$0x1F0];
	vm3 =	veq.s32 v19, v1;
	v19 =	vsel vm2, $0x3F800000, v2  }
0x39d: {  	[tilespmem:s12+$0x8620] =	vst.add.f32.msk $0xffff, v58;
	v13 =	vadd.f32 v13, v19;
	vm2 =	veq.s32 v17, v1;
	v17 =	vbroadcast v14, $0xD  }
0x39e: {  	v12 =	vbroadcast v12, $0xF;
	v22 =	vld [tilespmem:s28+$0x1F0];
	v19 =	vsel vm3, $0x3F800000, v2;
	v62 =	vsel vm2, $0x3F800000, v2  }
0x39f: {  	v13 =	vadd.f32 v13, v62;
	vm2 =	veq.s32 v17, v1;
	v17 =	vbroadcast v14, $0xE  }
0x3a0: {  	vm3 =	veq.s32 v12, v1;
	v15 =	vadd.f32 v15, v19;
	v12 =	vsel vm2, $0x3F800000, v2;
	[tilespmem:s17+$0x8620] =	vst.add.f32.msk $0xffff, v18  }
0x3a1: {  	v14 =	vbroadcast v14, $0xF;
	v12 =	vadd.f32 v13, v12;
	vm2 =	veq.s32 v17, v1;
	v13 =	vld [tilespmem:s2+$0x1F0]  }
0x3a2: {  	[tilespmem:s30+$0x8630] =	vst.add.f32.msk $0xffff, v63;
	v17 =	vsel vm3, $0x3F800000, v2;
	v18 =	vsel vm2, $0x3F800000, v2  }
0x3a3: {  	[tilespmem:s12+$0x8630] =	vst.add.f32.msk $0xffff, v22;
	v15 =	vadd.f32 v15, v17;
	vm2 =	veq.s32 v14, v1;
	v12 =	vadd.f32 v12, v18  }
0x3a4: {  	[tilespmem:s16+$0x0] =	vst.add.f32.msk $0xffff, v16;
	v14 =	vsel vm2, $0x3F800000, v2  }
0x3a5: {  	[tilespmem:s16+$0x0] =	vst.add.f32.msk $0xffff, v15;
	v12 =	vadd.f32 v12, v14  }
0x3a6: {  	[tilespmem:s17+$0x8630] =	vst.add.f32.msk $0xffff, v13  }
0x3a7: {  	[tilespmem:s16+$0x0] =	vst.add.f32.msk $0xffff, v12  }
0x3a8: {  	_ =	strace $0x9000004A  }
0x3a9: {  	s23 =	simm.s32 $0x8600;
	_ =	strace $0x8000004B  }
0x3aa: {  	s19 =	simm.s32 $0x9610;
	s18 =	simm.s32 $0x50;
	[bflag:$0x0] =	sbarrier.arrive $0xFFFF  }
0x3ab: {  	[spmem:s1] =	stream.indirect.scatter.add.f32 [tilespmem:s23], [sflag:$0x2], $0x10, s19, s18, $0x2000b8;
	[tilespmem:$0x9700] =	vst v63  }
0x3ac: {  	_ =	swait.ge [sflag:s13], $0x500  }
0x3ad: {  	[sflag:s13] =	ssyncset.done $0x0  }
0x3ae: {  	[sflag:s13] =	ssyncadd.s32 $0xFFFFFB00  }
0x3af: {  	[bflag:$0x0] =	sbarrier.arrive $0xFFFF  }
0x3b0: {  	[tilespmem:s20], [sflag:$0x2] =	stream.linear.gather [spmem:s1], $0x500, $0x200038;
	[tilespmem:$0x9700] =	vst v63  }
0x3b1: {  	_ =	swait.ge [sflag:s13], $0x500  }
0x3b2: {  	[sflag:s13] =	ssyncset.done $0x0  }
0x3b3: {  	[sflag:s13] =	ssyncadd.s32 $0xFFFFFB00  }
0x3b4: {  	_ =	strace $0x9000004B  }
0x3b5: {  	v12 =	vld [tilespmem:$0x8F00];
	_ =	sdelay $0x4  }
0x3b6: {  	vm2 =	vgt.f32 v12, $0.0e+00  }
0x3b7: {  	v13 =	vsel vm2, $0x3F800000, v2  }
0x3b8: {  	(xrf2) =	vadd.scan.msk.f32 $0xffff, v13;
	_ =	sdelay $0x4  }
0x3b9: {  	(erf) = vrcp.f32 v12;
	_ =	sdelay $0x1  }
0x3ba: {  	s24 =	simm.s32 $0x0  }
0x3bb: {  	s25 =	simm.s32 $0x0;
	v12 =	vmov s24  }
0x3bc: {  	v14 =	vmov s25;
	v12 =	vand.u32 $0xF, v12  }
0x3bd: {  	v14 =	vshll.u32 v14, $0x4;
	v15 =	vbroadcast v12, $0x0;
	v13, _, _ =	vpop (xrf2)  }
0x3be: {  	v14 =	vadd.s32 v10, v14;
	v12 =	vbroadcast v13, $0xF  }
0x3bf: {  	v14 =	vor.u32 v15, v14  }
0x3c0: {  	s28 =	simm.s32 $0x1;
	vm2 =	vgt.f32 v12, v9  }
0x3c1: {  	s29 =	simm.s32 $0x0;
	v16 =	vmov s28;
	v15 =	vpop (erf);
	vm3 =	vmand vm2, vm0  }
0x3c2: {  	v17 =	vmov s29;
	v16 =	vand.u32 $0xF, v16;
	v15 =	vnsel vm3, $0x0, v15  }
0x3c3: {  	v17 =	vshll.u32 v17, $0x4;
	v16 =	vbroadcast v16, $0x0;
	[tilespmem:$0x9400] =	vst v15  }
0x3c4: {  	v17 =	vadd.s32 v10, v17;
	v14 =	vld.idx.msk [tilespmem:v14+s20+$0x0], $0xffff  }
0x3c5: {  	s30 =	simm.s32 $0x2;
	v16 =	vor.u32 v16, v17  }
0x3c6: {  	s31 =	simm.s32 $0x0;
	v17 =	vmov s30  }
0x3c7: {  	v17 =	vand.u32 $0xF, v17;
	v18 =	vmov s31  }
0x3c8: {  	v17 =	vbroadcast v17, $0x0;
	v18 =	vshll.u32 v18, $0x4  }
0x3c9: {  	v18 =	vadd.s32 v10, v18;
	v19 =	vmul.f32 v14, v15  }
0x3ca: {  	s0 =	simm.s32 $0x9000;
	v14 =	vld.idx.msk [tilespmem:v16+s20+$0x0], $0xffff;
	v16 =	vor.u32 v17, v18  }
0x3cb: {  	s2 =	simm.s32 $0x3;
	[tilespmem:s0+$0x0] =	vst v19  }
.LBB2_12:
0x3cc: {  	s6 =	sshrl.u32 s2, $0x4;
	v17 =	vmov s2;
	p3 =	sne.s32 s2, $0x3F;
	s2 =	sadd.s32 $0x1, s2  }
.Ltmp5:
0x3cd: {  	v18 =	vmov s6;
	v17 =	vand.u32 $0xF, v17;
	(pc) =	sbr.rel @p3 .LBB2_12-.Ltmp5, $4  }
0x3ce: {  	v18 =	vshll.u32 v18, $0x4;
	v17 =	vbroadcast v17, $0x0  }
0x3cf: {  	v19 =	vmul.f32 v14, v15;
	v18 =	vadd.s32 v10, v18;
	v14 =	vld.idx.msk [tilespmem:v16+s20+$0x0], $0xffff  }
0x3d0: {  	s0 =	sadd.s32 $0x10, s0;
	v16 =	vor.u32 v17, v18  }
0x3d1: {  	[tilespmem:s0+$0x0] =	vst v19  }
0x3d2: {  	_ =	sdelay $0x3  }
0x3d3: {  	v16 =	vld.idx.msk [tilespmem:v16+s20+$0x0], $0xffff;
	_ =	sdelay $0x3  }
0x3d4: {  	v14 =	vmul.f32 v14, v15  }
0x3d5: {  	s0 =	sadd.s32 $0x10, s0;
	v16 =	vmul.f32 v16, v15  }
0x3d6: {  	[tilespmem:s0+$0x0] =	vst v14;
	s0 =	sadd.s32 $0x10, s0  }
0x3d7: {  	[tilespmem:s0+$0x0] =	vst v16  }
0x3d8: {  	v14 =	vimm.f32 $0.0e+00;
	s0 =	simm.s32 $0x0;
	v16 =	vimm.f32 $0.0e+00;
	_ =	strace $0x8000004C  }
.LBB2_14:
0x3d9: {  	s7 =	simm.s32 $0x9040  }
0x3da: {  	s2 =	sshll.u32 s0, $0x4;
	v21 =	vld [tilespmem:s7+$0x20]  }
0x3db: {  	s6 =	sor.u32 s5, s2;
	v22 =	vld [tilespmem:s7+$0x30]  }
0x3dc: {  	v17 =	vld [tilespmem:s6+$0x8000];
	s6 =	sshll.u32 s6, $0x6  }
0x3dd: {  	s12 =	simm.s32 $0x4;
	v23 =	vld [tilespmem:s7+$0x0];
	v18 =	vor.u32 s6, v10  }
0x3de: {  	s8 =	simm.s32 $0x0;
	v28 =	vld [tilespmem:s7+$0x10];
	v19 =	vor.u32 s12, v18  }
0x3df: {  	s17 =	simm.s32 $0x1;
	v24 =	vld [tilespmem:s7+$0xFFFFFFE0];
	v20 =	vor.u32 s8, v18  }
0x3e0: {  	s18 =	simm.s32 $0x2;
	v33 =	vld [tilespmem:s7+$0xFFFFFFF0];
	v25 =	vor.u32 s17, v18  }
0x3e1: {  	s19 =	simm.s32 $0x3;
	v27 =	vld [tilespmem:s7+$0xFFFFFFC0];
	v26 =	vor.u32 s18, v18  }
0x3e2: {  	s23 =	simm.s32 $0x5;
	v30 =	vld [tilespmem:s7+$0xFFFFFFD0];
	v29 =	vor.u32 s19, v18  }
0x3e3: {  	s25 =	simm.s32 $0x6;
	v31 =	vor.u32 s23, v18;
	v35 =	vld.idx.msk [tilespmem:v19+s4+$0x0], $0xffff  }
0x3e4: {  	s24 =	simm.s32 $0x7;
	v37 =	vor.u32 s25, v18;
	v34 =	vld.idx.msk [tilespmem:v20+s4+$0x0], $0xffff  }
0x3e5: {  	v32 =	vor.u32 s24, v18;
	v19 =	vshrl.u32 v17, $0x1B;
	v36 =	vld.idx.msk [tilespmem:v25+s4+$0x0], $0xffff  }
0x3e6: {  	v38 =	vld.idx.msk [tilespmem:v26+s4+$0x0], $0xffff;
	v19 =	vand.u32 $0x10, v19  }
0x3e7: {  	s28 =	simm.s32 $0xA;
	s29 =	simm.s32 $0xC;
	v39 =	vld.idx.msk [tilespmem:v29+s4+$0x0], $0xffff;
	v19 =	vadd.s32 v17, v19  }
0x3e8: {  	s30 =	simm.s32 $0x8;
	v20 =	vor.u32 s28, v18;
	v26 =	vor.u32 s29, v18;
	v40 =	vld.idx.msk [tilespmem:v31+s4+$0x0], $0xffff;
	v29 =	vperm.xlane v21, v19  }
0x3e9: {  	s31 =	simm.s32 $0x9;
	v25 =	vor.u32 s30, v18;
	v31 =	vld.idx.msk [tilespmem:v37+s4+$0x0], $0xffff;
	v21 =	vperm.xlane v27, v19;
	v41 =	vperm.xlane v30, v19  }
0x3ea: {  	s6 =	simm.s32 $0x90C0;
	v30 =	vld.idx.msk [tilespmem:v32+s4+$0x0], $0xffff;
	v27 =	vor.u32 s31, v18;
	v42 =	vperm.xlane v24, v19;
	v32 =	vperm.xlane v22, v19  }
0x3eb: {  	v24 =	vld [tilespmem:s6+$0x20];
	v33 =	vperm.xlane v33, v19;
	v34 =	vsub.f32 v34, v21;
	v36 =	vsub.f32 v36, v41  }
0x3ec: {  	v22 =	vld [tilespmem:s6+$0x30];
	v61 =	vperm.xlane v23, v19;
	v28 =	vperm.xlane v28, v19;
	v60 =	vsub.f32 v38, v42  }
0x3ed: {  	v23 =	vld [tilespmem:s6+$0x10];
	v39 =	vsub.f32 v39, v33;
	v62 =	vmul.f32 v34, v34;
	v63 =	vmul.f32 v36, v36  }
0x3ee: {  	v21 =	vld [tilespmem:s6+$0x0];
	v33 =	vsub.f32 v40, v28;
	v34 =	vmul.f32 v60, v60;
	v36 =	vsub.f32 v35, v61  }
0x3ef: {  	s7 =	simm.s32 $0xF;
	s8 =	simm.s32 $0x17;
	v28 =	vld [tilespmem:s6+$0xFFFFFFE0];
	v37 =	vmul.f32 v39, v39;
	v38 =	vadd.f32 v62, v16;
	v35 =	vadd.f32 v63, v16  }
.LBB2_15:
0x3f0: {  	p3 =	sne.s32 s8, $0x3F;
	v39 =	vld [tilespmem:s6+$0xFFFFFFF0];
	v36 =	vmul.f32 v36, v36;
	v29 =	vsub.f32 v31, v29;
	v30 =	vsub.f32 v30, v32  }
0x3f1: {  	s9 =	sadd.s32 $0xFFFFFFFC, s7;
	s10 =	sadd.s32 $0xFFFFFFFE, s7;
	v33 =	vmul.f32 v33, v33;
	v31 =	vld [tilespmem:s6+$0xFFFFFFC0];
	v32 =	vadd.f32 v34, v38;
	v34 =	vadd.f32 v37, v35  }
0x3f2: {  	v37 =	vor.u32 s9, v18;
	v38 =	vor.u32 s10, v18;
	v35 =	vld [tilespmem:s6+$0xFFFFFFD0];
	v30 =	vmul.f32 v30, v30  }
0x3f3: {  	v29 =	vmul.f32 v29, v29;
	v40 =	vld.idx.msk [tilespmem:v26+s4+$0x0], $0xffff;
	v26 =	vadd.f32 v36, v32;
	v32 =	vadd.f32 v33, v34  }
0x3f4: {  	s9 =	sadd.s32 $0xFFFFFFFF, s7;
	v34 =	vor.u32 s7, v18;
	s7 =	smov.u32 s8;
	v33 =	vld.idx.msk [tilespmem:v25+s4+$0x0], $0xffff  }
0x3f5: {  	v41 =	vor.u32 s9, v18;
	v36 =	vld.idx.msk [tilespmem:v27+s4+$0x0], $0xffff;
	v42 =	vadd.f32 v29, v26;
	v43 =	vadd.f32 v30, v32  }
0x3f6: {  	v44 =	vld.idx.msk [tilespmem:v20+s4+$0x0], $0xffff  }
0x3f7: {  	s10 =	sadd.s32 $0xFFFFFFFD, s8;
	s9 =	sadd.s32 $0xFFFFFFFB, s8;
	v37 =	vld.idx.msk [tilespmem:v37+s4+$0x0], $0xffff  }
0x3f8: {  	s12 =	sadd.s32 $0xFFFFFFF9, s8;
	v26 =	vor.u32 s10, v18;
	v29 =	vperm.xlane v24, v19;
	v20 =	vor.u32 s9, v18;
	v38 =	vld.idx.msk [tilespmem:v38+s4+$0x0], $0xffff  }
0x3f9: {  	v25 =	vor.u32 s12, v18;
	s9 =	sadd.s32 $0xFFFFFFFA, s8;
	v45 =	vperm.xlane v31, v19;
	v35 =	vperm.xlane v35, v19;
	v30 =	vld.idx.msk [tilespmem:v34+s4+$0x0], $0xffff  }
0x3fa: {  	s6 =	sadd.s32 $0x80, s6;
	v28 =	vperm.xlane v28, v19;
	v32 =	vperm.xlane v22, v19;
	v27 =	vor.u32 s9, v18;
	v31 =	vld.idx.msk [tilespmem:v41+s4+$0x0], $0xffff  }
.Ltmp6:
0x3fb: {  	v33 =	vsub.f32 v33, v45;
	v34 =	vsub.f32 v36, v35;
	v35 =	vperm.xlane v39, v19;
	v24 =	vld [tilespmem:s6+$0x20];
	(pc) =	sbr.rel @p3 .LBB2_15-.Ltmp6, $4  }
0x3fc: {  	v36 =	vperm.xlane v21, v19;
	v39 =	vperm.xlane v23, v19;
	v28 =	vsub.f32 v44, v28;
	v22 =	vld [tilespmem:s6+$0x30]  }
0x3fd: {  	v41 =	vmul.f32 v33, v33;
	v44 =	vmul.f32 v34, v34;
	v37 =	vsub.f32 v37, v35;
	v21 =	vld [tilespmem:s6+$0x0]  }
0x3fe: {  	v36 =	vsub.f32 v40, v36;
	v34 =	vmul.f32 v28, v28;
	v33 =	vsub.f32 v38, v39;
	v23 =	vld [tilespmem:s6+$0x10]  }
0x3ff: {  	s8 =	sadd.s32 $0x8, s8;
	v38 =	vadd.f32 v41, v42;
	v35 =	vadd.f32 v44, v43;
	v37 =	vmul.f32 v37, v37;
	v28 =	vld [tilespmem:s6+$0xFFFFFFE0]  }
0x400: {  	_ = 	snop  }
0x401: {  	v39 =	vld [tilespmem:s6+$0xFFFFFFF0]  }
0x402: {  	v40 =	vld [tilespmem:s6+$0xFFFFFFC0];
	s8 =	sadd.s32 $0xFFFFFFFC, s7  }
0x403: {  	s9 =	sadd.s32 $0xFFFFFFFE, s7;
	v41 =	vld [tilespmem:s6+$0xFFFFFFD0];
	v42 =	vor.u32 s8, v18  }
0x404: {  	v29 =	vsub.f32 v31, v29;
	v30 =	vsub.f32 v30, v32;
	v26 =	vld.idx.msk [tilespmem:v26+s4+$0x0], $0xffff;
	v49 =	vor.u32 s9, v18  }
0x405: {  	v50 =	vmul.f32 v36, v36;
	v25 =	vld.idx.msk [tilespmem:v25+s4+$0x0], $0xffff;
	s31 =	sadd.s32 $0xFFFFFFFF, s7;
	v51 =	vor.u32 s7, v18;
	v33 =	vmul.f32 v33, v33  }
0x406: {  	v27 =	vld.idx.msk [tilespmem:v27+s4+$0x0], $0xffff;
	v24 =	vperm.xlane v24, v19;
	v34 =	vadd.f32 v34, v38;
	v18 =	vor.u32 s31, v18  }
0x407: {  	v20 =	vld.idx.msk [tilespmem:v20+s4+$0x0], $0xffff;
	v35 =	vadd.f32 v37, v35;
	v22 =	vperm.xlane v22, v19;
	v29 =	vmul.f32 v29, v29  }
0x408: {  	v30 =	vmul.f32 v30, v30;
	v21 =	vperm.xlane v21, v19;
	v32 =	vadd.f32 v50, v34;
	v52 =	vld.idx.msk [tilespmem:v42+s4+$0x0], $0xffff  }
0x409: {  	v53 =	vperm.xlane v40, v19;
	v54 =	vperm.xlane v41, v19;
	v31 =	vld.idx.msk [tilespmem:v49+s4+$0x0], $0xffff  }
0x40a: {  	v33 =	vadd.f32 v33, v35;
	v28 =	vperm.xlane v28, v19;
	v29 =	vadd.f32 v29, v32;
	v55 =	vld.idx.msk [tilespmem:v51+s4+$0x0], $0xffff  }
0x40b: {  	v56 =	vperm.xlane v39, v19;
	v18 =	vld.idx.msk [tilespmem:v18+s4+$0x0], $0xffff;
	v25 =	vsub.f32 v25, v53;
	v27 =	vsub.f32 v27, v54  }
0x40c: {  	v30 =	vadd.f32 v30, v33;
	v19 =	vperm.xlane v23, v19;
	v20 =	vsub.f32 v20, v28  }
0x40d: {  	v57 =	vmul.f32 v25, v25;
	v58 =	vmul.f32 v27, v27;
	v59 =	vsub.f32 v52, v56  }
0x40e: {  	v21 =	vsub.f32 v26, v21;
	v20 =	vmul.f32 v20, v20;
	v19 =	vsub.f32 v31, v19  }
0x40f: {  	v23 =	vadd.f32 v57, v29;
	v25 =	vadd.f32 v58, v30;
	v60 =	vmul.f32 v59, v59  }
0x410: {  	v21 =	vmul.f32 v21, v21;
	v22 =	vsub.f32 v55, v22;
	v18 =	vsub.f32 v18, v24  }
0x411: {  	v20 =	vadd.f32 v20, v23;
	v19 =	vmul.f32 v19, v19;
	v61 =	vadd.f32 v60, v25  }
0x412: {  	v22 =	vmul.f32 v22, v22  }
0x413: {  	v18 =	vmul.f32 v18, v18;
	v20 =	vadd.f32 v21, v20;
	v19 =	vadd.f32 v19, v61;
	_ =	sdelay $0x1  }
0x414: {  	v18 =	vadd.f32 v18, v20;
	v19 =	vadd.f32 v22, v19;
	_ =	sdelay $0x1  }
0x415: {  	v18 =	vadd.f32 v19, v18;
	_ =	sdelay $0x1  }
0x416: {  	v18 =	vmax.f32 v18, $1.000000000e-30  }
0x417: {  	v19 =	vshrl.u32 v18, $0x1;
	v62 =	vmul.f32 $5.000000000e-01, v18  }
0x418: {  	v19 =	vsub.s32 $0x5F3759DF, v19  }
0x419: {  	v63 =	vmul.f32 v19, v62;
	_ =	sdelay $0x1  }
0x41a: {  	v21 =	vmul.f32 v19, v63;
	_ =	sdelay $0x1  }
0x41b: {  	v21 =	vsub.f32 $1.500000000e+00, v21;
	_ =	sdelay $0x1  }
0x41c: {  	v19 =	vmul.f32 v19, v21;
	_ =	sdelay $0x1  }
0x41d: {  	v21 =	vmul.f32 v19, v62;
	_ =	sdelay $0x1  }
0x41e: {  	v21 =	vmul.f32 v21, v19;
	_ =	sdelay $0x1  }
0x41f: {  	v21 =	vsub.f32 $1.500000000e+00, v21;
	_ =	sdelay $0x1  }
0x420: {  	v19 =	vmul.f32 v21, v19;
	_ =	sdelay $0x1  }
0x421: {  	v20 =	vmul.f32 v19, v62;
	_ =	sdelay $0x1  }
0x422: {  	v20 =	vmul.f32 v20, v19;
	_ =	sdelay $0x1  }
0x423: {  	v20 =	vsub.f32 $1.500000000e+00, v20;
	_ =	sdelay $0x1  }
0x424: {  	v19 =	vmul.f32 v20, v19;
	_ =	sdelay $0x1  }
0x425: {  	v18 =	vmul.f32 v19, v18;
	v19 =	vld [tilespmem:s2+$0x8500];
	_ =	sdelay $0x1  }
0x426: {  	v18 =	vadd.f32 $-6.999999880e-01, v18;
	_ =	sdelay $0x1  }
0x427: {  	v17 =	vld.idx.msk [tilespmem:v17+s21+$0x0], $0xffff;
	v18 =	vmax.f32 v18, $0.0e+00  }
0x428: {  	s0 =	sadd.s32 $0x1, s0;
	v19 =	vmul.f32 v19, v18  }
0x429: {  	p3 =	sne.s32 s0, $0x10  }
.Ltmp7:
0x42a: {  	v18 =	vmul.f32 v19, v18;
	(pc) =	sbr.rel @p3 .LBB2_14-.Ltmp7, $3  }
0x42b: {  	_ = 	snop  }
0x42c: {  	v17 =	vmul.f32 v18, v17;
	_ =	sdelay $0x1  }
0x42d: {  	v14 =	vadd.f32 v17, v14  }
0x42e: {  	_ =	sdelay $0x2  }
0x42f: {  	_ =	strace $0x9000004C;
	s0 =	simm.s32 $0x0  }
0x430: {  	v16 =	vld.idx.msk [tilespmem:v11+s0+$0x0 ss:$0x1], $0xffff;
	_ =	sdelay $0x2  }
0x431: {  	v15 =	vperm.xlane v15, v0;
	s0 =	simm.s32 $0x9080  }
0x432: {  	v17 =	vld [tilespmem:s0+$0xFFFFFF80]  }
0x433: {  	v16 =	vmul.f32 v16, v15  }
0x434: {  	v18 =	vld [tilespmem:s0+$0xFFFFFF90]  }
0x435: {  	v19 =	vbroadcast v16, $0x0  }
0x436: {  	v20 =	vld [tilespmem:s0+$0xFFFFFFA0]  }
0x437: {  	v21 =	vbroadcast v16, $0x1;
	v17 =	vsub.f32 v17, v19  }
0x438: {  	v19 =	vld [tilespmem:s0+$0xFFFFFFB0]  }
0x439: {  	v22 =	vbroadcast v16, $0x2;
	v18 =	vsub.f32 v18, v21;
	v17 =	vmul.f32 v17, v17  }
0x43a: {  	v24 =	vld [tilespmem:s0+$0xFFFFFFC0];
	v23 =	vbroadcast v16, $0x3;
	v21 =	vimm.f32 $0.0e+00  }
0x43b: {  	v20 =	vsub.f32 v20, v22;
	v18 =	vmul.f32 v18, v18;
	v17 =	vadd.f32 v17, v21  }
0x43c: {  	v22 =	vld [tilespmem:s0+$0xFFFFFFD0];
	v21 =	vbroadcast v16, $0x4  }
0x43d: {  	v19 =	vsub.f32 v19, v23;
	v17 =	vadd.f32 v17, v18;
	v18 =	vmul.f32 v20, v20  }
0x43e: {  	v23 =	vld [tilespmem:s0+$0xFFFFFFE0];
	v20 =	vbroadcast v16, $0x5  }
0x43f: {  	v17 =	vadd.f32 v17, v18;
	v18 =	vmul.f32 v19, v19;
	v19 =	vsub.f32 v24, v21  }
0x440: {  	v21 =	vbroadcast v16, $0x6;
	v24 =	vld [tilespmem:s0+$0xFFFFFFF0]  }
0x441: {  	v17 =	vadd.f32 v17, v18;
	v18 =	vmul.f32 v19, v19;
	v19 =	vsub.f32 v22, v20;
	v22 =	vld [tilespmem:s0+$0x0]  }
0x442: {  	v20 =	vbroadcast v16, $0x7  }
0x443: {  	v17 =	vadd.f32 v17, v18;
	v18 =	vmul.f32 v19, v19;
	v19 =	vsub.f32 v23, v21  }
0x444: {  	v21 =	vbroadcast v16, $0x8;
	v23 =	vld [tilespmem:s0+$0x10]  }
0x445: {  	v17 =	vadd.f32 v17, v18;
	v18 =	vmul.f32 v19, v19;
	v19 =	vsub.f32 v24, v20  }
0x446: {  	v25 =	vld [tilespmem:s0+$0x20];
	v20 =	vsub.f32 v22, v21  }
0x447: {  	v21 =	vbroadcast v16, $0x9;
	v17 =	vadd.f32 v17, v18;
	v18 =	vmul.f32 v19, v19  }
0x448: {  	v22 =	vbroadcast v16, $0xA;
	v19 =	vld [tilespmem:s0+$0x30]  }
0x449: {  	v24 =	vsub.f32 v23, v21;
	v17 =	vadd.f32 v17, v18;
	v18 =	vmul.f32 v20, v20  }
0x44a: {  	v21 =	vbroadcast v16, $0xB;
	v20 =	vld [tilespmem:s0+$0x40]  }
0x44b: {  	s2 =	simm.s32 $0x10;
	v25 =	vsub.f32 v25, v22;
	v24 =	vmul.f32 v24, v24;
	v23 =	vadd.f32 v17, v18;
	v18 =	vld [tilespmem:s0+$0x50]  }
0x44c: {  	v22 =	vbroadcast v16, $0xC;
	v17 =	vld.idx.msk [tilespmem:v11+s2+$0x0 ss:$0x1], $0xffff;
	s2 =	simm.s32 $0x80  }
.LBB2_18:
0x44d: {  	p3 =	sne.s32 s2, $0xC0;
	v23 =	vadd.f32 v23, v24;
	v24 =	vmul.f32 v25, v25;
	v19 =	vsub.f32 v19, v21  }
0x44e: {  	v21 =	vbroadcast v16, $0xD;
	v25 =	vld [tilespmem:s0+$0x60]  }
0x44f: {  	v23 =	vadd.f32 v23, v24;
	v19 =	vmul.f32 v19, v19;
	v20 =	vsub.f32 v20, v22  }
0x450: {  	v22 =	vbroadcast v16, $0xE;
	v24 =	vld [tilespmem:s0+$0x70]  }
0x451: {  	v18 =	vsub.f32 v18, v21;
	s0 =	sadd.s32 $0x100, s0;
	v19 =	vadd.f32 v23, v19;
	v20 =	vmul.f32 v20, v20  }
0x452: {  	v23 =	vbroadcast v16, $0xF;
	v16 =	vmul.f32 v17, v15;
	v21 =	vld [tilespmem:s0+$0xFFFFFF80]  }
0x453: {  	v18 =	vmul.f32 v18, v18;
	v17 =	vadd.f32 v19, v20;
	v19 =	vsub.f32 v25, v22  }
0x454: {  	v20 =	vbroadcast v16, $0x0;
	v22 =	vld [tilespmem:s0+$0xFFFFFF90]  }
0x455: {  	v17 =	vadd.f32 v17, v18;
	v18 =	vmul.f32 v19, v19;
	v19 =	vsub.f32 v24, v23  }
0x456: {  	v23 =	vbroadcast v16, $0x1;
	v24 =	vld [tilespmem:s0+$0xFFFFFFA0]  }
0x457: {  	v20 =	vsub.f32 v21, v20;
	v17 =	vadd.f32 v17, v18;
	v18 =	vmul.f32 v19, v19  }
0x458: {  	v19 =	vbroadcast v16, $0x2;
	v21 =	vld [tilespmem:s0+$0xFFFFFFB0]  }
0x459: {  	v20 =	vmul.f32 v20, v20;
	v22 =	vsub.f32 v22, v23;
	v17 =	vadd.f32 v17, v18  }
0x45a: {  	v18 =	vbroadcast v16, $0x3;
	v23 =	vld [tilespmem:s0+$0xFFFFFFC0]  }
0x45b: {  	v17 =	vadd.f32 v20, v17;
	v20 =	vmul.f32 v22, v22;
	v19 =	vsub.f32 v24, v19  }
0x45c: {  	v22 =	vbroadcast v16, $0x4;
	v24 =	vld [tilespmem:s0+$0xFFFFFFD0]  }
0x45d: {  	v17 =	vadd.f32 v17, v20;
	v19 =	vmul.f32 v19, v19;
	v18 =	vsub.f32 v21, v18  }
0x45e: {  	v20 =	vbroadcast v16, $0x5;
	v21 =	vld [tilespmem:s0+$0xFFFFFFE0]  }
0x45f: {  	v17 =	vadd.f32 v17, v19;
	v18 =	vmul.f32 v18, v18;
	v19 =	vsub.f32 v23, v22  }
0x460: {  	v22 =	vbroadcast v16, $0x6;
	v23 =	vld [tilespmem:s0+$0xFFFFFFF0]  }
0x461: {  	v17 =	vadd.f32 v17, v18;
	v18 =	vmul.f32 v19, v19;
	v19 =	vsub.f32 v24, v20  }
0x462: {  	v20 =	vbroadcast v16, $0x7;
	v24 =	vld [tilespmem:s0+$0x0]  }
0x463: {  	v17 =	vadd.f32 v17, v18;
	v18 =	vmul.f32 v19, v19;
	v19 =	vsub.f32 v21, v22  }
0x464: {  	v21 =	vbroadcast v16, $0x8;
	v22 =	vld [tilespmem:s0+$0x10]  }
0x465: {  	v17 =	vadd.f32 v17, v18;
	v18 =	vmul.f32 v19, v19;
	v19 =	vsub.f32 v23, v20  }
0x466: {  	v20 =	vbroadcast v16, $0x9;
	v25 =	vld [tilespmem:s0+$0x20]  }
0x467: {  	v17 =	vadd.f32 v17, v18;
	v18 =	vmul.f32 v19, v19;
	v21 =	vsub.f32 v24, v21  }
.Ltmp8:
0x468: {  	v26 =	vbroadcast v16, $0xA;
	v19 =	vld [tilespmem:s0+$0x30];
	(pc) =	sbr.rel @p3 .LBB2_18-.Ltmp8, $4  }
0x469: {  	v17 =	vadd.f32 v17, v18;
	v18 =	vmul.f32 v21, v21;
	v22 =	vsub.f32 v22, v20  }
0x46a: {  	v21 =	vbroadcast v16, $0xB;
	v20 =	vld [tilespmem:s0+$0x40]  }
0x46b: {  	s6 =	sshra.s32 s2, $0x2;
	v23 =	vadd.f32 v17, v18;
	v24 =	vmul.f32 v22, v22;
	v25 =	vsub.f32 v25, v26;
	v18 =	vld [tilespmem:s0+$0x50]  }
0x46c: {  	s2 =	sadd.s32 $0x40, s2;
	v22 =	vbroadcast v16, $0xC;
	v17 =	vld.idx.msk [tilespmem:v11+s6+$0x0 ss:$0x1], $0xffff  }
0x46d: {  	v23 =	vadd.f32 v23, v24;
	v36 =	vmul.f32 v25, v25;
	v19 =	vsub.f32 v19, v21  }
0x46e: {  	v37 =	vbroadcast v16, $0xD;
	v38 =	vld [tilespmem:s0+$0x60]  }
0x46f: {  	v40 =	vld [tilespmem:s0+$0x70];
	v23 =	vadd.f32 v23, v36;
	v19 =	vmul.f32 v19, v19;
	v20 =	vsub.f32 v20, v22  }
0x470: {  	v39 =	vbroadcast v16, $0xE  }
0x471: {  	s28 =	sadd.s32 $0x100, s0;
	v18 =	vsub.f32 v18, v37;
	v19 =	vadd.f32 v23, v19;
	v20 =	vmul.f32 v20, v20  }
0x472: {  	v42 =	vbroadcast v16, $0xF;
	v41 =	vld [tilespmem:s28+$0xFFFFFF80];
	v15 =	vmul.f32 v17, v15  }
0x473: {  	v18 =	vmul.f32 v18, v18;
	v43 =	vsub.f32 v38, v39;
	v19 =	vadd.f32 v19, v20  }
0x474: {  	v45 =	vld [tilespmem:s28+$0xFFFFFF90];
	v16 =	vsub.f32 v40, v42  }
0x475: {  	v44 =	vbroadcast v15, $0x0;
	v46 =	vmul.f32 v43, v43;
	v18 =	vadd.f32 v19, v18  }
0x476: {  	v48 =	vld [tilespmem:s28+$0xFFFFFFA0];
	v47 =	vbroadcast v15, $0x1  }
0x477: {  	v16 =	vmul.f32 v16, v16;
	v17 =	vsub.f32 v41, v44;
	v18 =	vadd.f32 v18, v46  }
0x478: {  	v50 =	vld [tilespmem:s28+$0xFFFFFFB0];
	v49 =	vbroadcast v15, $0x2  }
0x479: {  	v20 =	vsub.f32 v45, v47;
	v17 =	vmul.f32 v17, v17;
	v16 =	vadd.f32 v18, v16  }
0x47a: {  	v52 =	vld [tilespmem:s28+$0xFFFFFFC0];
	v51 =	vbroadcast v15, $0x3  }
0x47b: {  	v19 =	vsub.f32 v48, v49;
	v53 =	vmul.f32 v20, v20;
	v16 =	vadd.f32 v17, v16  }
0x47c: {  	v55 =	vld [tilespmem:s28+$0xFFFFFFD0];
	v54 =	vbroadcast v15, $0x4  }
0x47d: {  	v56 =	vmul.f32 v19, v19;
	v18 =	vsub.f32 v50, v51;
	v16 =	vadd.f32 v16, v53  }
0x47e: {  	v58 =	vld [tilespmem:s28+$0xFFFFFFE0];
	v57 =	vbroadcast v15, $0x5  }
0x47f: {  	v60 =	vsub.f32 v52, v54;
	v59 =	vmul.f32 v18, v18;
	v16 =	vadd.f32 v16, v56  }
0x480: {  	v62 =	vld [tilespmem:s28+$0xFFFFFFF0];
	v61 =	vbroadcast v15, $0x6  }
0x481: {  	v24 =	vsub.f32 v55, v57;
	v63 =	vmul.f32 v60, v60;
	v16 =	vadd.f32 v16, v59  }
0x482: {  	v26 =	vld [tilespmem:s28+$0x0];
	v25 =	vbroadcast v15, $0x7  }
0x483: {  	v28 =	vsub.f32 v58, v61;
	v27 =	vmul.f32 v24, v24;
	v16 =	vadd.f32 v16, v63  }
0x484: {  	v30 =	vld [tilespmem:s28+$0x10];
	v29 =	vbroadcast v15, $0x8  }
0x485: {  	v32 =	vsub.f32 v62, v25;
	v31 =	vmul.f32 v28, v28;
	v16 =	vadd.f32 v16, v27  }
0x486: {  	v34 =	vld [tilespmem:s28+$0x20];
	v33 =	vbroadcast v15, $0x9  }
0x487: {  	v36 =	vsub.f32 v26, v29;
	v35 =	vmul.f32 v32, v32;
	v16 =	vadd.f32 v16, v31  }
0x488: {  	v38 =	vld [tilespmem:s28+$0x30];
	v37 =	vbroadcast v15, $0xA  }
0x489: {  	v42 =	vld [tilespmem:s28+$0x40];
	v40 =	vsub.f32 v30, v33;
	v39 =	vmul.f32 v36, v36;
	v16 =	vadd.f32 v16, v35  }
0x48a: {  	v41 =	vbroadcast v15, $0xB  }
0x48b: {  	v44 =	vsub.f32 v34, v37;
	v43 =	vmul.f32 v40, v40;
	v16 =	vadd.f32 v16, v39  }
0x48c: {  	v45 =	vld [tilespmem:s28+$0x50];
	v46 =	vbroadcast v15, $0xC  }
0x48d: {  	v47 =	vmul.f32 v44, v44;
	v48 =	vsub.f32 v38, v41;
	v16 =	vadd.f32 v16, v43  }
0x48e: {  	v50 =	vld [tilespmem:s28+$0x60];
	v52 =	vsub.f32 v42, v46  }
0x48f: {  	v49 =	vbroadcast v15, $0xD;
	v51 =	vmul.f32 v48, v48;
	v16 =	vadd.f32 v16, v47  }
0x490: {  	v54 =	vld [tilespmem:s28+$0x70];
	v55 =	vmul.f32 v52, v52  }
0x491: {  	v53 =	vbroadcast v15, $0xE;
	v56 =	vsub.f32 v45, v49;
	v16 =	vadd.f32 v16, v51  }
0x492: {  	v15 =	vbroadcast v15, $0xF  }
0x493: {  	v58 =	vsub.f32 v50, v53;
	v57 =	vmul.f32 v56, v56;
	v16 =	vadd.f32 v16, v55;
	_ =	sdelay $0x1  }
0x494: {  	v15 =	vsub.f32 v54, v15;
	v59 =	vmul.f32 v58, v58;
	v16 =	vadd.f32 v16, v57;
	_ =	sdelay $0x1  }
0x495: {  	v15 =	vmul.f32 v15, v15;
	v16 =	vadd.f32 v16, v59;
	_ =	sdelay $0x1  }
0x496: {  	v15 =	vadd.f32 v16, v15;
	_ =	sdelay $0x1  }
0x497: {  	v15 =	vmax.f32 v15, $1.000000000e-30  }
0x498: {  	v60 =	vshrl.u32 v15, $0x1;
	v61 =	vmul.f32 $5.000000000e-01, v15  }
0x499: {  	v16 =	vsub.s32 $0x5F3759DF, v60  }
0x49a: {  	v62 =	vmul.f32 v16, v61;
	_ =	sdelay $0x1  }
0x49b: {  	v18 =	vmul.f32 v16, v62;
	_ =	sdelay $0x1  }
0x49c: {  	v18 =	vsub.f32 $1.500000000e+00, v18;
	_ =	sdelay $0x1  }
0x49d: {  	v16 =	vmul.f32 v16, v18;
	_ =	sdelay $0x1  }
0x49e: {  	v18 =	vmul.f32 v16, v61;
	_ =	sdelay $0x1  }
0x49f: {  	v18 =	vmul.f32 v18, v16;
	_ =	sdelay $0x1  }
0x4a0: {  	v18 =	vsub.f32 $1.500000000e+00, v18  }
0x4a1: {  	(v2sf) =	vpush v13, $0xF  }
0x4a2: {  	v63 =	vmul.f32 v18, v16;
	_ =	sdelay $0x1  }
0x4a3: {  	v16 =	vmul.f32 v63, v61;
	_ =	sdelay $0x1  }
0x4a4: {  	v16 =	vmul.f32 v16, v63;
	_ =	sdelay $0x1  }
0x4a5: {  	v16 =	vsub.f32 $1.500000000e+00, v16;
	_ =	sdelay $0x1  }
0x4a6: {  	v13 =	vmul.f32 v16, v63;
	_ =	sdelay $0x1  }
0x4a7: {  	v13 =	vmul.f32 v13, v15;
	_ =	sdelay $0x1  }
0x4a8: {  	v13 =	vsub.f32 $1.500000000e+00, v13;
	_ =	sdelay $0x1  }
0x4a9: {  	s2 =	rddreg [dreg:$0x9];
	s29 =	spop (v2sf);
	v13 =	vmax.f32 v13, $0.0e+00  }
0x4aa: {  	p3 =	sgt.f32 s29, s2;
	v13 =	vmul.f32 v13, v13  }
0x4ab: {  	vm2 =	vmand vm2, vm1;
	s0 =	smov.u32 s22  }
0x4ac: {  	s0 =	simm.s32 @!p3 $0x0;
	v13 =	vnsel vm2, $0x0, v13  }
0x4ad: {  	v13 =	vmul.f32 s0, v13  }
0x4ae: {  	[tilespmem:$0x9410] =	vst v14  }
0x4af: {  	s30 =	simm.s32 $0x10;
	s31 =	simm.s32 $0x9660;
	s6 =	simm.s32 $0x9410;
	[tilespmem:$0x9420] =	vst v13  }
0x4b0: {  	[spmem:s3] =	stream.indirect.scatter.add.f32 [tilespmem:s6], [sflag:$0x2], $0x10, s31, s30, $0xb8;
	[tilespmem:$0x9700] =	vst v63  }
0x4b1: {  	_ =	swait.ge [sflag:s13], $0x100  }
0x4b2: {  	[sflag:s13] =	ssyncset.done $0x0  }
0x4b3: {  	[sflag:s13] =	ssyncadd.s32 $0xFFFFFF00  }
0x4b4: {  	s0 =	simm.s32 @!p2 $0x9510;
	[bflag:$0x0] =	sbarrier.arrive $0xFFFF  }
0x4b5: {  	[tilespmem:s0], [sflag:$0x2] =	stream.linear.gather @!p2 [spmem:s3], $0x100, $0x38;
	[tilespmem:$0x9700] =	vst v63  }
0x4b6: {  	s0 =	simm.s32 @!p2 $0x2  }
0x4b7: {  	_ =	swait.ge @!p2 [sflag:s0], $0x100  }
0x4b8: {  	[sflag:s0] =	ssyncset.done @!p2 $0x0  }
0x4b9: {  	[sflag:s0] =	ssyncadd.s32 @!p2 $0xFFFFFF00  }
0x4ba: {  	v13 =	vld @!p2 [tilespmem:$0x9510]  }
0x4bb: {  	v14 =	vld @!p2 [tilespmem:$0x9520]  }
0x4bc: {  	v12 =	vadd.f32 @!p2 $0.0e+00, v12;
	_ =	sdelay $0x1  }
0x4bd: {  	[tilespmem:$0x9690] =	vst @!p2 v12  }
0x4be: {  	[tilespmem:$0x9670] =	vst @!p2 v13  }
0x4bf: {  	s2 =	simm.s32 @!p2 $0x0;
	s6 =	simm.s32 @!p2 $0x9670;
	s7 =	rddreg [dreg:$0x2];
	[tilespmem:$0x9680] =	vst @!p2 v14  }
0x4c0: {  	[hbm4b:s7+s2] =	stream.linear.scatter @!p2 [tilespmem:s6], [sflag:$0x2], $0x30, $0x38;
	[tilespmem:$0x9700] =	vst v63  }
0x4c1: {  	_ =	swait.ge @!p2 [sflag:s0], $0x30  }
0x4c2: {  	[sflag:s0] =	ssyncset.done @!p2 $0x0  }
0x4c3: {  	[sflag:s0] =	ssyncadd.s32 @!p2 $0xFFFFFFD0;
	s0 =	simm.s32 @p1 $0x9510  }
0x4c4: {  	[tilespmem:s0], [sflag:$0x2] =	stream.linear.gather @p1 [spmem:s3], $0x100, $0x38;
	[tilespmem:$0x9700] =	vst v63  }
0x4c5: {  	s0 =	simm.s32 @p1 $0x2  }
0x4c6: {  	_ =	swait.ge @p1 [sflag:s0], $0x100  }
0x4c7: {  	[sflag:s0] =	ssyncset.done @p1 $0x0  }
0x4c8: {  	[sflag:s0] =	ssyncadd.s32 @p1 $0xFFFFFF00  }
0x4c9: {  	v12 =	vld @p1 [tilespmem:$0x9510]  }
0x4ca: {  	v13 =	vld @p1 [tilespmem:$0x9520];
	_ =	sdelay $0x2  }
0x4cb: {  	s26 =	sadd.s32 $0x1, s26  }
0x4cc: {  	p3 =	sne.s32 s26, s11;
	s2 =	simm.s32 @p1 $0x0;
	[tilespmem:$0x9670] =	vst @p1 v12  }
.Ltmp9:
0x4cd: {  	s6 =	simm.s32 @p1 $0x9670;
	s7 =	rddreg [dreg:$0xa];
	[tilespmem:$0x9680] =	vst @p1 v13;
	(pc) =	sbr.rel @p3 .LBB2_1-.Ltmp9, $4  }
0x4ce: {  	[hbm4b:s7+s2] =	stream.linear.scatter @p1 [tilespmem:s6], [sflag:$0x2], $0x20, $0x38;
	[tilespmem:$0x9700] =	vst v63  }
0x4cf: {  	_ =	swait.ge @p1 [sflag:s0], $0x20  }
0x4d0: {  	[sflag:s0] =	ssyncset.done @p1 $0x0  }
0x4d1: {  	[sflag:s0] =	ssyncadd.s32 @p1 $0xFFFFFFE0  }
0x4d2: {  	_ =	sfence.sel $0x180000  }
0x4d3: {  	[bflag:$0x0] =	sbarrier.arrive $0xFFFF  }
0x4d4: {  	_ =	strace $0x90000047  }
0x4d5: {  	[bflag:$0x2] =	sbarrier.arrive $0xFFFF  }
0x4d6: {  	s0 =	rddreg [dreg:$0x5]  }
0x4d7: {  	s0 =	sadd.s32 @!p0 $0x100000, s0  }
0x4d8: {  	[sflag:s0] =	ssyncadd.tile.s32 @!p0 $0x1;
	_ =	shalt  }
.Lfunc_end2:
_tile_overlayer_lowered:
.L_overlay_start_2:
0x4d9: {  	(tag) =	ssettag $0x2  }
0x4da: {  	s0 =	rddreg [dreg:$0x0];
	s2 =	stileid.u32  }
0x4db: {  	s1 =	rddreg [dreg:$0x1];
	p0 =	sne.s32 s2, $0x0  }
0x4dc: {  	s3 =	rddreg [dreg:$0x2];
	[bflag:$0x3] =	sbarrier.arrive $0xFFFF;
	s2 =	simm.s32 @!p0 $0x1C02  }
0x4dd: {  	[timem:s3], [sflag:s2] =	dma.local @!p0 [hbm:s0], s1  }
0x4de: {  	s0 =	simm.s32 @!p0 $0x2  }
0x4df: {  	_ =	swait.ge @!p0 [sflag:s0], s1  }
0x4e0: {  	s1 =	ssub.s32 @!p0 $0x0, s1;
	[sflag:s0] =	ssyncset.done @!p0 $0x0  }
0x4e1: {  	[sflag:s0] =	ssyncadd.s32 @!p0 s1  }
0x4e2: {  	[bflag:$0x3] =	sbarrier.arrive $0xFFFF  }
0x4e3: {  	_ =	shalt  }

</sc_bundles>
